<compile_context>
chip_gen: v7x
topology: tpu7x:2x2x1
jax: 0.10.2.dev20260603
libtpu: 0.0.44.dev20260713+nightly
codegen_flags: <defaults>
</compile_context>

<pallas_src>
import functools

import jax
import jax.numpy as jnp
from jax import lax
from jax.experimental import pallas as pl
from jax.experimental.pallas import tpu as pltpu
from jax.experimental.pallas import tpu_sc as plsc

_B = 16384
_CTX = 20
_D = 64
_TOT = 2 * _B
_NC, _NS = 2, 16
_NW = _NC * _NS
_PER_W = _TOT // _NW
_G = 128
_E = 32
_GPC = _E * _CTX // _G
_CHUNKS = _PER_W // _E
_DW = _D // 16
_LANES = 16
_ROWS = 199999


def _sc_gather_sum(u_idx, w_idx, tab2):
    mesh = plsc.VectorSubcoreMesh(core_axis_name="c", subcore_axis_name="s")

    @functools.partial(
        pl.kernel,
        compiler_params=pltpu.CompilerParams(use_tc_tiling_on_sc=False),
        out_type=jax.ShapeDtypeStruct((_TOT, 2 * _D), jnp.float32),
        mesh=mesh,
        scratch_types=[
            pltpu.VMEM((_CHUNKS * _GPC, _G), jnp.int32),
            pltpu.VMEM((_CHUNKS, _E), jnp.int32),
            pltpu.VMEM((_E * _CTX, _D), jnp.float32),
            pltpu.VMEM((_E * _CTX, _D), jnp.float32),
            pltpu.VMEM((_E, _D), jnp.float32),
            pltpu.VMEM((_E, _D), jnp.float32),
            pltpu.VMEM((_E, 2 * _D), jnp.float32),
            pltpu.VMEM((_E, 2 * _D), jnp.float32),
            pltpu.SemaphoreType.DMA,
            pltpu.SemaphoreType.DMA,
            pltpu.SemaphoreType.DMA,
            pltpu.SemaphoreType.DMA,
        ],
    )
    def k(uidx_hbm, widx_hbm, tab_hbm, out_hbm,
          uidx_v, widx_v, rows0, rows1, wrows0, wrows1, out0, out1,
          semg0, semg1, semo0, semo1):
        wid = lax.axis_index("s") * _NC + lax.axis_index("c")
        base = wid * _PER_W
        pltpu.sync_copy(uidx_hbm.at[wid], uidx_v)
        pltpu.sync_copy(widx_hbm.at[wid], widx_v)

        def issue(ck, rows_v, wrows_v, semg):
            for j in range(_GPC):
                pltpu.async_copy(
                    tab_hbm.at[uidx_v.at[ck * _GPC + j]],
                    rows_v.at[pl.ds(j * _G, _G)],
                    semg,
                )
            pltpu.async_copy(tab_hbm.at[widx_v.at[ck]], wrows_v, semg)

        def drain(rows_v, wrows_v, semg):
            pltpu.make_async_copy(
                tab_hbm.at[pl.ds(0, _E * _CTX)], rows_v, semg).wait()
            pltpu.make_async_copy(tab_hbm.at[pl.ds(0, _E)], wrows_v, semg).wait()

        def compute(rows_v, wrows_v, out_v):
            @pl.loop(0, _E)
            def _ex(e):
                r0 = e * _CTX
                for d in range(_DW):
                    sl = pl.ds(d * _LANES, _LANES)
                    acc = rows_v[r0, sl]
                    for c in range(1, _CTX):
                        acc = acc + rows_v[r0 + c, sl]
                    out_v[e, sl] = acc
                    out_v[e, pl.ds(_D + d * _LANES, _LANES)] = wrows_v[e, sl]

        def out_wait(out_v, semo):
            pltpu.make_async_copy(out_v, out_hbm.at[pl.ds(0, _E)], semo).wait()

        _H = _CHUNKS // 2
        issue(0, rows0, wrows0, semg0)

        @pl.loop(0, _H)
        def _pipe(kk):
            ck0 = 2 * kk
            issue(ck0 + 1, rows1, wrows1, semg1)
            drain(rows0, wrows0, semg0)

            @pl.when(kk > 0)
            def _():
                out_wait(out0, semo0)

            compute(rows0, wrows0, out0)
            pltpu.async_copy(out0, out_hbm.at[pl.ds(base + ck0 * _E, _E)], semo0)

            @pl.when(kk < _H - 1)
            def _():
                issue(ck0 + 2, rows0, wrows0, semg0)

            drain(rows1, wrows1, semg1)

            @pl.when(kk > 0)
            def _():
                out_wait(out1, semo1)

            compute(rows1, wrows1, out1)
            pltpu.async_copy(
                out1, out_hbm.at[pl.ds(base + (ck0 + 1) * _E, _E)], semo1)

        out_wait(out0, semo0)
        out_wait(out1, semo1)

    return k(u_idx, w_idx, tab2)


def _tc_loss(uw_emb):

    def body(x_ref, o_ref):
        u = x_ref[:, : _D]
        w = x_ref[:, _D:]
        s = jnp.sum(u * w, axis=1, keepdims=True)
        row = lax.broadcasted_iota(jnp.int32, (_TOT, 1), 0)
        z = jnp.where(row < _B, -s, s)
        o_ref[...] = jnp.sum(jax.nn.log_sigmoid(z)).reshape(1, 1)

    return pl.pallas_call(
        body,
        out_shape=jax.ShapeDtypeStruct((1, 1), jnp.float32),
    )(uw_emb)


def kernel(pos_u, pos_w, neg_u, neg_w, n, u_table, w_table):
    u_idx = (2 * jnp.concatenate(
        [pos_u.reshape(-1), neg_u.reshape(-1)]
    ).astype(jnp.int32)).reshape(_NW, _CHUNKS * _GPC, _G)
    w_idx = (2 * jnp.concatenate([pos_w, neg_w]).astype(jnp.int32)
             + 1).reshape(_NW, _CHUNKS, _E)
    comb = jnp.concatenate(
        [jnp.pad(u_table, ((0, 1), (0, 0))), jnp.pad(w_table, ((0, 1), (0, 0)))],
        axis=1,
    )
    tab2 = comb.reshape(2 * (_ROWS + 1), _D)
    uw_emb = _sc_gather_sum(u_idx, w_idx, tab2)
    loss = _tc_loss(uw_emb)[0, 0]
    return -1.0 * loss / n

# --- scband reference (transcript-rebuilt; emitter-appended) ---
"""Pipeline reference for scband-cbowmodel-47055661695578 (READ-ONLY COPY).

The authoritative reference and input builder live on the scoring server;
editing this copy changes nothing except your own understanding.
"""

import jax, jax.numpy as jnp
import numpy as np

EMB_SIZE = 100000
EMB_DIM = 64
ROWS = 2 * EMB_SIZE - 1
B = 16384
CTX = 20


def setup_inputs(seed: int = 0) -> dict:
    key = jax.random.key(seed)
    k1, k2, k3, k4, k5 = jax.random.split(key, 5)
    pos_u = jax.random.randint(k1, (B, CTX), 0, ROWS)
    pos_w = jax.random.randint(k2, (B,), 0, ROWS)
    neg_u = jax.random.randint(k3, (B, CTX), 0, ROWS)
    neg_w = jax.random.randint(k4, (B,), 0, ROWS)
    int_range = 0.5 / EMB_DIM
    u_table = jax.random.uniform(k5, (ROWS, EMB_DIM), minval=-int_range, maxval=int_range, dtype=jnp.float32)
    w_table = jnp.zeros((ROWS, EMB_DIM), dtype=jnp.float32)
    return {"pos_u": pos_u, "pos_w": pos_w, "neg_u": neg_u, "neg_w": neg_w, "n": B, "u_table": u_table, "w_table": w_table}


def reference(pos_u, pos_w, neg_u, neg_w, n, u_table, w_table):
    # compute_context_matrix: per-example gather of context embeddings, summed over the context axis
    pos_u_emb = jnp.take(u_table, pos_u, axis=0).sum(axis=1)  # [B, D]
    pos_w_emb = jnp.take(w_table, pos_w, axis=0)              # [B, D]
    neg_u_emb = jnp.take(u_table, neg_u, axis=0).sum(axis=1)  # [B, D]
    neg_w_emb = jnp.take(w_table, neg_w, axis=0)              # [B, D]

    score_1 = pos_u_emb * pos_w_emb
    score_2 = jnp.sum(score_1, axis=1)
    score_3 = jax.nn.log_sigmoid(-score_2)

    neg_score_1 = neg_u_emb * neg_w_emb
    neg_score_2 = jnp.sum(neg_score_1, axis=1)
    neg_score_3 = jax.nn.log_sigmoid(neg_score_2)

    loss = jnp.sum(score_3) + jnp.sum(neg_score_3)
    return -1.0 * loss / n

if __name__ == "__main__":
    import jax
    _d = setup_inputs()
    print(jax.jit(kernel)(*tuple(_d.values())))

</pallas_src>

<mosaic_0001>
#map = affine_map<(d0, d1) -> (0, 0, 0)>
#map1 = affine_map<(d0, d1) -> (0, 0)>
module attributes {stable_mosaic.version = 14 : i64} {
  func.func @k(%arg0: i32, %arg1: i32, %arg2: memref<32x160x128xi32, #tpu.memory_space<hbm>>, %arg3: memref<32x32x32xi32, #tpu.memory_space<hbm>>, %arg4: memref<400000x64xf32, #tpu.memory_space<hbm>>, %arg5: memref<32768x128xf32, #tpu.memory_space<hbm>>, %arg6: memref<160x128xi32, #tpu.memory_space<vmem>>, %arg7: memref<32x32xi32, #tpu.memory_space<vmem>>, %arg8: memref<640x64xf32, #tpu.memory_space<vmem>>, %arg9: memref<640x64xf32, #tpu.memory_space<vmem>>, %arg10: memref<32x64xf32, #tpu.memory_space<vmem>>, %arg11: memref<32x64xf32, #tpu.memory_space<vmem>>, %arg12: memref<32x128xf32, #tpu.memory_space<vmem>>, %arg13: memref<32x128xf32, #tpu.memory_space<vmem>>, %arg14: memref<!tpu.dma_semaphore, #tpu.memory_space<semaphore_mem>>, %arg15: memref<!tpu.dma_semaphore, #tpu.memory_space<semaphore_mem>>, %arg16: memref<!tpu.dma_semaphore, #tpu.memory_space<semaphore_mem>>, %arg17: memref<!tpu.dma_semaphore, #tpu.memory_space<semaphore_mem>>) attributes {dimension_semantics = [#tpu.dimension_semantics<core_parallel>, #tpu.dimension_semantics<subcore_parallel>], iteration_bounds = array<i64: 2, 16>, scalar_prefetch = 0 : i64, scratch_operands = 12 : i64, tpu.core_type = #tpu.core_type<sc_vector_subcore>, window_params = [{transform_indices = #map}, {transform_indices = #map}, {transform_indices = #map1}, {transform_indices = #map1}]} {
    %mul3A = arith.constant 2 : i32
    %mul3A_0 = arith.muli %arg1, %mul3A : i32
    %add3A = arith.addi %mul3A_0, %arg0 : i32
    %mul3A_1 = arith.constant 1024 : i32
    %mul3A_2 = arith.muli %add3A, %mul3A_1 : i32
    "tpu.region"() ({
      %run_scoped3A = tpu.sem_alloc : memref<!tpu.dma_semaphore, #tpu.memory_space<semaphore_mem>>
      %dma_start3A_74 = arith.constant 0 : i32
      %dma_start3A_75 = arith.constant 0 : i32
      %dma_start3A_76 = tpu.memref_slice %arg2[%add3A, %dma_start3A_74, %dma_start3A_75] : memref<32x160x128xi32, #tpu.memory_space<hbm>> -> memref<1x160x128xi32, #tpu.memory_space<hbm>>
      %dma_start3A_77 = tpu.memref_squeeze %dma_start3A_76 : memref<1x160x128xi32, #tpu.memory_space<hbm>> -> memref<160x128xi32, #tpu.memory_space<hbm>>
      %dma_start3A_78 = arith.constant 0 : i32
      %dma_start3A_79 = arith.constant 0 : i32
      %dma_start3A_80 = tpu.memref_slice %arg2[%add3A, %dma_start3A_78, %dma_start3A_79] : memref<32x160x128xi32, #tpu.memory_space<hbm>> -> memref<1x160x128xi32, #tpu.memory_space<hbm>>
      %dma_start3A_81 = tpu.memref_squeeze %dma_start3A_80 : memref<1x160x128xi32, #tpu.memory_space<hbm>> -> memref<160x128xi32, #tpu.memory_space<hbm>>
      tpu.enqueue_dma source(%dma_start3A_81 : memref<160x128xi32, #tpu.memory_space<hbm>>) target(%arg6 : memref<160x128xi32, #tpu.memory_space<vmem>>) target_semaphore(%run_scoped3A : memref<!tpu.dma_semaphore, #tpu.memory_space<semaphore_mem>>)
      %dma_wait3A_82 = arith.constant 0 : i32
      %dma_wait3A_83 = arith.constant 0 : i32
      %dma_wait3A_84 = tpu.memref_slice %arg2[%add3A, %dma_wait3A_82, %dma_wait3A_83] : memref<32x160x128xi32, #tpu.memory_space<hbm>> -> memref<1x160x128xi32, #tpu.memory_space<hbm>>
      %dma_wait3A_85 = tpu.memref_squeeze %dma_wait3A_84 : memref<1x160x128xi32, #tpu.memory_space<hbm>> -> memref<160x128xi32, #tpu.memory_space<hbm>>
      %dma_wait3A_86 = arith.constant 0 : i32
      %dma_wait3A_87 = arith.constant 0 : i32
      %dma_wait3A_88 = tpu.memref_slice %arg2[%add3A, %dma_wait3A_86, %dma_wait3A_87] : memref<32x160x128xi32, #tpu.memory_space<hbm>> -> memref<1x160x128xi32, #tpu.memory_space<hbm>>
      %dma_wait3A_89 = tpu.memref_squeeze %dma_wait3A_88 : memref<1x160x128xi32, #tpu.memory_space<hbm>> -> memref<160x128xi32, #tpu.memory_space<hbm>>
      tpu.wait_dma2 semaphore(%run_scoped3A : memref<!tpu.dma_semaphore, #tpu.memory_space<semaphore_mem>>) src(%dma_wait3A_89 : memref<160x128xi32, #tpu.memory_space<hbm>>) dst(%arg6 : memref<160x128xi32, #tpu.memory_space<vmem>>)
      tpu.yield
    }) : () -> ()
    "tpu.region"() ({
      %run_scoped3A = tpu.sem_alloc : memref<!tpu.dma_semaphore, #tpu.memory_space<semaphore_mem>>
      %dma_start3A_74 = arith.constant 0 : i32
      %dma_start3A_75 = arith.constant 0 : i32
      %dma_start3A_76 = tpu.memref_slice %arg3[%add3A, %dma_start3A_74, %dma_start3A_75] : memref<32x32x32xi32, #tpu.memory_space<hbm>> -> memref<1x32x32xi32, #tpu.memory_space<hbm>>
      %dma_start3A_77 = tpu.memref_squeeze %dma_start3A_76 : memref<1x32x32xi32, #tpu.memory_space<hbm>> -> memref<32x32xi32, #tpu.memory_space<hbm>>
      %dma_start3A_78 = arith.constant 0 : i32
      %dma_start3A_79 = arith.constant 0 : i32
      %dma_start3A_80 = tpu.memref_slice %arg3[%add3A, %dma_start3A_78, %dma_start3A_79] : memref<32x32x32xi32, #tpu.memory_space<hbm>> -> memref<1x32x32xi32, #tpu.memory_space<hbm>>
      %dma_start3A_81 = tpu.memref_squeeze %dma_start3A_80 : memref<1x32x32xi32, #tpu.memory_space<hbm>> -> memref<32x32xi32, #tpu.memory_space<hbm>>
      tpu.enqueue_dma source(%dma_start3A_81 : memref<32x32xi32, #tpu.memory_space<hbm>>) target(%arg7 : memref<32x32xi32, #tpu.memory_space<vmem>>) target_semaphore(%run_scoped3A : memref<!tpu.dma_semaphore, #tpu.memory_space<semaphore_mem>>)
      %dma_wait3A_82 = arith.constant 0 : i32
      %dma_wait3A_83 = arith.constant 0 : i32
      %dma_wait3A_84 = tpu.memref_slice %arg3[%add3A, %dma_wait3A_82, %dma_wait3A_83] : memref<32x32x32xi32, #tpu.memory_space<hbm>> -> memref<1x32x32xi32, #tpu.memory_space<hbm>>
      %dma_wait3A_85 = tpu.memref_squeeze %dma_wait3A_84 : memref<1x32x32xi32, #tpu.memory_space<hbm>> -> memref<32x32xi32, #tpu.memory_space<hbm>>
      %dma_wait3A_86 = arith.constant 0 : i32
      %dma_wait3A_87 = arith.constant 0 : i32
      %dma_wait3A_88 = tpu.memref_slice %arg3[%add3A, %dma_wait3A_86, %dma_wait3A_87] : memref<32x32x32xi32, #tpu.memory_space<hbm>> -> memref<1x32x32xi32, #tpu.memory_space<hbm>>
      %dma_wait3A_89 = tpu.memref_squeeze %dma_wait3A_88 : memref<1x32x32xi32, #tpu.memory_space<hbm>> -> memref<32x32xi32, #tpu.memory_space<hbm>>
      tpu.wait_dma2 semaphore(%run_scoped3A : memref<!tpu.dma_semaphore, #tpu.memory_space<semaphore_mem>>) src(%dma_wait3A_89 : memref<32x32xi32, #tpu.memory_space<hbm>>) dst(%arg7 : memref<32x32xi32, #tpu.memory_space<vmem>>)
      tpu.yield
    }) : () -> ()
    %dma_start3A = arith.constant 0 : i32
    %dma_start3A_3 = arith.constant 0 : i32
    %dma_start3A_4 = arith.constant 0 : i32
    %dma_start3A_5 = tpu.memref_slice %arg8[%dma_start3A_3, %dma_start3A_4] : memref<640x64xf32, #tpu.memory_space<vmem>> -> memref<128x64xf32, #tpu.memory_space<vmem>>
    %dma_start3A_6 = arith.constant 0 : i32
    %dma_start3A_7 = tpu.memref_slice %arg6[%dma_start3A, %dma_start3A_6] : memref<160x128xi32, #tpu.memory_space<vmem>> -> memref<1x128xi32, #tpu.memory_space<vmem>>
    %dma_start3A_8 = tpu.memref_squeeze %dma_start3A_7 : memref<1x128xi32, #tpu.memory_space<vmem>> -> memref<128xi32, #tpu.memory_space<vmem>>
    %dma_start3A_9 = arith.constant 0 : i32
    %dma_start3A_10 = arith.constant 0 : i32
    %dma_start3A_11 = tpu.memref_slice %arg4[%dma_start3A_9, %dma_start3A_10] : memref<400000x64xf32, #tpu.memory_space<hbm>> -> memref<400000x64xf32, #tpu.memory_space<hbm>>
    tpu.enqueue_indirect_dma source(%dma_start3A_11 : memref<400000x64xf32, #tpu.memory_space<hbm>>) target(%dma_start3A_5 : memref<128x64xf32, #tpu.memory_space<vmem>>) offsets(%dma_start3A_8 : memref<128xi32, #tpu.memory_space<vmem>>) semaphore(%arg14 : memref<!tpu.dma_semaphore, #tpu.memory_space<semaphore_mem>>)
    %dma_start3A_12 = arith.constant 1 : i32
    %dma_start3A_13 = arith.constant 128 : i32
    %dma_start3A_14 = arith.constant 0 : i32
    %dma_start3A_15 = tpu.memref_slice %arg8[%dma_start3A_13, %dma_start3A_14] : memref<640x64xf32, #tpu.memory_space<vmem>> -> memref<128x64xf32, #tpu.memory_space<vmem>>
    %dma_start3A_16 = arith.constant 0 : i32
    %dma_start3A_17 = tpu.memref_slice %arg6[%dma_start3A_12, %dma_start3A_16] : memref<160x128xi32, #tpu.memory_space<vmem>> -> memref<1x128xi32, #tpu.memory_space<vmem>>
    %dma_start3A_18 = tpu.memref_squeeze %dma_start3A_17 : memref<1x128xi32, #tpu.memory_space<vmem>> -> memref<128xi32, #tpu.memory_space<vmem>>
    %dma_start3A_19 = arith.constant 0 : i32
    %dma_start3A_20 = arith.constant 0 : i32
    %dma_start3A_21 = tpu.memref_slice %arg4[%dma_start3A_19, %dma_start3A_20] : memref<400000x64xf32, #tpu.memory_space<hbm>> -> memref<400000x64xf32, #tpu.memory_space<hbm>>
    tpu.enqueue_indirect_dma source(%dma_start3A_21 : memref<400000x64xf32, #tpu.memory_space<hbm>>) target(%dma_start3A_15 : memref<128x64xf32, #tpu.memory_space<vmem>>) offsets(%dma_start3A_18 : memref<128xi32, #tpu.memory_space<vmem>>) semaphore(%arg14 : memref<!tpu.dma_semaphore, #tpu.memory_space<semaphore_mem>>)
    %dma_start3A_22 = arith.constant 2 : i32
    %dma_start3A_23 = arith.constant 256 : i32
    %dma_start3A_24 = arith.constant 0 : i32
    %dma_start3A_25 = tpu.memref_slice %arg8[%dma_start3A_23, %dma_start3A_24] : memref<640x64xf32, #tpu.memory_space<vmem>> -> memref<128x64xf32, #tpu.memory_space<vmem>>
    %dma_start3A_26 = arith.constant 0 : i32
    %dma_start3A_27 = tpu.memref_slice %arg6[%dma_start3A_22, %dma_start3A_26] : memref<160x128xi32, #tpu.memory_space<vmem>> -> memref<1x128xi32, #tpu.memory_space<vmem>>
    %dma_start3A_28 = tpu.memref_squeeze %dma_start3A_27 : memref<1x128xi32, #tpu.memory_space<vmem>> -> memref<128xi32, #tpu.memory_space<vmem>>
    %dma_start3A_29 = arith.constant 0 : i32
    %dma_start3A_30 = arith.constant 0 : i32
    %dma_start3A_31 = tpu.memref_slice %arg4[%dma_start3A_29, %dma_start3A_30] : memref<400000x64xf32, #tpu.memory_space<hbm>> -> memref<400000x64xf32, #tpu.memory_space<hbm>>
    tpu.enqueue_indirect_dma source(%dma_start3A_31 : memref<400000x64xf32, #tpu.memory_space<hbm>>) target(%dma_start3A_25 : memref<128x64xf32, #tpu.memory_space<vmem>>) offsets(%dma_start3A_28 : memref<128xi32, #tpu.memory_space<vmem>>) semaphore(%arg14 : memref<!tpu.dma_semaphore, #tpu.memory_space<semaphore_mem>>)
    %dma_start3A_32 = arith.constant 3 : i32
    %dma_start3A_33 = arith.constant 384 : i32
    %dma_start3A_34 = arith.constant 0 : i32
    %dma_start3A_35 = tpu.memref_slice %arg8[%dma_start3A_33, %dma_start3A_34] : memref<640x64xf32, #tpu.memory_space<vmem>> -> memref<128x64xf32, #tpu.memory_space<vmem>>
    %dma_start3A_36 = arith.constant 0 : i32
    %dma_start3A_37 = tpu.memref_slice %arg6[%dma_start3A_32, %dma_start3A_36] : memref<160x128xi32, #tpu.memory_space<vmem>> -> memref<1x128xi32, #tpu.memory_space<vmem>>
    %dma_start3A_38 = tpu.memref_squeeze %dma_start3A_37 : memref<1x128xi32, #tpu.memory_space<vmem>> -> memref<128xi32, #tpu.memory_space<vmem>>
    %dma_start3A_39 = arith.constant 0 : i32
    %dma_start3A_40 = arith.constant 0 : i32
    %dma_start3A_41 = tpu.memref_slice %arg4[%dma_start3A_39, %dma_start3A_40] : memref<400000x64xf32, #tpu.memory_space<hbm>> -> memref<400000x64xf32, #tpu.memory_space<hbm>>
    tpu.enqueue_indirect_dma source(%dma_start3A_41 : memref<400000x64xf32, #tpu.memory_space<hbm>>) target(%dma_start3A_35 : memref<128x64xf32, #tpu.memory_space<vmem>>) offsets(%dma_start3A_38 : memref<128xi32, #tpu.memory_space<vmem>>) semaphore(%arg14 : memref<!tpu.dma_semaphore, #tpu.memory_space<semaphore_mem>>)
    %dma_start3A_42 = arith.constant 4 : i32
    %dma_start3A_43 = arith.constant 512 : i32
    %dma_start3A_44 = arith.constant 0 : i32
    %dma_start3A_45 = tpu.memref_slice %arg8[%dma_start3A_43, %dma_start3A_44] : memref<640x64xf32, #tpu.memory_space<vmem>> -> memref<128x64xf32, #tpu.memory_space<vmem>>
    %dma_start3A_46 = arith.constant 0 : i32
    %dma_start3A_47 = tpu.memref_slice %arg6[%dma_start3A_42, %dma_start3A_46] : memref<160x128xi32, #tpu.memory_space<vmem>> -> memref<1x128xi32, #tpu.memory_space<vmem>>
    %dma_start3A_48 = tpu.memref_squeeze %dma_start3A_47 : memref<1x128xi32, #tpu.memory_space<vmem>> -> memref<128xi32, #tpu.memory_space<vmem>>
    %dma_start3A_49 = arith.constant 0 : i32
    %dma_start3A_50 = arith.constant 0 : i32
    %dma_start3A_51 = tpu.memref_slice %arg4[%dma_start3A_49, %dma_start3A_50] : memref<400000x64xf32, #tpu.memory_space<hbm>> -> memref<400000x64xf32, #tpu.memory_space<hbm>>
    tpu.enqueue_indirect_dma source(%dma_start3A_51 : memref<400000x64xf32, #tpu.memory_space<hbm>>) target(%dma_start3A_45 : memref<128x64xf32, #tpu.memory_space<vmem>>) offsets(%dma_start3A_48 : memref<128xi32, #tpu.memory_space<vmem>>) semaphore(%arg14 : memref<!tpu.dma_semaphore, #tpu.memory_space<semaphore_mem>>)
    %dma_start3A_52 = arith.constant 0 : i32
    %dma_start3A_53 = arith.constant 0 : i32
    %dma_start3A_54 = tpu.memref_slice %arg7[%dma_start3A_52, %dma_start3A_53] : memref<32x32xi32, #tpu.memory_space<vmem>> -> memref<1x32xi32, #tpu.memory_space<vmem>>
    %dma_start3A_55 = tpu.memref_squeeze %dma_start3A_54 : memref<1x32xi32, #tpu.memory_space<vmem>> -> memref<32xi32, #tpu.memory_space<vmem>>
    %dma_start3A_56 = arith.constant 0 : i32
    %dma_start3A_57 = arith.constant 0 : i32
    %dma_start3A_58 = tpu.memref_slice %arg4[%dma_start3A_56, %dma_start3A_57] : memref<400000x64xf32, #tpu.memory_space<hbm>> -> memref<400000x64xf32, #tpu.memory_space<hbm>>
    tpu.enqueue_indirect_dma source(%dma_start3A_58 : memref<400000x64xf32, #tpu.memory_space<hbm>>) target(%arg10 : memref<32x64xf32, #tpu.memory_space<vmem>>) offsets(%dma_start3A_55 : memref<32xi32, #tpu.memory_space<vmem>>) semaphore(%arg14 : memref<!tpu.dma_semaphore, #tpu.memory_space<semaphore_mem>>)
    %scan3A = arith.constant 0 : i32
    %scan3A_59 = arith.constant 16 : i32
    %scan3A_60 = arith.addi %scan3A, %scan3A_59 : i32
    %scan3A_61 = arith.constant 1 : i32
    scf.for %scan3A_74 = %scan3A to %scan3A_60 step %scan3A_61  : i32 {
      %mul3A_75 = arith.constant 1 : i32
      %mul3A_76 = arith.muli %scan3A_74, %mul3A_75 : i32
      %add3A_77 = arith.constant 0 : i32
      %add3A_78 = arith.addi %add3A_77, %mul3A_76 : i32
      %mul3A_79 = arith.constant 2 : i32
      %mul3A_80 = arith.muli %mul3A_79, %add3A_78 : i32
      %add3A_81 = arith.constant 1 : i32
      %add3A_82 = arith.addi %mul3A_80, %add3A_81 : i32
      %mul3A_83 = arith.constant 5 : i32
      %mul3A_84 = arith.muli %add3A_82, %mul3A_83 : i32
      %add3A_85 = arith.constant 0 : i32
      %add3A_86 = arith.addi %mul3A_84, %add3A_85 : i32
      %dma_start3A_87 = arith.constant 0 : i32
      %dma_start3A_88 = arith.constant 0 : i32
      %dma_start3A_89 = tpu.memref_slice %arg9[%dma_start3A_87, %dma_start3A_88] : memref<640x64xf32, #tpu.memory_space<vmem>> -> memref<128x64xf32, #tpu.memory_space<vmem>>
      %dma_start3A_90 = arith.constant 0 : i32
      %dma_start3A_91 = tpu.memref_slice %arg6[%add3A_86, %dma_start3A_90] : memref<160x128xi32, #tpu.memory_space<vmem>> -> memref<1x128xi32, #tpu.memory_space<vmem>>
      %dma_start3A_92 = tpu.memref_squeeze %dma_start3A_91 : memref<1x128xi32, #tpu.memory_space<vmem>> -> memref<128xi32, #tpu.memory_space<vmem>>
      %dma_start3A_93 = arith.constant 0 : i32
      %dma_start3A_94 = arith.constant 0 : i32
      %dma_start3A_95 = tpu.memref_slice %arg4[%dma_start3A_93, %dma_start3A_94] : memref<400000x64xf32, #tpu.memory_space<hbm>> -> memref<400000x64xf32, #tpu.memory_space<hbm>>
      tpu.enqueue_indirect_dma source(%dma_start3A_95 : memref<400000x64xf32, #tpu.memory_space<hbm>>) target(%dma_start3A_89 : memref<128x64xf32, #tpu.memory_space<vmem>>) offsets(%dma_start3A_92 : memref<128xi32, #tpu.memory_space<vmem>>) semaphore(%arg15 : memref<!tpu.dma_semaphore, #tpu.memory_space<semaphore_mem>>)
      %mul3A_96 = arith.constant 5 : i32
      %mul3A_97 = arith.muli %add3A_82, %mul3A_96 : i32
      %add3A_98 = arith.constant 1 : i32
      %add3A_99 = arith.addi %mul3A_97, %add3A_98 : i32
      %dma_start3A_100 = arith.constant 128 : i32
      %dma_start3A_101 = arith.constant 0 : i32
      %dma_start3A_102 = tpu.memref_slice %arg9[%dma_start3A_100, %dma_start3A_101] : memref<640x64xf32, #tpu.memory_space<vmem>> -> memref<128x64xf32, #tpu.memory_space<vmem>>
      %dma_start3A_103 = arith.constant 0 : i32
      %dma_start3A_104 = tpu.memref_slice %arg6[%add3A_99, %dma_start3A_103] : memref<160x128xi32, #tpu.memory_space<vmem>> -> memref<1x128xi32, #tpu.memory_space<vmem>>
      %dma_start3A_105 = tpu.memref_squeeze %dma_start3A_104 : memref<1x128xi32, #tpu.memory_space<vmem>> -> memref<128xi32, #tpu.memory_space<vmem>>
      %dma_start3A_106 = arith.constant 0 : i32
      %dma_start3A_107 = arith.constant 0 : i32
      %dma_start3A_108 = tpu.memref_slice %arg4[%dma_start3A_106, %dma_start3A_107] : memref<400000x64xf32, #tpu.memory_space<hbm>> -> memref<400000x64xf32, #tpu.memory_space<hbm>>
      tpu.enqueue_indirect_dma source(%dma_start3A_108 : memref<400000x64xf32, #tpu.memory_space<hbm>>) target(%dma_start3A_102 : memref<128x64xf32, #tpu.memory_space<vmem>>) offsets(%dma_start3A_105 : memref<128xi32, #tpu.memory_space<vmem>>) semaphore(%arg15 : memref<!tpu.dma_semaphore, #tpu.memory_space<semaphore_mem>>)
      %mul3A_109 = arith.constant 5 : i32
      %mul3A_110 = arith.muli %add3A_82, %mul3A_109 : i32
      %add3A_111 = arith.constant 2 : i32
      %add3A_112 = arith.addi %mul3A_110, %add3A_111 : i32
      %dma_start3A_113 = arith.constant 256 : i32
      %dma_start3A_114 = arith.constant 0 : i32
      %dma_start3A_115 = tpu.memref_slice %arg9[%dma_start3A_113, %dma_start3A_114] : memref<640x64xf32, #tpu.memory_space<vmem>> -> memref<128x64xf32, #tpu.memory_space<vmem>>
      %dma_start3A_116 = arith.constant 0 : i32
      %dma_start3A_117 = tpu.memref_slice %arg6[%add3A_112, %dma_start3A_116] : memref<160x128xi32, #tpu.memory_space<vmem>> -> memref<1x128xi32, #tpu.memory_space<vmem>>
      %dma_start3A_118 = tpu.memref_squeeze %dma_start3A_117 : memref<1x128xi32, #tpu.memory_space<vmem>> -> memref<128xi32, #tpu.memory_space<vmem>>
      %dma_start3A_119 = arith.constant 0 : i32
      %dma_start3A_120 = arith.constant 0 : i32
      %dma_start3A_121 = tpu.memref_slice %arg4[%dma_start3A_119, %dma_start3A_120] : memref<400000x64xf32, #tpu.memory_space<hbm>> -> memref<400000x64xf32, #tpu.memory_space<hbm>>
      tpu.enqueue_indirect_dma source(%dma_start3A_121 : memref<400000x64xf32, #tpu.memory_space<hbm>>) target(%dma_start3A_115 : memref<128x64xf32, #tpu.memory_space<vmem>>) offsets(%dma_start3A_118 : memref<128xi32, #tpu.memory_space<vmem>>) semaphore(%arg15 : memref<!tpu.dma_semaphore, #tpu.memory_space<semaphore_mem>>)
      %mul3A_122 = arith.constant 5 : i32
      %mul3A_123 = arith.muli %add3A_82, %mul3A_122 : i32
      %add3A_124 = arith.constant 3 : i32
      %add3A_125 = arith.addi %mul3A_123, %add3A_124 : i32
      %dma_start3A_126 = arith.constant 384 : i32
      %dma_start3A_127 = arith.constant 0 : i32
      %dma_start3A_128 = tpu.memref_slice %arg9[%dma_start3A_126, %dma_start3A_127] : memref<640x64xf32, #tpu.memory_space<vmem>> -> memref<128x64xf32, #tpu.memory_space<vmem>>
      %dma_start3A_129 = arith.constant 0 : i32
      %dma_start3A_130 = tpu.memref_slice %arg6[%add3A_125, %dma_start3A_129] : memref<160x128xi32, #tpu.memory_space<vmem>> -> memref<1x128xi32, #tpu.memory_space<vmem>>
      %dma_start3A_131 = tpu.memref_squeeze %dma_start3A_130 : memref<1x128xi32, #tpu.memory_space<vmem>> -> memref<128xi32, #tpu.memory_space<vmem>>
      %dma_start3A_132 = arith.constant 0 : i32
      %dma_start3A_133 = arith.constant 0 : i32
      %dma_start3A_134 = tpu.memref_slice %arg4[%dma_start3A_132, %dma_start3A_133] : memref<400000x64xf32, #tpu.memory_space<hbm>> -> memref<400000x64xf32, #tpu.memory_space<hbm>>
      tpu.enqueue_indirect_dma source(%dma_start3A_134 : memref<400000x64xf32, #tpu.memory_space<hbm>>) target(%dma_start3A_128 : memref<128x64xf32, #tpu.memory_space<vmem>>) offsets(%dma_start3A_131 : memref<128xi32, #tpu.memory_space<vmem>>) semaphore(%arg15 : memref<!tpu.dma_semaphore, #tpu.memory_space<semaphore_mem>>)
      %mul3A_135 = arith.constant 5 : i32
      %mul3A_136 = arith.muli %add3A_82, %mul3A_135 : i32
      %add3A_137 = arith.constant 4 : i32
      %add3A_138 = arith.addi %mul3A_136, %add3A_137 : i32
      %dma_start3A_139 = arith.constant 512 : i32
      %dma_start3A_140 = arith.constant 0 : i32
      %dma_start3A_141 = tpu.memref_slice %arg9[%dma_start3A_139, %dma_start3A_140] : memref<640x64xf32, #tpu.memory_space<vmem>> -> memref<128x64xf32, #tpu.memory_space<vmem>>
      %dma_start3A_142 = arith.constant 0 : i32
      %dma_start3A_143 = tpu.memref_slice %arg6[%add3A_138, %dma_start3A_142] : memref<160x128xi32, #tpu.memory_space<vmem>> -> memref<1x128xi32, #tpu.memory_space<vmem>>
      %dma_start3A_144 = tpu.memref_squeeze %dma_start3A_143 : memref<1x128xi32, #tpu.memory_space<vmem>> -> memref<128xi32, #tpu.memory_space<vmem>>
      %dma_start3A_145 = arith.constant 0 : i32
      %dma_start3A_146 = arith.constant 0 : i32
      %dma_start3A_147 = tpu.memref_slice %arg4[%dma_start3A_145, %dma_start3A_146] : memref<400000x64xf32, #tpu.memory_space<hbm>> -> memref<400000x64xf32, #tpu.memory_space<hbm>>
      tpu.enqueue_indirect_dma source(%dma_start3A_147 : memref<400000x64xf32, #tpu.memory_space<hbm>>) target(%dma_start3A_141 : memref<128x64xf32, #tpu.memory_space<vmem>>) offsets(%dma_start3A_144 : memref<128xi32, #tpu.memory_space<vmem>>) semaphore(%arg15 : memref<!tpu.dma_semaphore, #tpu.memory_space<semaphore_mem>>)
      %dma_start3A_148 = arith.constant 0 : i32
      %dma_start3A_149 = tpu.memref_slice %arg7[%add3A_82, %dma_start3A_148] : memref<32x32xi32, #tpu.memory_space<vmem>> -> memref<1x32xi32, #tpu.memory_space<vmem>>
      %dma_start3A_150 = tpu.memref_squeeze %dma_start3A_149 : memref<1x32xi32, #tpu.memory_space<vmem>> -> memref<32xi32, #tpu.memory_space<vmem>>
      %dma_start3A_151 = arith.constant 0 : i32
      %dma_start3A_152 = arith.constant 0 : i32
      %dma_start3A_153 = tpu.memref_slice %arg4[%dma_start3A_151, %dma_start3A_152] : memref<400000x64xf32, #tpu.memory_space<hbm>> -> memref<400000x64xf32, #tpu.memory_space<hbm>>
      tpu.enqueue_indirect_dma source(%dma_start3A_153 : memref<400000x64xf32, #tpu.memory_space<hbm>>) target(%arg11 : memref<32x64xf32, #tpu.memory_space<vmem>>) offsets(%dma_start3A_150 : memref<32xi32, #tpu.memory_space<vmem>>) semaphore(%arg15 : memref<!tpu.dma_semaphore, #tpu.memory_space<semaphore_mem>>)
      %dma_wait3A_154 = arith.constant 0 : i32
      %dma_wait3A_155 = arith.constant 0 : i32
      %dma_wait3A_156 = tpu.memref_slice %arg4[%dma_wait3A_154, %dma_wait3A_155] : memref<400000x64xf32, #tpu.memory_space<hbm>> -> memref<640x64xf32, #tpu.memory_space<hbm>>
      %dma_wait3A_157 = arith.constant 0 : i32
      %dma_wait3A_158 = arith.constant 0 : i32
      %dma_wait3A_159 = tpu.memref_slice %arg4[%dma_wait3A_157, %dma_wait3A_158] : memref<400000x64xf32, #tpu.memory_space<hbm>> -> memref<640x64xf32, #tpu.memory_space<hbm>>
      tpu.wait_dma2 semaphore(%arg14 : memref<!tpu.dma_semaphore, #tpu.memory_space<semaphore_mem>>) src(%dma_wait3A_159 : memref<640x64xf32, #tpu.memory_space<hbm>>) dst(%arg8 : memref<640x64xf32, #tpu.memory_space<vmem>>)
      %dma_wait3A_160 = arith.constant 0 : i32
      %dma_wait3A_161 = arith.constant 0 : i32
      %dma_wait3A_162 = tpu.memref_slice %arg4[%dma_wait3A_160, %dma_wait3A_161] : memref<400000x64xf32, #tpu.memory_space<hbm>> -> memref<32x64xf32, #tpu.memory_space<hbm>>
      %dma_wait3A_163 = arith.constant 0 : i32
      %dma_wait3A_164 = arith.constant 0 : i32
      %dma_wait3A_165 = tpu.memref_slice %arg4[%dma_wait3A_163, %dma_wait3A_164] : memref<400000x64xf32, #tpu.memory_space<hbm>> -> memref<32x64xf32, #tpu.memory_space<hbm>>
      tpu.wait_dma2 semaphore(%arg14 : memref<!tpu.dma_semaphore, #tpu.memory_space<semaphore_mem>>) src(%dma_wait3A_165 : memref<32x64xf32, #tpu.memory_space<hbm>>) dst(%arg10 : memref<32x64xf32, #tpu.memory_space<vmem>>)
      %gt3A = arith.constant 0 : i32
      %gt3A_166 = arith.cmpi sgt, %add3A_78, %gt3A : i32
      %convert_element_type3A = arith.extui %gt3A_166 : i1 to i32
      %cond3A = arith.constant 0 : i32
      %cond3A_167 = arith.cmpi ne, %convert_element_type3A, %cond3A : i32
      scf.if %cond3A_167 {
        %dma_wait3A_215 = arith.constant 0 : i32
        %dma_wait3A_216 = arith.constant 0 : i32
        %dma_wait3A_217 = tpu.memref_slice %arg5[%dma_wait3A_215, %dma_wait3A_216] : memref<32768x128xf32, #tpu.memory_space<hbm>> -> memref<32x128xf32, #tpu.memory_space<hbm>>
        %dma_wait3A_218 = arith.constant 0 : i32
        %dma_wait3A_219 = arith.constant 0 : i32
        %dma_wait3A_220 = tpu.memref_slice %arg5[%dma_wait3A_218, %dma_wait3A_219] : memref<32768x128xf32, #tpu.memory_space<hbm>> -> memref<32x128xf32, #tpu.memory_space<hbm>>
        tpu.wait_dma2 semaphore(%arg16 : memref<!tpu.dma_semaphore, #tpu.memory_space<semaphore_mem>>) src(%arg12 : memref<32x128xf32, #tpu.memory_space<vmem>>) dst(%dma_wait3A_220 : memref<32x128xf32, #tpu.memory_space<hbm>>)
      } else {
      }
      %scan3A_168 = arith.constant 0 : i32
      %scan3A_169 = arith.constant 32 : i32
      %scan3A_170 = arith.addi %scan3A_168, %scan3A_169 : i32
      %scan3A_171 = arith.constant 1 : i32
      scf.for %scan3A_215 = %scan3A_168 to %scan3A_170 step %scan3A_171  : i32 {
        %mul3A_216 = arith.constant 1 : i32
        %mul3A_217 = arith.muli %scan3A_215, %mul3A_216 : i32
        %add3A_218 = arith.constant 0 : i32
        %add3A_219 = arith.addi %add3A_218, %mul3A_217 : i32
        %mul3A_220 = arith.constant 20 : i32
        %mul3A_221 = arith.muli %add3A_219, %mul3A_220 : i32
        %get3A = arith.index_cast %mul3A_221 : i32 to index
        %get3A_222 = arith.constant 0 : index
        %get3A_223 = tpu.vector_load %arg8[%get3A, %get3A_222] {strides = array<i32>} : memref<640x64xf32, #tpu.memory_space<vmem>>, vector<1x16xf32>,
        %get3A_224 = vector.shape_cast %get3A_223 : vector<1x16xf32> to vector<16xf32>
        %add3A_225 = arith.constant 1 : i32
        %add3A_226 = arith.addi %mul3A_221, %add3A_225 : i32
        %get3A_227 = arith.index_cast %add3A_226 : i32 to index
        %get3A_228 = arith.constant 0 : index
        %get3A_229 = tpu.vector_load %arg8[%get3A_227, %get3A_228] {strides = array<i32>} : memref<640x64xf32, #tpu.memory_space<vmem>>, vector<1x16xf32>,
        %get3A_230 = vector.shape_cast %get3A_229 : vector<1x16xf32> to vector<16xf32>
        %add3A_231 = arith.addf %get3A_224, %get3A_230 : vector<16xf32>
        %add3A_232 = arith.constant 2 : i32
        %add3A_233 = arith.addi %mul3A_221, %add3A_232 : i32
        %get3A_234 = arith.index_cast %add3A_233 : i32 to index
        %get3A_235 = arith.constant 0 : index
        %get3A_236 = tpu.vector_load %arg8[%get3A_234, %get3A_235] {strides = array<i32>} : memref<640x64xf32, #tpu.memory_space<vmem>>, vector<1x16xf32>,
        %get3A_237 = vector.shape_cast %get3A_236 : vector<1x16xf32> to vector<16xf32>
        %add3A_238 = arith.addf %add3A_231, %get3A_237 : vector<16xf32>
        %add3A_239 = arith.constant 3 : i32
        %add3A_240 = arith.addi %mul3A_221, %add3A_239 : i32
        %get3A_241 = arith.index_cast %add3A_240 : i32 to index
        %get3A_242 = arith.constant 0 : index
        %get3A_243 = tpu.vector_load %arg8[%get3A_241, %get3A_242] {strides = array<i32>} : memref<640x64xf32, #tpu.memory_space<vmem>>, vector<1x16xf32>,
        %get3A_244 = vector.shape_cast %get3A_243 : vector<1x16xf32> to vector<16xf32>
        %add3A_245 = arith.addf %add3A_238, %get3A_244 : vector<16xf32>
        %add3A_246 = arith.constant 4 : i32
        %add3A_247 = arith.addi %mul3A_221, %add3A_246 : i32
        %get3A_248 = arith.index_cast %add3A_247 : i32 to index
        %get3A_249 = arith.constant 0 : index
        %get3A_250 = tpu.vector_load %arg8[%get3A_248, %get3A_249] {strides = array<i32>} : memref<640x64xf32, #tpu.memory_space<vmem>>, vector<1x16xf32>,
        %get3A_251 = vector.shape_cast %get3A_250 : vector<1x16xf32> to vector<16xf32>
        %add3A_252 = arith.addf %add3A_245, %get3A_251 : vector<16xf32>
        %add3A_253 = arith.constant 5 : i32
        %add3A_254 = arith.addi %mul3A_221, %add3A_253 : i32
        %get3A_255 = arith.index_cast %add3A_254 : i32 to index
        %get3A_256 = arith.constant 0 : index
        %get3A_257 = tpu.vector_load %arg8[%get3A_255, %get3A_256] {strides = array<i32>} : memref<640x64xf32, #tpu.memory_space<vmem>>, vector<1x16xf32>,
        %get3A_258 = vector.shape_cast %get3A_257 : vector<1x16xf32> to vector<16xf32>
        %add3A_259 = arith.addf %add3A_252, %get3A_258 : vector<16xf32>
        %add3A_260 = arith.constant 6 : i32
        %add3A_261 = arith.addi %mul3A_221, %add3A_260 : i32
        %get3A_262 = arith.index_cast %add3A_261 : i32 to index
        %get3A_263 = arith.constant 0 : index
        %get3A_264 = tpu.vector_load %arg8[%get3A_262, %get3A_263] {strides = array<i32>} : memref<640x64xf32, #tpu.memory_space<vmem>>, vector<1x16xf32>,
        %get3A_265 = vector.shape_cast %get3A_264 : vector<1x16xf32> to vector<16xf32>
        %add3A_266 = arith.addf %add3A_259, %get3A_265 : vector<16xf32>
        %add3A_267 = arith.constant 7 : i32
        %add3A_268 = arith.addi %mul3A_221, %add3A_267 : i32
        %get3A_269 = arith.index_cast %add3A_268 : i32 to index
        %get3A_270 = arith.constant 0 : index
        %get3A_271 = tpu.vector_load %arg8[%get3A_269, %get3A_270] {strides = array<i32>} : memref<640x64xf32, #tpu.memory_space<vmem>>, vector<1x16xf32>,
        %get3A_272 = vector.shape_cast %get3A_271 : vector<1x16xf32> to vector<16xf32>
        %add3A_273 = arith.addf %add3A_266, %get3A_272 : vector<16xf32>
        %add3A_274 = arith.constant 8 : i32
        %add3A_275 = arith.addi %mul3A_221, %add3A_274 : i32
        %get3A_276 = arith.index_cast %add3A_275 : i32 to index
        %get3A_277 = arith.constant 0 : index
        %get3A_278 = tpu.vector_load %arg8[%get3A_276, %get3A_277] {strides = array<i32>} : memref<640x64xf32, #tpu.memory_space<vmem>>, vector<1x16xf32>,
        %get3A_279 = vector.shape_cast %get3A_278 : vector<1x16xf32> to vector<16xf32>
        %add3A_280 = arith.addf %add3A_273, %get3A_279 : vector<16xf32>
        %add3A_281 = arith.constant 9 : i32
        %add3A_282 = arith.addi %mul3A_221, %add3A_281 : i32
        %get3A_283 = arith.index_cast %add3A_282 : i32 to index
        %get3A_284 = arith.constant 0 : index
        %get3A_285 = tpu.vector_load %arg8[%get3A_283, %get3A_284] {strides = array<i32>} : memref<640x64xf32, #tpu.memory_space<vmem>>, vector<1x16xf32>,
        %get3A_286 = vector.shape_cast %get3A_285 : vector<1x16xf32> to vector<16xf32>
        %add3A_287 = arith.addf %add3A_280, %get3A_286 : vector<16xf32>
        %add3A_288 = arith.constant 10 : i32
        %add3A_289 = arith.addi %mul3A_221, %add3A_288 : i32
        %get3A_290 = arith.index_cast %add3A_289 : i32 to index
        %get3A_291 = arith.constant 0 : index
        %get3A_292 = tpu.vector_load %arg8[%get3A_290, %get3A_291] {strides = array<i32>} : memref<640x64xf32, #tpu.memory_space<vmem>>, vector<1x16xf32>,
        %get3A_293 = vector.shape_cast %get3A_292 : vector<1x16xf32> to vector<16xf32>
        %add3A_294 = arith.addf %add3A_287, %get3A_293 : vector<16xf32>
        %add3A_295 = arith.constant 11 : i32
        %add3A_296 = arith.addi %mul3A_221, %add3A_295 : i32
        %get3A_297 = arith.index_cast %add3A_296 : i32 to index
        %get3A_298 = arith.constant 0 : index
        %get3A_299 = tpu.vector_load %arg8[%get3A_297, %get3A_298] {strides = array<i32>} : memref<640x64xf32, #tpu.memory_space<vmem>>, vector<1x16xf32>,
        %get3A_300 = vector.shape_cast %get3A_299 : vector<1x16xf32> to vector<16xf32>
        %add3A_301 = arith.addf %add3A_294, %get3A_300 : vector<16xf32>
        %add3A_302 = arith.constant 12 : i32
        %add3A_303 = arith.addi %mul3A_221, %add3A_302 : i32
        %get3A_304 = arith.index_cast %add3A_303 : i32 to index
        %get3A_305 = arith.constant 0 : index
        %get3A_306 = tpu.vector_load %arg8[%get3A_304, %get3A_305] {strides = array<i32>} : memref<640x64xf32, #tpu.memory_space<vmem>>, vector<1x16xf32>,
        %get3A_307 = vector.shape_cast %get3A_306 : vector<1x16xf32> to vector<16xf32>
        %add3A_308 = arith.addf %add3A_301, %get3A_307 : vector<16xf32>
        %add3A_309 = arith.constant 13 : i32
        %add3A_310 = arith.addi %mul3A_221, %add3A_309 : i32
        %get3A_311 = arith.index_cast %add3A_310 : i32 to index
        %get3A_312 = arith.constant 0 : index
        %get3A_313 = tpu.vector_load %arg8[%get3A_311, %get3A_312] {strides = array<i32>} : memref<640x64xf32, #tpu.memory_space<vmem>>, vector<1x16xf32>,
        %get3A_314 = vector.shape_cast %get3A_313 : vector<1x16xf32> to vector<16xf32>
        %add3A_315 = arith.addf %add3A_308, %get3A_314 : vector<16xf32>
        %add3A_316 = arith.constant 14 : i32
        %add3A_317 = arith.addi %mul3A_221, %add3A_316 : i32
        %get3A_318 = arith.index_cast %add3A_317 : i32 to index
        %get3A_319 = arith.constant 0 : index
        %get3A_320 = tpu.vector_load %arg8[%get3A_318, %get3A_319] {strides = array<i32>} : memref<640x64xf32, #tpu.memory_space<vmem>>, vector<1x16xf32>,
        %get3A_321 = vector.shape_cast %get3A_320 : vector<1x16xf32> to vector<16xf32>
        %add3A_322 = arith.addf %add3A_315, %get3A_321 : vector<16xf32>
        %add3A_323 = arith.constant 15 : i32
        %add3A_324 = arith.addi %mul3A_221, %add3A_323 : i32
        %get3A_325 = arith.index_cast %add3A_324 : i32 to index
        %get3A_326 = arith.constant 0 : index
        %get3A_327 = tpu.vector_load %arg8[%get3A_325, %get3A_326] {strides = array<i32>} : memref<640x64xf32, #tpu.memory_space<vmem>>, vector<1x16xf32>,
        %get3A_328 = vector.shape_cast %get3A_327 : vector<1x16xf32> to vector<16xf32>
        %add3A_329 = arith.addf %add3A_322, %get3A_328 : vector<16xf32>
        %add3A_330 = arith.constant 16 : i32
        %add3A_331 = arith.addi %mul3A_221, %add3A_330 : i32
        %get3A_332 = arith.index_cast %add3A_331 : i32 to index
        %get3A_333 = arith.constant 0 : index
        %get3A_334 = tpu.vector_load %arg8[%get3A_332, %get3A_333] {strides = array<i32>} : memref<640x64xf32, #tpu.memory_space<vmem>>, vector<1x16xf32>,
        %get3A_335 = vector.shape_cast %get3A_334 : vector<1x16xf32> to vector<16xf32>
        %add3A_336 = arith.addf %add3A_329, %get3A_335 : vector<16xf32>
        %add3A_337 = arith.constant 17 : i32
        %add3A_338 = arith.addi %mul3A_221, %add3A_337 : i32
        %get3A_339 = arith.index_cast %add3A_338 : i32 to index
        %get3A_340 = arith.constant 0 : index
        %get3A_341 = tpu.vector_load %arg8[%get3A_339, %get3A_340] {strides = array<i32>} : memref<640x64xf32, #tpu.memory_space<vmem>>, vector<1x16xf32>,
        %get3A_342 = vector.shape_cast %get3A_341 : vector<1x16xf32> to vector<16xf32>
        %add3A_343 = arith.addf %add3A_336, %get3A_342 : vector<16xf32>
        %add3A_344 = arith.constant 18 : i32
        %add3A_345 = arith.addi %mul3A_221, %add3A_344 : i32
        %get3A_346 = arith.index_cast %add3A_345 : i32 to index
        %get3A_347 = arith.constant 0 : index
        %get3A_348 = tpu.vector_load %arg8[%get3A_346, %get3A_347] {strides = array<i32>} : memref<640x64xf32, #tpu.memory_space<vmem>>, vector<1x16xf32>,
        %get3A_349 = vector.shape_cast %get3A_348 : vector<1x16xf32> to vector<16xf32>
        %add3A_350 = arith.addf %add3A_343, %get3A_349 : vector<16xf32>
        %add3A_351 = arith.constant 19 : i32
        %add3A_352 = arith.addi %mul3A_221, %add3A_351 : i32
        %get3A_353 = arith.index_cast %add3A_352 : i32 to index
        %get3A_354 = arith.constant 0 : index
        %get3A_355 = tpu.vector_load %arg8[%get3A_353, %get3A_354] {strides = array<i32>} : memref<640x64xf32, #tpu.memory_space<vmem>>, vector<1x16xf32>,
        %get3A_356 = vector.shape_cast %get3A_355 : vector<1x16xf32> to vector<16xf32>
        %add3A_357 = arith.addf %add3A_350, %get3A_356 : vector<16xf32>
        %swap3A = arith.index_cast %add3A_219 : i32 to index
        %swap3A_358 = arith.constant 0 : index
        %swap3A_359 = tpu.vector_load %arg12[%swap3A, %swap3A_358] {strides = array<i32>} : memref<32x128xf32, #tpu.memory_space<vmem>>, vector<1x16xf32>,
        %swap3A_360 = vector.shape_cast %swap3A_359 : vector<1x16xf32> to vector<16xf32>
        %swap3A_361 = vector.shape_cast %add3A_357 : vector<16xf32> to vector<1x16xf32>
        tpu.vector_store %arg12[%swap3A, %swap3A_358], %swap3A_361 {strides = array<i32>} : memref<32x128xf32, #tpu.memory_space<vmem>>, vector<1x16xf32>,
        %get3A_362 = arith.index_cast %add3A_219 : i32 to index
        %get3A_363 = arith.constant 0 : index
        %get3A_364 = tpu.vector_load %arg10[%get3A_362, %get3A_363] {strides = array<i32>} : memref<32x64xf32, #tpu.memory_space<vmem>>, vector<1x16xf32>,
        %get3A_365 = vector.shape_cast %get3A_364 : vector<1x16xf32> to vector<16xf32>
        %swap3A_366 = arith.index_cast %add3A_219 : i32 to index
        %swap3A_367 = arith.constant 64 : index
        %swap3A_368 = tpu.vector_load %arg12[%swap3A_366, %swap3A_367] {strides = array<i32>} : memref<32x128xf32, #tpu.memory_space<vmem>>, vector<1x16xf32>,
        %swap3A_369 = vector.shape_cast %swap3A_368 : vector<1x16xf32> to vector<16xf32>
        %swap3A_370 = vector.shape_cast %get3A_365 : vector<16xf32> to vector<1x16xf32>
        tpu.vector_store %arg12[%swap3A_366, %swap3A_367], %swap3A_370 {strides = array<i32>} : memref<32x128xf32, #tpu.memory_space<vmem>>, vector<1x16xf32>,
        %get3A_371 = arith.index_cast %mul3A_221 : i32 to index
        %get3A_372 = arith.constant 16 : index
        %get3A_373 = tpu.vector_load %arg8[%get3A_371, %get3A_372] {strides = array<i32>} : memref<640x64xf32, #tpu.memory_space<vmem>>, vector<1x16xf32>,
        %get3A_374 = vector.shape_cast %get3A_373 : vector<1x16xf32> to vector<16xf32>
        %add3A_375 = arith.constant 1 : i32
        %add3A_376 = arith.addi %mul3A_221, %add3A_375 : i32
        %get3A_377 = arith.index_cast %add3A_376 : i32 to index
        %get3A_378 = arith.constant 16 : index
        %get3A_379 = tpu.vector_load %arg8[%get3A_377, %get3A_378] {strides = array<i32>} : memref<640x64xf32, #tpu.memory_space<vmem>>, vector<1x16xf32>,
        %get3A_380 = vector.shape_cast %get3A_379 : vector<1x16xf32> to vector<16xf32>
        %add3A_381 = arith.addf %get3A_374, %get3A_380 : vector<16xf32>
        %add3A_382 = arith.constant 2 : i32
        %add3A_383 = arith.addi %mul3A_221, %add3A_382 : i32
        %get3A_384 = arith.index_cast %add3A_383 : i32 to index
        %get3A_385 = arith.constant 16 : index
        %get3A_386 = tpu.vector_load %arg8[%get3A_384, %get3A_385] {strides = array<i32>} : memref<640x64xf32, #tpu.memory_space<vmem>>, vector<1x16xf32>,
        %get3A_387 = vector.shape_cast %get3A_386 : vector<1x16xf32> to vector<16xf32>
        %add3A_388 = arith.addf %add3A_381, %get3A_387 : vector<16xf32>
        %add3A_389 = arith.constant 3 : i32
        %add3A_390 = arith.addi %mul3A_221, %add3A_389 : i32
        %get3A_391 = arith.index_cast %add3A_390 : i32 to index
        %get3A_392 = arith.constant 16 : index
        %get3A_393 = tpu.vector_load %arg8[%get3A_391, %get3A_392] {strides = array<i32>} : memref<640x64xf32, #tpu.memory_space<vmem>>, vector<1x16xf32>,
        %get3A_394 = vector.shape_cast %get3A_393 : vector<1x16xf32> to vector<16xf32>
        %add3A_395 = arith.addf %add3A_388, %get3A_394 : vector<16xf32>
        %add3A_396 = arith.constant 4 : i32
        %add3A_397 = arith.addi %mul3A_221, %add3A_396 : i32
        %get3A_398 = arith.index_cast %add3A_397 : i32 to index
        %get3A_399 = arith.constant 16 : index
        %get3A_400 = tpu.vector_load %arg8[%get3A_398, %get3A_399] {strides = array<i32>} : memref<640x64xf32, #tpu.memory_space<vmem>>, vector<1x16xf32>,
        %get3A_401 = vector.shape_cast %get3A_400 : vector<1x16xf32> to vector<16xf32>
        %add3A_402 = arith.addf %add3A_395, %get3A_401 : vector<16xf32>
        %add3A_403 = arith.constant 5 : i32
        %add3A_404 = arith.addi %mul3A_221, %add3A_403 : i32
        %get3A_405 = arith.index_cast %add3A_404 : i32 to index
        %get3A_406 = arith.constant 16 : index
        %get3A_407 = tpu.vector_load %arg8[%get3A_405, %get3A_406] {strides = array<i32>} : memref<640x64xf32, #tpu.memory_space<vmem>>, vector<1x16xf32>,
        %get3A_408 = vector.shape_cast %get3A_407 : vector<1x16xf32> to vector<16xf32>
        %add3A_409 = arith.addf %add3A_402, %get3A_408 : vector<16xf32>
        %add3A_410 = arith.constant 6 : i32
        %add3A_411 = arith.addi %mul3A_221, %add3A_410 : i32
        %get3A_412 = arith.index_cast %add3A_411 : i32 to index
        %get3A_413 = arith.constant 16 : index
        %get3A_414 = tpu.vector_load %arg8[%get3A_412, %get3A_413] {strides = array<i32>} : memref<640x64xf32, #tpu.memory_space<vmem>>, vector<1x16xf32>,
        %get3A_415 = vector.shape_cast %get3A_414 : vector<1x16xf32> to vector<16xf32>
        %add3A_416 = arith.addf %add3A_409, %get3A_415 : vector<16xf32>
        %add3A_417 = arith.constant 7 : i32
        %add3A_418 = arith.addi %mul3A_221, %add3A_417 : i32
        %get3A_419 = arith.index_cast %add3A_418 : i32 to index
        %get3A_420 = arith.constant 16 : index
        %get3A_421 = tpu.vector_load %arg8[%get3A_419, %get3A_420] {strides = array<i32>} : memref<640x64xf32, #tpu.memory_space<vmem>>, vector<1x16xf32>,
        %get3A_422 = vector.shape_cast %get3A_421 : vector<1x16xf32> to vector<16xf32>
        %add3A_423 = arith.addf %add3A_416, %get3A_422 : vector<16xf32>
        %add3A_424 = arith.constant 8 : i32
        %add3A_425 = arith.addi %mul3A_221, %add3A_424 : i32
        %get3A_426 = arith.index_cast %add3A_425 : i32 to index
        %get3A_427 = arith.constant 16 : index
        %get3A_428 = tpu.vector_load %arg8[%get3A_426, %get3A_427] {strides = array<i32>} : memref<640x64xf32, #tpu.memory_space<vmem>>, vector<1x16xf32>,
        %get3A_429 = vector.shape_cast %get3A_428 : vector<1x16xf32> to vector<16xf32>
        %add3A_430 = arith.addf %add3A_423, %get3A_429 : vector<16xf32>
        %add3A_431 = arith.constant 9 : i32
        %add3A_432 = arith.addi %mul3A_221, %add3A_431 : i32
        %get3A_433 = arith.index_cast %add3A_432 : i32 to index
        %get3A_434 = arith.constant 16 : index
        %get3A_435 = tpu.vector_load %arg8[%get3A_433, %get3A_434] {strides = array<i32>} : memref<640x64xf32, #tpu.memory_space<vmem>>, vector<1x16xf32>,
        %get3A_436 = vector.shape_cast %get3A_435 : vector<1x16xf32> to vector<16xf32>
        %add3A_437 = arith.addf %add3A_430, %get3A_436 : vector<16xf32>
        %add3A_438 = arith.constant 10 : i32
        %add3A_439 = arith.addi %mul3A_221, %add3A_438 : i32
        %get3A_440 = arith.index_cast %add3A_439 : i32 to index
        %get3A_441 = arith.constant 16 : index
        %get3A_442 = tpu.vector_load %arg8[%get3A_440, %get3A_441] {strides = array<i32>} : memref<640x64xf32, #tpu.memory_space<vmem>>, vector<1x16xf32>,
        %get3A_443 = vector.shape_cast %get3A_442 : vector<1x16xf32> to vector<16xf32>
        %add3A_444 = arith.addf %add3A_437, %get3A_443 : vector<16xf32>
        %add3A_445 = arith.constant 11 : i32
        %add3A_446 = arith.addi %mul3A_221, %add3A_445 : i32
        %get3A_447 = arith.index_cast %add3A_446 : i32 to index
        %get3A_448 = arith.constant 16 : index
        %get3A_449 = tpu.vector_load %arg8[%get3A_447, %get3A_448] {strides = array<i32>} : memref<640x64xf32, #tpu.memory_space<vmem>>, vector<1x16xf32>,
        %get3A_450 = vector.shape_cast %get3A_449 : vector<1x16xf32> to vector<16xf32>
        %add3A_451 = arith.addf %add3A_444, %get3A_450 : vector<16xf32>
        %add3A_452 = arith.constant 12 : i32
        %add3A_453 = arith.addi %mul3A_221, %add3A_452 : i32
        %get3A_454 = arith.index_cast %add3A_453 : i32 to index
        %get3A_455 = arith.constant 16 : index
        %get3A_456 = tpu.vector_load %arg8[%get3A_454, %get3A_455] {strides = array<i32>} : memref<640x64xf32, #tpu.memory_space<vmem>>, vector<1x16xf32>,
        %get3A_457 = vector.shape_cast %get3A_456 : vector<1x16xf32> to vector<16xf32>
        %add3A_458 = arith.addf %add3A_451, %get3A_457 : vector<16xf32>
        %add3A_459 = arith.constant 13 : i32
        %add3A_460 = arith.addi %mul3A_221, %add3A_459 : i32
        %get3A_461 = arith.index_cast %add3A_460 : i32 to index
        %get3A_462 = arith.constant 16 : index
        %get3A_463 = tpu.vector_load %arg8[%get3A_461, %get3A_462] {strides = array<i32>} : memref<640x64xf32, #tpu.memory_space<vmem>>, vector<1x16xf32>,
        %get3A_464 = vector.shape_cast %get3A_463 : vector<1x16xf32> to vector<16xf32>
        %add3A_465 = arith.addf %add3A_458, %get3A_464 : vector<16xf32>
        %add3A_466 = arith.constant 14 : i32
        %add3A_467 = arith.addi %mul3A_221, %add3A_466 : i32
        %get3A_468 = arith.index_cast %add3A_467 : i32 to index
        %get3A_469 = arith.constant 16 : index
        %get3A_470 = tpu.vector_load %arg8[%get3A_468, %get3A_469] {strides = array<i32>} : memref<640x64xf32, #tpu.memory_space<vmem>>, vector<1x16xf32>,
        %get3A_471 = vector.shape_cast %get3A_470 : vector<1x16xf32> to vector<16xf32>
        %add3A_472 = arith.addf %add3A_465, %get3A_471 : vector<16xf32>
        %add3A_473 = arith.constant 15 : i32
        %add3A_474 = arith.addi %mul3A_221, %add3A_473 : i32
        %get3A_475 = arith.index_cast %add3A_474 : i32 to index
        %get3A_476 = arith.constant 16 : index
        %get3A_477 = tpu.vector_load %arg8[%get3A_475, %get3A_476] {strides = array<i32>} : memref<640x64xf32, #tpu.memory_space<vmem>>, vector<1x16xf32>,
        %get3A_478 = vector.shape_cast %get3A_477 : vector<1x16xf32> to vector<16xf32>
        %add3A_479 = arith.addf %add3A_472, %get3A_478 : vector<16xf32>
        %add3A_480 = arith.constant 16 : i32
        %add3A_481 = arith.addi %mul3A_221, %add3A_480 : i32
        %get3A_482 = arith.index_cast %add3A_481 : i32 to index
        %get3A_483 = arith.constant 16 : index
        %get3A_484 = tpu.vector_load %arg8[%get3A_482, %get3A_483] {strides = array<i32>} : memref<640x64xf32, #tpu.memory_space<vmem>>, vector<1x16xf32>,
        %get3A_485 = vector.shape_cast %get3A_484 : vector<1x16xf32> to vector<16xf32>
        %add3A_486 = arith.addf %add3A_479, %get3A_485 : vector<16xf32>
        %add3A_487 = arith.constant 17 : i32
        %add3A_488 = arith.addi %mul3A_221, %add3A_487 : i32
        %get3A_489 = arith.index_cast %add3A_488 : i32 to index
        %get3A_490 = arith.constant 16 : index
        %get3A_491 = tpu.vector_load %arg8[%get3A_489, %get3A_490] {strides = array<i32>} : memref<640x64xf32, #tpu.memory_space<vmem>>, vector<1x16xf32>,
        %get3A_492 = vector.shape_cast %get3A_491 : vector<1x16xf32> to vector<16xf32>
        %add3A_493 = arith.addf %add3A_486, %get3A_492 : vector<16xf32>
        %add3A_494 = arith.constant 18 : i32
        %add3A_495 = arith.addi %mul3A_221, %add3A_494 : i32
        %get3A_496 = arith.index_cast %add3A_495 : i32 to index
        %get3A_497 = arith.constant 16 : index
        %get3A_498 = tpu.vector_load %arg8[%get3A_496, %get3A_497] {strides = array<i32>} : memref<640x64xf32, #tpu.memory_space<vmem>>, vector<1x16xf32>,
        %get3A_499 = vector.shape_cast %get3A_498 : vector<1x16xf32> to vector<16xf32>
        %add3A_500 = arith.addf %add3A_493, %get3A_499 : vector<16xf32>
        %add3A_501 = arith.constant 19 : i32
        %add3A_502 = arith.addi %mul3A_221, %add3A_501 : i32
        %get3A_503 = arith.index_cast %add3A_502 : i32 to index
        %get3A_504 = arith.constant 16 : index
        %get3A_505 = tpu.vector_load %arg8[%get3A_503, %get3A_504] {strides = array<i32>} : memref<640x64xf32, #tpu.memory_space<vmem>>, vector<1x16xf32>,
        %get3A_506 = vector.shape_cast %get3A_505 : vector<1x16xf32> to vector<16xf32>
        %add3A_507 = arith.addf %add3A_500, %get3A_506 : vector<16xf32>
        %swap3A_508 = arith.index_cast %add3A_219 : i32 to index
        %swap3A_509 = arith.constant 16 : index
        %swap3A_510 = tpu.vector_load %arg12[%swap3A_508, %swap3A_509] {strides = array<i32>} : memref<32x128xf32, #tpu.memory_space<vmem>>, vector<1x16xf32>,
        %swap3A_511 = vector.shape_cast %swap3A_510 : vector<1x16xf32> to vector<16xf32>
        %swap3A_512 = vector.shape_cast %add3A_507 : vector<16xf32> to vector<1x16xf32>
        tpu.vector_store %arg12[%swap3A_508, %swap3A_509], %swap3A_512 {strides = array<i32>} : memref<32x128xf32, #tpu.memory_space<vmem>>, vector<1x16xf32>,
        %get3A_513 = arith.index_cast %add3A_219 : i32 to index
        %get3A_514 = arith.constant 16 : index
        %get3A_515 = tpu.vector_load %arg10[%get3A_513, %get3A_514] {strides = array<i32>} : memref<32x64xf32, #tpu.memory_space<vmem>>, vector<1x16xf32>,
        %get3A_516 = vector.shape_cast %get3A_515 : vector<1x16xf32> to vector<16xf32>
        %swap3A_517 = arith.index_cast %add3A_219 : i32 to index
        %swap3A_518 = arith.constant 80 : index
        %swap3A_519 = tpu.vector_load %arg12[%swap3A_517, %swap3A_518] {strides = array<i32>} : memref<32x128xf32, #tpu.memory_space<vmem>>, vector<1x16xf32>,
        %swap3A_520 = vector.shape_cast %swap3A_519 : vector<1x16xf32> to vector<16xf32>
        %swap3A_521 = vector.shape_cast %get3A_516 : vector<16xf32> to vector<1x16xf32>
        tpu.vector_store %arg12[%swap3A_517, %swap3A_518], %swap3A_521 {strides = array<i32>} : memref<32x128xf32, #tpu.memory_space<vmem>>, vector<1x16xf32>,
        %get3A_522 = arith.index_cast %mul3A_221 : i32 to index
        %get3A_523 = arith.constant 32 : index
        %get3A_524 = tpu.vector_load %arg8[%get3A_522, %get3A_523] {strides = array<i32>} : memref<640x64xf32, #tpu.memory_space<vmem>>, vector<1x16xf32>,
        %get3A_525 = vector.shape_cast %get3A_524 : vector<1x16xf32> to vector<16xf32>
        %add3A_526 = arith.constant 1 : i32
        %add3A_527 = arith.addi %mul3A_221, %add3A_526 : i32
        %get3A_528 = arith.index_cast %add3A_527 : i32 to index
        %get3A_529 = arith.constant 32 : index
        %get3A_530 = tpu.vector_load %arg8[%get3A_528, %get3A_529] {strides = array<i32>} : memref<640x64xf32, #tpu.memory_space<vmem>>, vector<1x16xf32>,
        %get3A_531 = vector.shape_cast %get3A_530 : vector<1x16xf32> to vector<16xf32>
        %add3A_532 = arith.addf %get3A_525, %get3A_531 : vector<16xf32>
        %add3A_533 = arith.constant 2 : i32
        %add3A_534 = arith.addi %mul3A_221, %add3A_533 : i32
        %get3A_535 = arith.index_cast %add3A_534 : i32 to index
        %get3A_536 = arith.constant 32 : index
        %get3A_537 = tpu.vector_load %arg8[%get3A_535, %get3A_536] {strides = array<i32>} : memref<640x64xf32, #tpu.memory_space<vmem>>, vector<1x16xf32>,
        %get3A_538 = vector.shape_cast %get3A_537 : vector<1x16xf32> to vector<16xf32>
        %add3A_539 = arith.addf %add3A_532, %get3A_538 : vector<16xf32>
        %add3A_540 = arith.constant 3 : i32
        %add3A_541 = arith.addi %mul3A_221, %add3A_540 : i32
        %get3A_542 = arith.index_cast %add3A_541 : i32 to index
        %get3A_543 = arith.constant 32 : index
        %get3A_544 = tpu.vector_load %arg8[%get3A_542, %get3A_543] {strides = array<i32>} : memref<640x64xf32, #tpu.memory_space<vmem>>, vector<1x16xf32>,
        %get3A_545 = vector.shape_cast %get3A_544 : vector<1x16xf32> to vector<16xf32>
        %add3A_546 = arith.addf %add3A_539, %get3A_545 : vector<16xf32>
        %add3A_547 = arith.constant 4 : i32
        %add3A_548 = arith.addi %mul3A_221, %add3A_547 : i32
        %get3A_549 = arith.index_cast %add3A_548 : i32 to index
        %get3A_550 = arith.constant 32 : index
        %get3A_551 = tpu.vector_load %arg8[%get3A_549, %get3A_550] {strides = array<i32>} : memref<640x64xf32, #tpu.memory_space<vmem>>, vector<1x16xf32>,
        %get3A_552 = vector.shape_cast %get3A_551 : vector<1x16xf32> to vector<16xf32>
        %add3A_553 = arith.addf %add3A_546, %get3A_552 : vector<16xf32>
        %add3A_554 = arith.constant 5 : i32
        %add3A_555 = arith.addi %mul3A_221, %add3A_554 : i32
        %get3A_556 = arith.index_cast %add3A_555 : i32 to index
        %get3A_557 = arith.constant 32 : index
        %get3A_558 = tpu.vector_load %arg8[%get3A_556, %get3A_557] {strides = array<i32>} : memref<640x64xf32, #tpu.memory_space<vmem>>, vector<1x16xf32>,
        %get3A_559 = vector.shape_cast %get3A_558 : vector<1x16xf32> to vector<16xf32>
        %add3A_560 = arith.addf %add3A_553, %get3A_559 : vector<16xf32>
        %add3A_561 = arith.constant 6 : i32
        %add3A_562 = arith.addi %mul3A_221, %add3A_561 : i32
        %get3A_563 = arith.index_cast %add3A_562 : i32 to index
        %get3A_564 = arith.constant 32 : index
        %get3A_565 = tpu.vector_load %arg8[%get3A_563, %get3A_564] {strides = array<i32>} : memref<640x64xf32, #tpu.memory_space<vmem>>, vector<1x16xf32>,
        %get3A_566 = vector.shape_cast %get3A_565 : vector<1x16xf32> to vector<16xf32>
        %add3A_567 = arith.addf %add3A_560, %get3A_566 : vector<16xf32>
        %add3A_568 = arith.constant 7 : i32
        %add3A_569 = arith.addi %mul3A_221, %add3A_568 : i32
        %get3A_570 = arith.index_cast %add3A_569 : i32 to index
        %get3A_571 = arith.constant 32 : index
        %get3A_572 = tpu.vector_load %arg8[%get3A_570, %get3A_571] {strides = array<i32>} : memref<640x64xf32, #tpu.memory_space<vmem>>, vector<1x16xf32>,
        %get3A_573 = vector.shape_cast %get3A_572 : vector<1x16xf32> to vector<16xf32>
        %add3A_574 = arith.addf %add3A_567, %get3A_573 : vector<16xf32>
        %add3A_575 = arith.constant 8 : i32
        %add3A_576 = arith.addi %mul3A_221, %add3A_575 : i32
        %get3A_577 = arith.index_cast %add3A_576 : i32 to index
        %get3A_578 = arith.constant 32 : index
        %get3A_579 = tpu.vector_load %arg8[%get3A_577, %get3A_578] {strides = array<i32>} : memref<640x64xf32, #tpu.memory_space<vmem>>, vector<1x16xf32>,
        %get3A_580 = vector.shape_cast %get3A_579 : vector<1x16xf32> to vector<16xf32>
        %add3A_581 = arith.addf %add3A_574, %get3A_580 : vector<16xf32>
        %add3A_582 = arith.constant 9 : i32
        %add3A_583 = arith.addi %mul3A_221, %add3A_582 : i32
        %get3A_584 = arith.index_cast %add3A_583 : i32 to index
        %get3A_585 = arith.constant 32 : index
        %get3A_586 = tpu.vector_load %arg8[%get3A_584, %get3A_585] {strides = array<i32>} : memref<640x64xf32, #tpu.memory_space<vmem>>, vector<1x16xf32>,
        %get3A_587 = vector.shape_cast %get3A_586 : vector<1x16xf32> to vector<16xf32>
        %add3A_588 = arith.addf %add3A_581, %get3A_587 : vector<16xf32>
        %add3A_589 = arith.constant 10 : i32
        %add3A_590 = arith.addi %mul3A_221, %add3A_589 : i32
        %get3A_591 = arith.index_cast %add3A_590 : i32 to index
        %get3A_592 = arith.constant 32 : index
        %get3A_593 = tpu.vector_load %arg8[%get3A_591, %get3A_592] {strides = array<i32>} : memref<640x64xf32, #tpu.memory_space<vmem>>, vector<1x16xf32>,
        %get3A_594 = vector.shape_cast %get3A_593 : vector<1x16xf32> to vector<16xf32>
        %add3A_595 = arith.addf %add3A_588, %get3A_594 : vector<16xf32>
        %add3A_596 = arith.constant 11 : i32
        %add3A_597 = arith.addi %mul3A_221, %add3A_596 : i32
        %get3A_598 = arith.index_cast %add3A_597 : i32 to index
        %get3A_599 = arith.constant 32 : index
        %get3A_600 = tpu.vector_load %arg8[%get3A_598, %get3A_599] {strides = array<i32>} : memref<640x64xf32, #tpu.memory_space<vmem>>, vector<1x16xf32>,
        %get3A_601 = vector.shape_cast %get3A_600 : vector<1x16xf32> to vector<16xf32>
        %add3A_602 = arith.addf %add3A_595, %get3A_601 : vector<16xf32>
        %add3A_603 = arith.constant 12 : i32
        %add3A_604 = arith.addi %mul3A_221, %add3A_603 : i32
        %get3A_605 = arith.index_cast %add3A_604 : i32 to index
        %get3A_606 = arith.constant 32 : index
        %get3A_607 = tpu.vector_load %arg8[%get3A_605, %get3A_606] {strides = array<i32>} : memref<640x64xf32, #tpu.memory_space<vmem>>, vector<1x16xf32>,
        %get3A_608 = vector.shape_cast %get3A_607 : vector<1x16xf32> to vector<16xf32>
        %add3A_609 = arith.addf %add3A_602, %get3A_608 : vector<16xf32>
        %add3A_610 = arith.constant 13 : i32
        %add3A_611 = arith.addi %mul3A_221, %add3A_610 : i32
        %get3A_612 = arith.index_cast %add3A_611 : i32 to index
        %get3A_613 = arith.constant 32 : index
        %get3A_614 = tpu.vector_load %arg8[%get3A_612, %get3A_613] {strides = array<i32>} : memref<640x64xf32, #tpu.memory_space<vmem>>, vector<1x16xf32>,
        %get3A_615 = vector.shape_cast %get3A_614 : vector<1x16xf32> to vector<16xf32>
        %add3A_616 = arith.addf %add3A_609, %get3A_615 : vector<16xf32>
        %add3A_617 = arith.constant 14 : i32
        %add3A_618 = arith.addi %mul3A_221, %add3A_617 : i32
        %get3A_619 = arith.index_cast %add3A_618 : i32 to index
        %get3A_620 = arith.constant 32 : index
        %get3A_621 = tpu.vector_load %arg8[%get3A_619, %get3A_620] {strides = array<i32>} : memref<640x64xf32, #tpu.memory_space<vmem>>, vector<1x16xf32>,
        %get3A_622 = vector.shape_cast %get3A_621 : vector<1x16xf32> to vector<16xf32>
        %add3A_623 = arith.addf %add3A_616, %get3A_622 : vector<16xf32>
        %add3A_624 = arith.constant 15 : i32
        %add3A_625 = arith.addi %mul3A_221, %add3A_624 : i32
        %get3A_626 = arith.index_cast %add3A_625 : i32 to index
        %get3A_627 = arith.constant 32 : index
        %get3A_628 = tpu.vector_load %arg8[%get3A_626, %get3A_627] {strides = array<i32>} : memref<640x64xf32, #tpu.memory_space<vmem>>, vector<1x16xf32>,
        %get3A_629 = vector.shape_cast %get3A_628 : vector<1x16xf32> to vector<16xf32>
        %add3A_630 = arith.addf %add3A_623, %get3A_629 : vector<16xf32>
        %add3A_631 = arith.constant 16 : i32
        %add3A_632 = arith.addi %mul3A_221, %add3A_631 : i32
        %get3A_633 = arith.index_cast %add3A_632 : i32 to index
        %get3A_634 = arith.constant 32 : index
        %get3A_635 = tpu.vector_load %arg8[%get3A_633, %get3A_634] {strides = array<i32>} : memref<640x64xf32, #tpu.memory_space<vmem>>, vector<1x16xf32>,
        %get3A_636 = vector.shape_cast %get3A_635 : vector<1x16xf32> to vector<16xf32>
        %add3A_637 = arith.addf %add3A_630, %get3A_636 : vector<16xf32>
        %add3A_638 = arith.constant 17 : i32
        %add3A_639 = arith.addi %mul3A_221, %add3A_638 : i32
        %get3A_640 = arith.index_cast %add3A_639 : i32 to index
        %get3A_641 = arith.constant 32 : index
        %get3A_642 = tpu.vector_load %arg8[%get3A_640, %get3A_641] {strides = array<i32>} : memref<640x64xf32, #tpu.memory_space<vmem>>, vector<1x16xf32>,
        %get3A_643 = vector.shape_cast %get3A_642 : vector<1x16xf32> to vector<16xf32>
        %add3A_644 = arith.addf %add3A_637, %get3A_643 : vector<16xf32>
        %add3A_645 = arith.constant 18 : i32
        %add3A_646 = arith.addi %mul3A_221, %add3A_645 : i32
        %get3A_647 = arith.index_cast %add3A_646 : i32 to index
        %get3A_648 = arith.constant 32 : index
        %get3A_649 = tpu.vector_load %arg8[%get3A_647, %get3A_648] {strides = array<i32>} : memref<640x64xf32, #tpu.memory_space<vmem>>, vector<1x16xf32>,
        %get3A_650 = vector.shape_cast %get3A_649 : vector<1x16xf32> to vector<16xf32>
        %add3A_651 = arith.addf %add3A_644, %get3A_650 : vector<16xf32>
        %add3A_652 = arith.constant 19 : i32
        %add3A_653 = arith.addi %mul3A_221, %add3A_652 : i32
        %get3A_654 = arith.index_cast %add3A_653 : i32 to index
        %get3A_655 = arith.constant 32 : index
        %get3A_656 = tpu.vector_load %arg8[%get3A_654, %get3A_655] {strides = array<i32>} : memref<640x64xf32, #tpu.memory_space<vmem>>, vector<1x16xf32>,
        %get3A_657 = vector.shape_cast %get3A_656 : vector<1x16xf32> to vector<16xf32>
        %add3A_658 = arith.addf %add3A_651, %get3A_657 : vector<16xf32>
        %swap3A_659 = arith.index_cast %add3A_219 : i32 to index
        %swap3A_660 = arith.constant 32 : index
        %swap3A_661 = tpu.vector_load %arg12[%swap3A_659, %swap3A_660] {strides = array<i32>} : memref<32x128xf32, #tpu.memory_space<vmem>>, vector<1x16xf32>,
        %swap3A_662 = vector.shape_cast %swap3A_661 : vector<1x16xf32> to vector<16xf32>
        %swap3A_663 = vector.shape_cast %add3A_658 : vector<16xf32> to vector<1x16xf32>
        tpu.vector_store %arg12[%swap3A_659, %swap3A_660], %swap3A_663 {strides = array<i32>} : memref<32x128xf32, #tpu.memory_space<vmem>>, vector<1x16xf32>,
        %get3A_664 = arith.index_cast %add3A_219 : i32 to index
        %get3A_665 = arith.constant 32 : index
        %get3A_666 = tpu.vector_load %arg10[%get3A_664, %get3A_665] {strides = array<i32>} : memref<32x64xf32, #tpu.memory_space<vmem>>, vector<1x16xf32>,
        %get3A_667 = vector.shape_cast %get3A_666 : vector<1x16xf32> to vector<16xf32>
        %swap3A_668 = arith.index_cast %add3A_219 : i32 to index
        %swap3A_669 = arith.constant 96 : index
        %swap3A_670 = tpu.vector_load %arg12[%swap3A_668, %swap3A_669] {strides = array<i32>} : memref<32x128xf32, #tpu.memory_space<vmem>>, vector<1x16xf32>,
        %swap3A_671 = vector.shape_cast %swap3A_670 : vector<1x16xf32> to vector<16xf32>
        %swap3A_672 = vector.shape_cast %get3A_667 : vector<16xf32> to vector<1x16xf32>
        tpu.vector_store %arg12[%swap3A_668, %swap3A_669], %swap3A_672 {strides = array<i32>} : memref<32x128xf32, #tpu.memory_space<vmem>>, vector<1x16xf32>,
        %get3A_673 = arith.index_cast %mul3A_221 : i32 to index
        %get3A_674 = arith.constant 48 : index
        %get3A_675 = tpu.vector_load %arg8[%get3A_673, %get3A_674] {strides = array<i32>} : memref<640x64xf32, #tpu.memory_space<vmem>>, vector<1x16xf32>,
        %get3A_676 = vector.shape_cast %get3A_675 : vector<1x16xf32> to vector<16xf32>
        %add3A_677 = arith.constant 1 : i32
        %add3A_678 = arith.addi %mul3A_221, %add3A_677 : i32
        %get3A_679 = arith.index_cast %add3A_678 : i32 to index
        %get3A_680 = arith.constant 48 : index
        %get3A_681 = tpu.vector_load %arg8[%get3A_679, %get3A_680] {strides = array<i32>} : memref<640x64xf32, #tpu.memory_space<vmem>>, vector<1x16xf32>,
        %get3A_682 = vector.shape_cast %get3A_681 : vector<1x16xf32> to vector<16xf32>
        %add3A_683 = arith.addf %get3A_676, %get3A_682 : vector<16xf32>
        %add3A_684 = arith.constant 2 : i32
        %add3A_685 = arith.addi %mul3A_221, %add3A_684 : i32
        %get3A_686 = arith.index_cast %add3A_685 : i32 to index
        %get3A_687 = arith.constant 48 : index
        %get3A_688 = tpu.vector_load %arg8[%get3A_686, %get3A_687] {strides = array<i32>} : memref<640x64xf32, #tpu.memory_space<vmem>>, vector<1x16xf32>,
        %get3A_689 = vector.shape_cast %get3A_688 : vector<1x16xf32> to vector<16xf32>
        %add3A_690 = arith.addf %add3A_683, %get3A_689 : vector<16xf32>
        %add3A_691 = arith.constant 3 : i32
        %add3A_692 = arith.addi %mul3A_221, %add3A_691 : i32
        %get3A_693 = arith.index_cast %add3A_692 : i32 to index
        %get3A_694 = arith.constant 48 : index
        %get3A_695 = tpu.vector_load %arg8[%get3A_693, %get3A_694] {strides = array<i32>} : memref<640x64xf32, #tpu.memory_space<vmem>>, vector<1x16xf32>,
        %get3A_696 = vector.shape_cast %get3A_695 : vector<1x16xf32> to vector<16xf32>
        %add3A_697 = arith.addf %add3A_690, %get3A_696 : vector<16xf32>
        %add3A_698 = arith.constant 4 : i32
        %add3A_699 = arith.addi %mul3A_221, %add3A_698 : i32
        %get3A_700 = arith.index_cast %add3A_699 : i32 to index
        %get3A_701 = arith.constant 48 : index
        %get3A_702 = tpu.vector_load %arg8[%get3A_700, %get3A_701] {strides = array<i32>} : memref<640x64xf32, #tpu.memory_space<vmem>>, vector<1x16xf32>,
        %get3A_703 = vector.shape_cast %get3A_702 : vector<1x16xf32> to vector<16xf32>
        %add3A_704 = arith.addf %add3A_697, %get3A_703 : vector<16xf32>
        %add3A_705 = arith.constant 5 : i32
        %add3A_706 = arith.addi %mul3A_221, %add3A_705 : i32
        %get3A_707 = arith.index_cast %add3A_706 : i32 to index
        %get3A_708 = arith.constant 48 : index
        %get3A_709 = tpu.vector_load %arg8[%get3A_707, %get3A_708] {strides = array<i32>} : memref<640x64xf32, #tpu.memory_space<vmem>>, vector<1x16xf32>,
        %get3A_710 = vector.shape_cast %get3A_709 : vector<1x16xf32> to vector<16xf32>
        %add3A_711 = arith.addf %add3A_704, %get3A_710 : vector<16xf32>
        %add3A_712 = arith.constant 6 : i32
        %add3A_713 = arith.addi %mul3A_221, %add3A_712 : i32
        %get3A_714 = arith.index_cast %add3A_713 : i32 to index
        %get3A_715 = arith.constant 48 : index
        %get3A_716 = tpu.vector_load %arg8[%get3A_714, %get3A_715] {strides = array<i32>} : memref<640x64xf32, #tpu.memory_space<vmem>>, vector<1x16xf32>,
        %get3A_717 = vector.shape_cast %get3A_716 : vector<1x16xf32> to vector<16xf32>
        %add3A_718 = arith.addf %add3A_711, %get3A_717 : vector<16xf32>
        %add3A_719 = arith.constant 7 : i32
        %add3A_720 = arith.addi %mul3A_221, %add3A_719 : i32
        %get3A_721 = arith.index_cast %add3A_720 : i32 to index
        %get3A_722 = arith.constant 48 : index
        %get3A_723 = tpu.vector_load %arg8[%get3A_721, %get3A_722] {strides = array<i32>} : memref<640x64xf32, #tpu.memory_space<vmem>>, vector<1x16xf32>,
        %get3A_724 = vector.shape_cast %get3A_723 : vector<1x16xf32> to vector<16xf32>
        %add3A_725 = arith.addf %add3A_718, %get3A_724 : vector<16xf32>
        %add3A_726 = arith.constant 8 : i32
        %add3A_727 = arith.addi %mul3A_221, %add3A_726 : i32
        %get3A_728 = arith.index_cast %add3A_727 : i32 to index
        %get3A_729 = arith.constant 48 : index
        %get3A_730 = tpu.vector_load %arg8[%get3A_728, %get3A_729] {strides = array<i32>} : memref<640x64xf32, #tpu.memory_space<vmem>>, vector<1x16xf32>,
        %get3A_731 = vector.shape_cast %get3A_730 : vector<1x16xf32> to vector<16xf32>
        %add3A_732 = arith.addf %add3A_725, %get3A_731 : vector<16xf32>
        %add3A_733 = arith.constant 9 : i32
        %add3A_734 = arith.addi %mul3A_221, %add3A_733 : i32
        %get3A_735 = arith.index_cast %add3A_734 : i32 to index
        %get3A_736 = arith.constant 48 : index
        %get3A_737 = tpu.vector_load %arg8[%get3A_735, %get3A_736] {strides = array<i32>} : memref<640x64xf32, #tpu.memory_space<vmem>>, vector<1x16xf32>,
        %get3A_738 = vector.shape_cast %get3A_737 : vector<1x16xf32> to vector<16xf32>
        %add3A_739 = arith.addf %add3A_732, %get3A_738 : vector<16xf32>
        %add3A_740 = arith.constant 10 : i32
        %add3A_741 = arith.addi %mul3A_221, %add3A_740 : i32
        %get3A_742 = arith.index_cast %add3A_741 : i32 to index
        %get3A_743 = arith.constant 48 : index
        %get3A_744 = tpu.vector_load %arg8[%get3A_742, %get3A_743] {strides = array<i32>} : memref<640x64xf32, #tpu.memory_space<vmem>>, vector<1x16xf32>,
        %get3A_745 = vector.shape_cast %get3A_744 : vector<1x16xf32> to vector<16xf32>
        %add3A_746 = arith.addf %add3A_739, %get3A_745 : vector<16xf32>
        %add3A_747 = arith.constant 11 : i32
        %add3A_748 = arith.addi %mul3A_221, %add3A_747 : i32
        %get3A_749 = arith.index_cast %add3A_748 : i32 to index
        %get3A_750 = arith.constant 48 : index
        %get3A_751 = tpu.vector_load %arg8[%get3A_749, %get3A_750] {strides = array<i32>} : memref<640x64xf32, #tpu.memory_space<vmem>>, vector<1x16xf32>,
        %get3A_752 = vector.shape_cast %get3A_751 : vector<1x16xf32> to vector<16xf32>
        %add3A_753 = arith.addf %add3A_746, %get3A_752 : vector<16xf32>
        %add3A_754 = arith.constant 12 : i32
        %add3A_755 = arith.addi %mul3A_221, %add3A_754 : i32
        %get3A_756 = arith.index_cast %add3A_755 : i32 to index
        %get3A_757 = arith.constant 48 : index
        %get3A_758 = tpu.vector_load %arg8[%get3A_756, %get3A_757] {strides = array<i32>} : memref<640x64xf32, #tpu.memory_space<vmem>>, vector<1x16xf32>,
        %get3A_759 = vector.shape_cast %get3A_758 : vector<1x16xf32> to vector<16xf32>
        %add3A_760 = arith.addf %add3A_753, %get3A_759 : vector<16xf32>
        %add3A_761 = arith.constant 13 : i32
        %add3A_762 = arith.addi %mul3A_221, %add3A_761 : i32
        %get3A_763 = arith.index_cast %add3A_762 : i32 to index
        %get3A_764 = arith.constant 48 : index
        %get3A_765 = tpu.vector_load %arg8[%get3A_763, %get3A_764] {strides = array<i32>} : memref<640x64xf32, #tpu.memory_space<vmem>>, vector<1x16xf32>,
        %get3A_766 = vector.shape_cast %get3A_765 : vector<1x16xf32> to vector<16xf32>
        %add3A_767 = arith.addf %add3A_760, %get3A_766 : vector<16xf32>
        %add3A_768 = arith.constant 14 : i32
        %add3A_769 = arith.addi %mul3A_221, %add3A_768 : i32
        %get3A_770 = arith.index_cast %add3A_769 : i32 to index
        %get3A_771 = arith.constant 48 : index
        %get3A_772 = tpu.vector_load %arg8[%get3A_770, %get3A_771] {strides = array<i32>} : memref<640x64xf32, #tpu.memory_space<vmem>>, vector<1x16xf32>,
        %get3A_773 = vector.shape_cast %get3A_772 : vector<1x16xf32> to vector<16xf32>
        %add3A_774 = arith.addf %add3A_767, %get3A_773 : vector<16xf32>
        %add3A_775 = arith.constant 15 : i32
        %add3A_776 = arith.addi %mul3A_221, %add3A_775 : i32
        %get3A_777 = arith.index_cast %add3A_776 : i32 to index
        %get3A_778 = arith.constant 48 : index
        %get3A_779 = tpu.vector_load %arg8[%get3A_777, %get3A_778] {strides = array<i32>} : memref<640x64xf32, #tpu.memory_space<vmem>>, vector<1x16xf32>,
        %get3A_780 = vector.shape_cast %get3A_779 : vector<1x16xf32> to vector<16xf32>
        %add3A_781 = arith.addf %add3A_774, %get3A_780 : vector<16xf32>
        %add3A_782 = arith.constant 16 : i32
        %add3A_783 = arith.addi %mul3A_221, %add3A_782 : i32
        %get3A_784 = arith.index_cast %add3A_783 : i32 to index
        %get3A_785 = arith.constant 48 : index
        %get3A_786 = tpu.vector_load %arg8[%get3A_784, %get3A_785] {strides = array<i32>} : memref<640x64xf32, #tpu.memory_space<vmem>>, vector<1x16xf32>,
        %get3A_787 = vector.shape_cast %get3A_786 : vector<1x16xf32> to vector<16xf32>
        %add3A_788 = arith.addf %add3A_781, %get3A_787 : vector<16xf32>
        %add3A_789 = arith.constant 17 : i32
        %add3A_790 = arith.addi %mul3A_221, %add3A_789 : i32
        %get3A_791 = arith.index_cast %add3A_790 : i32 to index
        %get3A_792 = arith.constant 48 : index
        %get3A_793 = tpu.vector_load %arg8[%get3A_791, %get3A_792] {strides = array<i32>} : memref<640x64xf32, #tpu.memory_space<vmem>>, vector<1x16xf32>,
        %get3A_794 = vector.shape_cast %get3A_793 : vector<1x16xf32> to vector<16xf32>
        %add3A_795 = arith.addf %add3A_788, %get3A_794 : vector<16xf32>
        %add3A_796 = arith.constant 18 : i32
        %add3A_797 = arith.addi %mul3A_221, %add3A_796 : i32
        %get3A_798 = arith.index_cast %add3A_797 : i32 to index
        %get3A_799 = arith.constant 48 : index
        %get3A_800 = tpu.vector_load %arg8[%get3A_798, %get3A_799] {strides = array<i32>} : memref<640x64xf32, #tpu.memory_space<vmem>>, vector<1x16xf32>,
        %get3A_801 = vector.shape_cast %get3A_800 : vector<1x16xf32> to vector<16xf32>
        %add3A_802 = arith.addf %add3A_795, %get3A_801 : vector<16xf32>
        %add3A_803 = arith.constant 19 : i32
        %add3A_804 = arith.addi %mul3A_221, %add3A_803 : i32
        %get3A_805 = arith.index_cast %add3A_804 : i32 to index
        %get3A_806 = arith.constant 48 : index
        %get3A_807 = tpu.vector_load %arg8[%get3A_805, %get3A_806] {strides = array<i32>} : memref<640x64xf32, #tpu.memory_space<vmem>>, vector<1x16xf32>,
        %get3A_808 = vector.shape_cast %get3A_807 : vector<1x16xf32> to vector<16xf32>
        %add3A_809 = arith.addf %add3A_802, %get3A_808 : vector<16xf32>
        %swap3A_810 = arith.index_cast %add3A_219 : i32 to index
        %swap3A_811 = arith.constant 48 : index
        %swap3A_812 = tpu.vector_load %arg12[%swap3A_810, %swap3A_811] {strides = array<i32>} : memref<32x128xf32, #tpu.memory_space<vmem>>, vector<1x16xf32>,
        %swap3A_813 = vector.shape_cast %swap3A_812 : vector<1x16xf32> to vector<16xf32>
        %swap3A_814 = vector.shape_cast %add3A_809 : vector<16xf32> to vector<1x16xf32>
        tpu.vector_store %arg12[%swap3A_810, %swap3A_811], %swap3A_814 {strides = array<i32>} : memref<32x128xf32, #tpu.memory_space<vmem>>, vector<1x16xf32>,
        %get3A_815 = arith.index_cast %add3A_219 : i32 to index
        %get3A_816 = arith.constant 48 : index
        %get3A_817 = tpu.vector_load %arg10[%get3A_815, %get3A_816] {strides = array<i32>} : memref<32x64xf32, #tpu.memory_space<vmem>>, vector<1x16xf32>,
        %get3A_818 = vector.shape_cast %get3A_817 : vector<1x16xf32> to vector<16xf32>
        %swap3A_819 = arith.index_cast %add3A_219 : i32 to index
        %swap3A_820 = arith.constant 112 : index
        %swap3A_821 = tpu.vector_load %arg12[%swap3A_819, %swap3A_820] {strides = array<i32>} : memref<32x128xf32, #tpu.memory_space<vmem>>, vector<1x16xf32>,
        %swap3A_822 = vector.shape_cast %swap3A_821 : vector<1x16xf32> to vector<16xf32>
        %swap3A_823 = vector.shape_cast %get3A_818 : vector<16xf32> to vector<1x16xf32>
        tpu.vector_store %arg12[%swap3A_819, %swap3A_820], %swap3A_823 {strides = array<i32>} : memref<32x128xf32, #tpu.memory_space<vmem>>, vector<1x16xf32>,
      }
      %scan3A_172 = arith.constant 32 : i32
      %mul3A_173 = arith.constant 32 : i32
      %mul3A_174 = arith.muli %mul3A_80, %mul3A_173 : i32
      %add3A_175 = arith.addi %mul3A_2, %mul3A_174 : i32
      %dma_start3A_176 = arith.constant 0 : i32
      %dma_start3A_177 = tpu.memref_slice %arg5[%add3A_175, %dma_start3A_176] : memref<32768x128xf32, #tpu.memory_space<hbm>> -> memref<32x128xf32, #tpu.memory_space<hbm>>
      %dma_start3A_178 = arith.constant 0 : i32
      %dma_start3A_179 = tpu.memref_slice %arg5[%add3A_175, %dma_start3A_178] : memref<32768x128xf32, #tpu.memory_space<hbm>> -> memref<32x128xf32, #tpu.memory_space<hbm>>
      tpu.enqueue_dma source(%arg12 : memref<32x128xf32, #tpu.memory_space<vmem>>) target(%dma_start3A_179 : memref<32x128xf32, #tpu.memory_space<hbm>>) target_semaphore(%arg16 : memref<!tpu.dma_semaphore, #tpu.memory_space<semaphore_mem>>)
      %lt3A = arith.constant 15 : i32
      %lt3A_180 = arith.cmpi slt, %add3A_78, %lt3A : i32
      %convert_element_type3A_181 = arith.extui %lt3A_180 : i1 to i32
      %cond3A_182 = arith.constant 0 : i32
      %cond3A_183 = arith.cmpi ne, %convert_element_type3A_181, %cond3A_182 : i32
      scf.if %cond3A_183 {
        %add3A_215 = arith.constant 2 : i32
        %add3A_216 = arith.addi %mul3A_80, %add3A_215 : i32
        %mul3A_217 = arith.constant 5 : i32
        %mul3A_218 = arith.muli %add3A_216, %mul3A_217 : i32
        %add3A_219 = arith.constant 0 : i32
        %add3A_220 = arith.addi %mul3A_218, %add3A_219 : i32
        %dma_start3A_221 = arith.constant 0 : i32
        %dma_start3A_222 = arith.constant 0 : i32
        %dma_start3A_223 = tpu.memref_slice %arg8[%dma_start3A_221, %dma_start3A_222] : memref<640x64xf32, #tpu.memory_space<vmem>> -> memref<128x64xf32, #tpu.memory_space<vmem>>
        %dma_start3A_224 = arith.constant 0 : i32
        %dma_start3A_225 = tpu.memref_slice %arg6[%add3A_220, %dma_start3A_224] : memref<160x128xi32, #tpu.memory_space<vmem>> -> memref<1x128xi32, #tpu.memory_space<vmem>>
        %dma_start3A_226 = tpu.memref_squeeze %dma_start3A_225 : memref<1x128xi32, #tpu.memory_space<vmem>> -> memref<128xi32, #tpu.memory_space<vmem>>
        %dma_start3A_227 = arith.constant 0 : i32
        %dma_start3A_228 = arith.constant 0 : i32
        %dma_start3A_229 = tpu.memref_slice %arg4[%dma_start3A_227, %dma_start3A_228] : memref<400000x64xf32, #tpu.memory_space<hbm>> -> memref<400000x64xf32, #tpu.memory_space<hbm>>
        tpu.enqueue_indirect_dma source(%dma_start3A_229 : memref<400000x64xf32, #tpu.memory_space<hbm>>) target(%dma_start3A_223 : memref<128x64xf32, #tpu.memory_space<vmem>>) offsets(%dma_start3A_226 : memref<128xi32, #tpu.memory_space<vmem>>) semaphore(%arg14 : memref<!tpu.dma_semaphore, #tpu.memory_space<semaphore_mem>>)
        %mul3A_230 = arith.constant 5 : i32
        %mul3A_231 = arith.muli %add3A_216, %mul3A_230 : i32
        %add3A_232 = arith.constant 1 : i32
        %add3A_233 = arith.addi %mul3A_231, %add3A_232 : i32
        %dma_start3A_234 = arith.constant 128 : i32
        %dma_start3A_235 = arith.constant 0 : i32
        %dma_start3A_236 = tpu.memref_slice %arg8[%dma_start3A_234, %dma_start3A_235] : memref<640x64xf32, #tpu.memory_space<vmem>> -> memref<128x64xf32, #tpu.memory_space<vmem>>
        %dma_start3A_237 = arith.constant 0 : i32
        %dma_start3A_238 = tpu.memref_slice %arg6[%add3A_233, %dma_start3A_237] : memref<160x128xi32, #tpu.memory_space<vmem>> -> memref<1x128xi32, #tpu.memory_space<vmem>>
        %dma_start3A_239 = tpu.memref_squeeze %dma_start3A_238 : memref<1x128xi32, #tpu.memory_space<vmem>> -> memref<128xi32, #tpu.memory_space<vmem>>
        %dma_start3A_240 = arith.constant 0 : i32
        %dma_start3A_241 = arith.constant 0 : i32
        %dma_start3A_242 = tpu.memref_slice %arg4[%dma_start3A_240, %dma_start3A_241] : memref<400000x64xf32, #tpu.memory_space<hbm>> -> memref<400000x64xf32, #tpu.memory_space<hbm>>
        tpu.enqueue_indirect_dma source(%dma_start3A_242 : memref<400000x64xf32, #tpu.memory_space<hbm>>) target(%dma_start3A_236 : memref<128x64xf32, #tpu.memory_space<vmem>>) offsets(%dma_start3A_239 : memref<128xi32, #tpu.memory_space<vmem>>) semaphore(%arg14 : memref<!tpu.dma_semaphore, #tpu.memory_space<semaphore_mem>>)
        %mul3A_243 = arith.constant 5 : i32
        %mul3A_244 = arith.muli %add3A_216, %mul3A_243 : i32
        %add3A_245 = arith.constant 2 : i32
        %add3A_246 = arith.addi %mul3A_244, %add3A_245 : i32
        %dma_start3A_247 = arith.constant 256 : i32
        %dma_start3A_248 = arith.constant 0 : i32
        %dma_start3A_249 = tpu.memref_slice %arg8[%dma_start3A_247, %dma_start3A_248] : memref<640x64xf32, #tpu.memory_space<vmem>> -> memref<128x64xf32, #tpu.memory_space<vmem>>
        %dma_start3A_250 = arith.constant 0 : i32
        %dma_start3A_251 = tpu.memref_slice %arg6[%add3A_246, %dma_start3A_250] : memref<160x128xi32, #tpu.memory_space<vmem>> -> memref<1x128xi32, #tpu.memory_space<vmem>>
        %dma_start3A_252 = tpu.memref_squeeze %dma_start3A_251 : memref<1x128xi32, #tpu.memory_space<vmem>> -> memref<128xi32, #tpu.memory_space<vmem>>
        %dma_start3A_253 = arith.constant 0 : i32
        %dma_start3A_254 = arith.constant 0 : i32
        %dma_start3A_255 = tpu.memref_slice %arg4[%dma_start3A_253, %dma_start3A_254] : memref<400000x64xf32, #tpu.memory_space<hbm>> -> memref<400000x64xf32, #tpu.memory_space<hbm>>
        tpu.enqueue_indirect_dma source(%dma_start3A_255 : memref<400000x64xf32, #tpu.memory_space<hbm>>) target(%dma_start3A_249 : memref<128x64xf32, #tpu.memory_space<vmem>>) offsets(%dma_start3A_252 : memref<128xi32, #tpu.memory_space<vmem>>) semaphore(%arg14 : memref<!tpu.dma_semaphore, #tpu.memory_space<semaphore_mem>>)
        %mul3A_256 = arith.constant 5 : i32
        %mul3A_257 = arith.muli %add3A_216, %mul3A_256 : i32
        %add3A_258 = arith.constant 3 : i32
        %add3A_259 = arith.addi %mul3A_257, %add3A_258 : i32
        %dma_start3A_260 = arith.constant 384 : i32
        %dma_start3A_261 = arith.constant 0 : i32
        %dma_start3A_262 = tpu.memref_slice %arg8[%dma_start3A_260, %dma_start3A_261] : memref<640x64xf32, #tpu.memory_space<vmem>> -> memref<128x64xf32, #tpu.memory_space<vmem>>
        %dma_start3A_263 = arith.constant 0 : i32
        %dma_start3A_264 = tpu.memref_slice %arg6[%add3A_259, %dma_start3A_263] : memref<160x128xi32, #tpu.memory_space<vmem>> -> memref<1x128xi32, #tpu.memory_space<vmem>>
        %dma_start3A_265 = tpu.memref_squeeze %dma_start3A_264 : memref<1x128xi32, #tpu.memory_space<vmem>> -> memref<128xi32, #tpu.memory_space<vmem>>
        %dma_start3A_266 = arith.constant 0 : i32
        %dma_start3A_267 = arith.constant 0 : i32
        %dma_start3A_268 = tpu.memref_slice %arg4[%dma_start3A_266, %dma_start3A_267] : memref<400000x64xf32, #tpu.memory_space<hbm>> -> memref<400000x64xf32, #tpu.memory_space<hbm>>
        tpu.enqueue_indirect_dma source(%dma_start3A_268 : memref<400000x64xf32, #tpu.memory_space<hbm>>) target(%dma_start3A_262 : memref<128x64xf32, #tpu.memory_space<vmem>>) offsets(%dma_start3A_265 : memref<128xi32, #tpu.memory_space<vmem>>) semaphore(%arg14 : memref<!tpu.dma_semaphore, #tpu.memory_space<semaphore_mem>>)
        %mul3A_269 = arith.constant 5 : i32
        %mul3A_270 = arith.muli %add3A_216, %mul3A_269 : i32
        %add3A_271 = arith.constant 4 : i32
        %add3A_272 = arith.addi %mul3A_270, %add3A_271 : i32
        %dma_start3A_273 = arith.constant 512 : i32
        %dma_start3A_274 = arith.constant 0 : i32
        %dma_start3A_275 = tpu.memref_slice %arg8[%dma_start3A_273, %dma_start3A_274] : memref<640x64xf32, #tpu.memory_space<vmem>> -> memref<128x64xf32, #tpu.memory_space<vmem>>
        %dma_start3A_276 = arith.constant 0 : i32
        %dma_start3A_277 = tpu.memref_slice %arg6[%add3A_272, %dma_start3A_276] : memref<160x128xi32, #tpu.memory_space<vmem>> -> memref<1x128xi32, #tpu.memory_space<vmem>>
        %dma_start3A_278 = tpu.memref_squeeze %dma_start3A_277 : memref<1x128xi32, #tpu.memory_space<vmem>> -> memref<128xi32, #tpu.memory_space<vmem>>
        %dma_start3A_279 = arith.constant 0 : i32
        %dma_start3A_280 = arith.constant 0 : i32
        %dma_start3A_281 = tpu.memref_slice %arg4[%dma_start3A_279, %dma_start3A_280] : memref<400000x64xf32, #tpu.memory_space<hbm>> -> memref<400000x64xf32, #tpu.memory_space<hbm>>
        tpu.enqueue_indirect_dma source(%dma_start3A_281 : memref<400000x64xf32, #tpu.memory_space<hbm>>) target(%dma_start3A_275 : memref<128x64xf32, #tpu.memory_space<vmem>>) offsets(%dma_start3A_278 : memref<128xi32, #tpu.memory_space<vmem>>) semaphore(%arg14 : memref<!tpu.dma_semaphore, #tpu.memory_space<semaphore_mem>>)
        %dma_start3A_282 = arith.constant 0 : i32
        %dma_start3A_283 = tpu.memref_slice %arg7[%add3A_216, %dma_start3A_282] : memref<32x32xi32, #tpu.memory_space<vmem>> -> memref<1x32xi32, #tpu.memory_space<vmem>>
        %dma_start3A_284 = tpu.memref_squeeze %dma_start3A_283 : memref<1x32xi32, #tpu.memory_space<vmem>> -> memref<32xi32, #tpu.memory_space<vmem>>
        %dma_start3A_285 = arith.constant 0 : i32
        %dma_start3A_286 = arith.constant 0 : i32
        %dma_start3A_287 = tpu.memref_slice %arg4[%dma_start3A_285, %dma_start3A_286] : memref<400000x64xf32, #tpu.memory_space<hbm>> -> memref<400000x64xf32, #tpu.memory_space<hbm>>
        tpu.enqueue_indirect_dma source(%dma_start3A_287 : memref<400000x64xf32, #tpu.memory_space<hbm>>) target(%arg10 : memref<32x64xf32, #tpu.memory_space<vmem>>) offsets(%dma_start3A_284 : memref<32xi32, #tpu.memory_space<vmem>>) semaphore(%arg14 : memref<!tpu.dma_semaphore, #tpu.memory_space<semaphore_mem>>)
      } else {
      }
      %dma_wait3A_184 = arith.constant 0 : i32
      %dma_wait3A_185 = arith.constant 0 : i32
      %dma_wait3A_186 = tpu.memref_slice %arg4[%dma_wait3A_184, %dma_wait3A_185] : memref<400000x64xf32, #tpu.memory_space<hbm>> -> memref<640x64xf32, #tpu.memory_space<hbm>>
      %dma_wait3A_187 = arith.constant 0 : i32
      %dma_wait3A_188 = arith.constant 0 : i32
      %dma_wait3A_189 = tpu.memref_slice %arg4[%dma_wait3A_187, %dma_wait3A_188] : memref<400000x64xf32, #tpu.memory_space<hbm>> -> memref<640x64xf32, #tpu.memory_space<hbm>>
      tpu.wait_dma2 semaphore(%arg15 : memref<!tpu.dma_semaphore, #tpu.memory_space<semaphore_mem>>) src(%dma_wait3A_189 : memref<640x64xf32, #tpu.memory_space<hbm>>) dst(%arg9 : memref<640x64xf32, #tpu.memory_space<vmem>>)
      %dma_wait3A_190 = arith.constant 0 : i32
      %dma_wait3A_191 = arith.constant 0 : i32
      %dma_wait3A_192 = tpu.memref_slice %arg4[%dma_wait3A_190, %dma_wait3A_191] : memref<400000x64xf32, #tpu.memory_space<hbm>> -> memref<32x64xf32, #tpu.memory_space<hbm>>
      %dma_wait3A_193 = arith.constant 0 : i32
      %dma_wait3A_194 = arith.constant 0 : i32
      %dma_wait3A_195 = tpu.memref_slice %arg4[%dma_wait3A_193, %dma_wait3A_194] : memref<400000x64xf32, #tpu.memory_space<hbm>> -> memref<32x64xf32, #tpu.memory_space<hbm>>
      tpu.wait_dma2 semaphore(%arg15 : memref<!tpu.dma_semaphore, #tpu.memory_space<semaphore_mem>>) src(%dma_wait3A_195 : memref<32x64xf32, #tpu.memory_space<hbm>>) dst(%arg11 : memref<32x64xf32, #tpu.memory_space<vmem>>)
      %gt3A_196 = arith.constant 0 : i32
      %gt3A_197 = arith.cmpi sgt, %add3A_78, %gt3A_196 : i32
      %convert_element_type3A_198 = arith.extui %gt3A_197 : i1 to i32
      %cond3A_199 = arith.constant 0 : i32
      %cond3A_200 = arith.cmpi ne, %convert_element_type3A_198, %cond3A_199 : i32
      scf.if %cond3A_200 {
        %dma_wait3A_215 = arith.constant 0 : i32
        %dma_wait3A_216 = arith.constant 0 : i32
        %dma_wait3A_217 = tpu.memref_slice %arg5[%dma_wait3A_215, %dma_wait3A_216] : memref<32768x128xf32, #tpu.memory_space<hbm>> -> memref<32x128xf32, #tpu.memory_space<hbm>>
        %dma_wait3A_218 = arith.constant 0 : i32
        %dma_wait3A_219 = arith.constant 0 : i32
        %dma_wait3A_220 = tpu.memref_slice %arg5[%dma_wait3A_218, %dma_wait3A_219] : memref<32768x128xf32, #tpu.memory_space<hbm>> -> memref<32x128xf32, #tpu.memory_space<hbm>>
        tpu.wait_dma2 semaphore(%arg17 : memref<!tpu.dma_semaphore, #tpu.memory_space<semaphore_mem>>) src(%arg13 : memref<32x128xf32, #tpu.memory_space<vmem>>) dst(%dma_wait3A_220 : memref<32x128xf32, #tpu.memory_space<hbm>>)
      } else {
      }
      %scan3A_201 = arith.constant 0 : i32
      %scan3A_202 = arith.constant 32 : i32
      %scan3A_203 = arith.addi %scan3A_201, %scan3A_202 : i32
      %scan3A_204 = arith.constant 1 : i32
      scf.for %scan3A_215 = %scan3A_201 to %scan3A_203 step %scan3A_204  : i32 {
        %mul3A_216 = arith.constant 1 : i32
        %mul3A_217 = arith.muli %scan3A_215, %mul3A_216 : i32
        %add3A_218 = arith.constant 0 : i32
        %add3A_219 = arith.addi %add3A_218, %mul3A_217 : i32
        %mul3A_220 = arith.constant 20 : i32
        %mul3A_221 = arith.muli %add3A_219, %mul3A_220 : i32
        %get3A = arith.index_cast %mul3A_221 : i32 to index
        %get3A_222 = arith.constant 0 : index
        %get3A_223 = tpu.vector_load %arg9[%get3A, %get3A_222] {strides = array<i32>} : memref<640x64xf32, #tpu.memory_space<vmem>>, vector<1x16xf32>,
        %get3A_224 = vector.shape_cast %get3A_223 : vector<1x16xf32> to vector<16xf32>
        %add3A_225 = arith.constant 1 : i32
        %add3A_226 = arith.addi %mul3A_221, %add3A_225 : i32
        %get3A_227 = arith.index_cast %add3A_226 : i32 to index
        %get3A_228 = arith.constant 0 : index
        %get3A_229 = tpu.vector_load %arg9[%get3A_227, %get3A_228] {strides = array<i32>} : memref<640x64xf32, #tpu.memory_space<vmem>>, vector<1x16xf32>,
        %get3A_230 = vector.shape_cast %get3A_229 : vector<1x16xf32> to vector<16xf32>
        %add3A_231 = arith.addf %get3A_224, %get3A_230 : vector<16xf32>
        %add3A_232 = arith.constant 2 : i32
        %add3A_233 = arith.addi %mul3A_221, %add3A_232 : i32
        %get3A_234 = arith.index_cast %add3A_233 : i32 to index
        %get3A_235 = arith.constant 0 : index
        %get3A_236 = tpu.vector_load %arg9[%get3A_234, %get3A_235] {strides = array<i32>} : memref<640x64xf32, #tpu.memory_space<vmem>>, vector<1x16xf32>,
        %get3A_237 = vector.shape_cast %get3A_236 : vector<1x16xf32> to vector<16xf32>
        %add3A_238 = arith.addf %add3A_231, %get3A_237 : vector<16xf32>
        %add3A_239 = arith.constant 3 : i32
        %add3A_240 = arith.addi %mul3A_221, %add3A_239 : i32
        %get3A_241 = arith.index_cast %add3A_240 : i32 to index
        %get3A_242 = arith.constant 0 : index
        %get3A_243 = tpu.vector_load %arg9[%get3A_241, %get3A_242] {strides = array<i32>} : memref<640x64xf32, #tpu.memory_space<vmem>>, vector<1x16xf32>,
        %get3A_244 = vector.shape_cast %get3A_243 : vector<1x16xf32> to vector<16xf32>
        %add3A_245 = arith.addf %add3A_238, %get3A_244 : vector<16xf32>
        %add3A_246 = arith.constant 4 : i32
        %add3A_247 = arith.addi %mul3A_221, %add3A_246 : i32
        %get3A_248 = arith.index_cast %add3A_247 : i32 to index
        %get3A_249 = arith.constant 0 : index
        %get3A_250 = tpu.vector_load %arg9[%get3A_248, %get3A_249] {strides = array<i32>} : memref<640x64xf32, #tpu.memory_space<vmem>>, vector<1x16xf32>,
        %get3A_251 = vector.shape_cast %get3A_250 : vector<1x16xf32> to vector<16xf32>
        %add3A_252 = arith.addf %add3A_245, %get3A_251 : vector<16xf32>
        %add3A_253 = arith.constant 5 : i32
        %add3A_254 = arith.addi %mul3A_221, %add3A_253 : i32
        %get3A_255 = arith.index_cast %add3A_254 : i32 to index
        %get3A_256 = arith.constant 0 : index
        %get3A_257 = tpu.vector_load %arg9[%get3A_255, %get3A_256] {strides = array<i32>} : memref<640x64xf32, #tpu.memory_space<vmem>>, vector<1x16xf32>,
        %get3A_258 = vector.shape_cast %get3A_257 : vector<1x16xf32> to vector<16xf32>
        %add3A_259 = arith.addf %add3A_252, %get3A_258 : vector<16xf32>
        %add3A_260 = arith.constant 6 : i32
        %add3A_261 = arith.addi %mul3A_221, %add3A_260 : i32
        %get3A_262 = arith.index_cast %add3A_261 : i32 to index
        %get3A_263 = arith.constant 0 : index
        %get3A_264 = tpu.vector_load %arg9[%get3A_262, %get3A_263] {strides = array<i32>} : memref<640x64xf32, #tpu.memory_space<vmem>>, vector<1x16xf32>,
        %get3A_265 = vector.shape_cast %get3A_264 : vector<1x16xf32> to vector<16xf32>
        %add3A_266 = arith.addf %add3A_259, %get3A_265 : vector<16xf32>
        %add3A_267 = arith.constant 7 : i32
        %add3A_268 = arith.addi %mul3A_221, %add3A_267 : i32
        %get3A_269 = arith.index_cast %add3A_268 : i32 to index
        %get3A_270 = arith.constant 0 : index
        %get3A_271 = tpu.vector_load %arg9[%get3A_269, %get3A_270] {strides = array<i32>} : memref<640x64xf32, #tpu.memory_space<vmem>>, vector<1x16xf32>,
        %get3A_272 = vector.shape_cast %get3A_271 : vector<1x16xf32> to vector<16xf32>
        %add3A_273 = arith.addf %add3A_266, %get3A_272 : vector<16xf32>
        %add3A_274 = arith.constant 8 : i32
        %add3A_275 = arith.addi %mul3A_221, %add3A_274 : i32
        %get3A_276 = arith.index_cast %add3A_275 : i32 to index
        %get3A_277 = arith.constant 0 : index
        %get3A_278 = tpu.vector_load %arg9[%get3A_276, %get3A_277] {strides = array<i32>} : memref<640x64xf32, #tpu.memory_space<vmem>>, vector<1x16xf32>,
        %get3A_279 = vector.shape_cast %get3A_278 : vector<1x16xf32> to vector<16xf32>
        %add3A_280 = arith.addf %add3A_273, %get3A_279 : vector<16xf32>
        %add3A_281 = arith.constant 9 : i32
        %add3A_282 = arith.addi %mul3A_221, %add3A_281 : i32
        %get3A_283 = arith.index_cast %add3A_282 : i32 to index
        %get3A_284 = arith.constant 0 : index
        %get3A_285 = tpu.vector_load %arg9[%get3A_283, %get3A_284] {strides = array<i32>} : memref<640x64xf32, #tpu.memory_space<vmem>>, vector<1x16xf32>,
        %get3A_286 = vector.shape_cast %get3A_285 : vector<1x16xf32> to vector<16xf32>
        %add3A_287 = arith.addf %add3A_280, %get3A_286 : vector<16xf32>
        %add3A_288 = arith.constant 10 : i32
        %add3A_289 = arith.addi %mul3A_221, %add3A_288 : i32
        %get3A_290 = arith.index_cast %add3A_289 : i32 to index
        %get3A_291 = arith.constant 0 : index
        %get3A_292 = tpu.vector_load %arg9[%get3A_290, %get3A_291] {strides = array<i32>} : memref<640x64xf32, #tpu.memory_space<vmem>>, vector<1x16xf32>,
        %get3A_293 = vector.shape_cast %get3A_292 : vector<1x16xf32> to vector<16xf32>
        %add3A_294 = arith.addf %add3A_287, %get3A_293 : vector<16xf32>
        %add3A_295 = arith.constant 11 : i32
        %add3A_296 = arith.addi %mul3A_221, %add3A_295 : i32
        %get3A_297 = arith.index_cast %add3A_296 : i32 to index
        %get3A_298 = arith.constant 0 : index
        %get3A_299 = tpu.vector_load %arg9[%get3A_297, %get3A_298] {strides = array<i32>} : memref<640x64xf32, #tpu.memory_space<vmem>>, vector<1x16xf32>,
        %get3A_300 = vector.shape_cast %get3A_299 : vector<1x16xf32> to vector<16xf32>
        %add3A_301 = arith.addf %add3A_294, %get3A_300 : vector<16xf32>
        %add3A_302 = arith.constant 12 : i32
        %add3A_303 = arith.addi %mul3A_221, %add3A_302 : i32
        %get3A_304 = arith.index_cast %add3A_303 : i32 to index
        %get3A_305 = arith.constant 0 : index
        %get3A_306 = tpu.vector_load %arg9[%get3A_304, %get3A_305] {strides = array<i32>} : memref<640x64xf32, #tpu.memory_space<vmem>>, vector<1x16xf32>,
        %get3A_307 = vector.shape_cast %get3A_306 : vector<1x16xf32> to vector<16xf32>
        %add3A_308 = arith.addf %add3A_301, %get3A_307 : vector<16xf32>
        %add3A_309 = arith.constant 13 : i32
        %add3A_310 = arith.addi %mul3A_221, %add3A_309 : i32
        %get3A_311 = arith.index_cast %add3A_310 : i32 to index
        %get3A_312 = arith.constant 0 : index
        %get3A_313 = tpu.vector_load %arg9[%get3A_311, %get3A_312] {strides = array<i32>} : memref<640x64xf32, #tpu.memory_space<vmem>>, vector<1x16xf32>,
        %get3A_314 = vector.shape_cast %get3A_313 : vector<1x16xf32> to vector<16xf32>
        %add3A_315 = arith.addf %add3A_308, %get3A_314 : vector<16xf32>
        %add3A_316 = arith.constant 14 : i32
        %add3A_317 = arith.addi %mul3A_221, %add3A_316 : i32
        %get3A_318 = arith.index_cast %add3A_317 : i32 to index
        %get3A_319 = arith.constant 0 : index
        %get3A_320 = tpu.vector_load %arg9[%get3A_318, %get3A_319] {strides = array<i32>} : memref<640x64xf32, #tpu.memory_space<vmem>>, vector<1x16xf32>,
        %get3A_321 = vector.shape_cast %get3A_320 : vector<1x16xf32> to vector<16xf32>
        %add3A_322 = arith.addf %add3A_315, %get3A_321 : vector<16xf32>
        %add3A_323 = arith.constant 15 : i32
        %add3A_324 = arith.addi %mul3A_221, %add3A_323 : i32
        %get3A_325 = arith.index_cast %add3A_324 : i32 to index
        %get3A_326 = arith.constant 0 : index
        %get3A_327 = tpu.vector_load %arg9[%get3A_325, %get3A_326] {strides = array<i32>} : memref<640x64xf32, #tpu.memory_space<vmem>>, vector<1x16xf32>,
        %get3A_328 = vector.shape_cast %get3A_327 : vector<1x16xf32> to vector<16xf32>
        %add3A_329 = arith.addf %add3A_322, %get3A_328 : vector<16xf32>
        %add3A_330 = arith.constant 16 : i32
        %add3A_331 = arith.addi %mul3A_221, %add3A_330 : i32
        %get3A_332 = arith.index_cast %add3A_331 : i32 to index
        %get3A_333 = arith.constant 0 : index
        %get3A_334 = tpu.vector_load %arg9[%get3A_332, %get3A_333] {strides = array<i32>} : memref<640x64xf32, #tpu.memory_space<vmem>>, vector<1x16xf32>,
        %get3A_335 = vector.shape_cast %get3A_334 : vector<1x16xf32> to vector<16xf32>
        %add3A_336 = arith.addf %add3A_329, %get3A_335 : vector<16xf32>
        %add3A_337 = arith.constant 17 : i32
        %add3A_338 = arith.addi %mul3A_221, %add3A_337 : i32
        %get3A_339 = arith.index_cast %add3A_338 : i32 to index
        %get3A_340 = arith.constant 0 : index
        %get3A_341 = tpu.vector_load %arg9[%get3A_339, %get3A_340] {strides = array<i32>} : memref<640x64xf32, #tpu.memory_space<vmem>>, vector<1x16xf32>,
        %get3A_342 = vector.shape_cast %get3A_341 : vector<1x16xf32> to vector<16xf32>
        %add3A_343 = arith.addf %add3A_336, %get3A_342 : vector<16xf32>
        %add3A_344 = arith.constant 18 : i32
        %add3A_345 = arith.addi %mul3A_221, %add3A_344 : i32
        %get3A_346 = arith.index_cast %add3A_345 : i32 to index
        %get3A_347 = arith.constant 0 : index
        %get3A_348 = tpu.vector_load %arg9[%get3A_346, %get3A_347] {strides = array<i32>} : memref<640x64xf32, #tpu.memory_space<vmem>>, vector<1x16xf32>,
        %get3A_349 = vector.shape_cast %get3A_348 : vector<1x16xf32> to vector<16xf32>
        %add3A_350 = arith.addf %add3A_343, %get3A_349 : vector<16xf32>
        %add3A_351 = arith.constant 19 : i32
        %add3A_352 = arith.addi %mul3A_221, %add3A_351 : i32
        %get3A_353 = arith.index_cast %add3A_352 : i32 to index
        %get3A_354 = arith.constant 0 : index
        %get3A_355 = tpu.vector_load %arg9[%get3A_353, %get3A_354] {strides = array<i32>} : memref<640x64xf32, #tpu.memory_space<vmem>>, vector<1x16xf32>,
        %get3A_356 = vector.shape_cast %get3A_355 : vector<1x16xf32> to vector<16xf32>
        %add3A_357 = arith.addf %add3A_350, %get3A_356 : vector<16xf32>
        %swap3A = arith.index_cast %add3A_219 : i32 to index
        %swap3A_358 = arith.constant 0 : index
        %swap3A_359 = tpu.vector_load %arg13[%swap3A, %swap3A_358] {strides = array<i32>} : memref<32x128xf32, #tpu.memory_space<vmem>>, vector<1x16xf32>,
        %swap3A_360 = vector.shape_cast %swap3A_359 : vector<1x16xf32> to vector<16xf32>
        %swap3A_361 = vector.shape_cast %add3A_357 : vector<16xf32> to vector<1x16xf32>
        tpu.vector_store %arg13[%swap3A, %swap3A_358], %swap3A_361 {strides = array<i32>} : memref<32x128xf32, #tpu.memory_space<vmem>>, vector<1x16xf32>,
        %get3A_362 = arith.index_cast %add3A_219 : i32 to index
        %get3A_363 = arith.constant 0 : index
        %get3A_364 = tpu.vector_load %arg11[%get3A_362, %get3A_363] {strides = array<i32>} : memref<32x64xf32, #tpu.memory_space<vmem>>, vector<1x16xf32>,
        %get3A_365 = vector.shape_cast %get3A_364 : vector<1x16xf32> to vector<16xf32>
        %swap3A_366 = arith.index_cast %add3A_219 : i32 to index
        %swap3A_367 = arith.constant 64 : index
        %swap3A_368 = tpu.vector_load %arg13[%swap3A_366, %swap3A_367] {strides = array<i32>} : memref<32x128xf32, #tpu.memory_space<vmem>>, vector<1x16xf32>,
        %swap3A_369 = vector.shape_cast %swap3A_368 : vector<1x16xf32> to vector<16xf32>
        %swap3A_370 = vector.shape_cast %get3A_365 : vector<16xf32> to vector<1x16xf32>
        tpu.vector_store %arg13[%swap3A_366, %swap3A_367], %swap3A_370 {strides = array<i32>} : memref<32x128xf32, #tpu.memory_space<vmem>>, vector<1x16xf32>,
        %get3A_371 = arith.index_cast %mul3A_221 : i32 to index
        %get3A_372 = arith.constant 16 : index
        %get3A_373 = tpu.vector_load %arg9[%get3A_371, %get3A_372] {strides = array<i32>} : memref<640x64xf32, #tpu.memory_space<vmem>>, vector<1x16xf32>,
        %get3A_374 = vector.shape_cast %get3A_373 : vector<1x16xf32> to vector<16xf32>
        %add3A_375 = arith.constant 1 : i32
        %add3A_376 = arith.addi %mul3A_221, %add3A_375 : i32
        %get3A_377 = arith.index_cast %add3A_376 : i32 to index
        %get3A_378 = arith.constant 16 : index
        %get3A_379 = tpu.vector_load %arg9[%get3A_377, %get3A_378] {strides = array<i32>} : memref<640x64xf32, #tpu.memory_space<vmem>>, vector<1x16xf32>,
        %get3A_380 = vector.shape_cast %get3A_379 : vector<1x16xf32> to vector<16xf32>
        %add3A_381 = arith.addf %get3A_374, %get3A_380 : vector<16xf32>
        %add3A_382 = arith.constant 2 : i32
        %add3A_383 = arith.addi %mul3A_221, %add3A_382 : i32
        %get3A_384 = arith.index_cast %add3A_383 : i32 to index
        %get3A_385 = arith.constant 16 : index
        %get3A_386 = tpu.vector_load %arg9[%get3A_384, %get3A_385] {strides = array<i32>} : memref<640x64xf32, #tpu.memory_space<vmem>>, vector<1x16xf32>,
        %get3A_387 = vector.shape_cast %get3A_386 : vector<1x16xf32> to vector<16xf32>
        %add3A_388 = arith.addf %add3A_381, %get3A_387 : vector<16xf32>
        %add3A_389 = arith.constant 3 : i32
        %add3A_390 = arith.addi %mul3A_221, %add3A_389 : i32
        %get3A_391 = arith.index_cast %add3A_390 : i32 to index
        %get3A_392 = arith.constant 16 : index
        %get3A_393 = tpu.vector_load %arg9[%get3A_391, %get3A_392] {strides = array<i32>} : memref<640x64xf32, #tpu.memory_space<vmem>>, vector<1x16xf32>,
        %get3A_394 = vector.shape_cast %get3A_393 : vector<1x16xf32> to vector<16xf32>
        %add3A_395 = arith.addf %add3A_388, %get3A_394 : vector<16xf32>
        %add3A_396 = arith.constant 4 : i32
        %add3A_397 = arith.addi %mul3A_221, %add3A_396 : i32
        %get3A_398 = arith.index_cast %add3A_397 : i32 to index
        %get3A_399 = arith.constant 16 : index
        %get3A_400 = tpu.vector_load %arg9[%get3A_398, %get3A_399] {strides = array<i32>} : memref<640x64xf32, #tpu.memory_space<vmem>>, vector<1x16xf32>,
        %get3A_401 = vector.shape_cast %get3A_400 : vector<1x16xf32> to vector<16xf32>
        %add3A_402 = arith.addf %add3A_395, %get3A_401 : vector<16xf32>
        %add3A_403 = arith.constant 5 : i32
        %add3A_404 = arith.addi %mul3A_221, %add3A_403 : i32
        %get3A_405 = arith.index_cast %add3A_404 : i32 to index
        %get3A_406 = arith.constant 16 : index
        %get3A_407 = tpu.vector_load %arg9[%get3A_405, %get3A_406] {strides = array<i32>} : memref<640x64xf32, #tpu.memory_space<vmem>>, vector<1x16xf32>,
        %get3A_408 = vector.shape_cast %get3A_407 : vector<1x16xf32> to vector<16xf32>
        %add3A_409 = arith.addf %add3A_402, %get3A_408 : vector<16xf32>
        %add3A_410 = arith.constant 6 : i32
        %add3A_411 = arith.addi %mul3A_221, %add3A_410 : i32
        %get3A_412 = arith.index_cast %add3A_411 : i32 to index
        %get3A_413 = arith.constant 16 : index
        %get3A_414 = tpu.vector_load %arg9[%get3A_412, %get3A_413] {strides = array<i32>} : memref<640x64xf32, #tpu.memory_space<vmem>>, vector<1x16xf32>,
        %get3A_415 = vector.shape_cast %get3A_414 : vector<1x16xf32> to vector<16xf32>
        %add3A_416 = arith.addf %add3A_409, %get3A_415 : vector<16xf32>
        %add3A_417 = arith.constant 7 : i32
        %add3A_418 = arith.addi %mul3A_221, %add3A_417 : i32
        %get3A_419 = arith.index_cast %add3A_418 : i32 to index
        %get3A_420 = arith.constant 16 : index
        %get3A_421 = tpu.vector_load %arg9[%get3A_419, %get3A_420] {strides = array<i32>} : memref<640x64xf32, #tpu.memory_space<vmem>>, vector<1x16xf32>,
        %get3A_422 = vector.shape_cast %get3A_421 : vector<1x16xf32> to vector<16xf32>
        %add3A_423 = arith.addf %add3A_416, %get3A_422 : vector<16xf32>
        %add3A_424 = arith.constant 8 : i32
        %add3A_425 = arith.addi %mul3A_221, %add3A_424 : i32
        %get3A_426 = arith.index_cast %add3A_425 : i32 to index
        %get3A_427 = arith.constant 16 : index
        %get3A_428 = tpu.vector_load %arg9[%get3A_426, %get3A_427] {strides = array<i32>} : memref<640x64xf32, #tpu.memory_space<vmem>>, vector<1x16xf32>,
        %get3A_429 = vector.shape_cast %get3A_428 : vector<1x16xf32> to vector<16xf32>
        %add3A_430 = arith.addf %add3A_423, %get3A_429 : vector<16xf32>
        %add3A_431 = arith.constant 9 : i32
        %add3A_432 = arith.addi %mul3A_221, %add3A_431 : i32
        %get3A_433 = arith.index_cast %add3A_432 : i32 to index
        %get3A_434 = arith.constant 16 : index
        %get3A_435 = tpu.vector_load %arg9[%get3A_433, %get3A_434] {strides = array<i32>} : memref<640x64xf32, #tpu.memory_space<vmem>>, vector<1x16xf32>,
        %get3A_436 = vector.shape_cast %get3A_435 : vector<1x16xf32> to vector<16xf32>
        %add3A_437 = arith.addf %add3A_430, %get3A_436 : vector<16xf32>
        %add3A_438 = arith.constant 10 : i32
        %add3A_439 = arith.addi %mul3A_221, %add3A_438 : i32
        %get3A_440 = arith.index_cast %add3A_439 : i32 to index
        %get3A_441 = arith.constant 16 : index
        %get3A_442 = tpu.vector_load %arg9[%get3A_440, %get3A_441] {strides = array<i32>} : memref<640x64xf32, #tpu.memory_space<vmem>>, vector<1x16xf32>,
        %get3A_443 = vector.shape_cast %get3A_442 : vector<1x16xf32> to vector<16xf32>
        %add3A_444 = arith.addf %add3A_437, %get3A_443 : vector<16xf32>
        %add3A_445 = arith.constant 11 : i32
        %add3A_446 = arith.addi %mul3A_221, %add3A_445 : i32
        %get3A_447 = arith.index_cast %add3A_446 : i32 to index
        %get3A_448 = arith.constant 16 : index
        %get3A_449 = tpu.vector_load %arg9[%get3A_447, %get3A_448] {strides = array<i32>} : memref<640x64xf32, #tpu.memory_space<vmem>>, vector<1x16xf32>,
        %get3A_450 = vector.shape_cast %get3A_449 : vector<1x16xf32> to vector<16xf32>
        %add3A_451 = arith.addf %add3A_444, %get3A_450 : vector<16xf32>
        %add3A_452 = arith.constant 12 : i32
        %add3A_453 = arith.addi %mul3A_221, %add3A_452 : i32
        %get3A_454 = arith.index_cast %add3A_453 : i32 to index
        %get3A_455 = arith.constant 16 : index
        %get3A_456 = tpu.vector_load %arg9[%get3A_454, %get3A_455] {strides = array<i32>} : memref<640x64xf32, #tpu.memory_space<vmem>>, vector<1x16xf32>,
        %get3A_457 = vector.shape_cast %get3A_456 : vector<1x16xf32> to vector<16xf32>
        %add3A_458 = arith.addf %add3A_451, %get3A_457 : vector<16xf32>
        %add3A_459 = arith.constant 13 : i32
        %add3A_460 = arith.addi %mul3A_221, %add3A_459 : i32
        %get3A_461 = arith.index_cast %add3A_460 : i32 to index
        %get3A_462 = arith.constant 16 : index
        %get3A_463 = tpu.vector_load %arg9[%get3A_461, %get3A_462] {strides = array<i32>} : memref<640x64xf32, #tpu.memory_space<vmem>>, vector<1x16xf32>,
        %get3A_464 = vector.shape_cast %get3A_463 : vector<1x16xf32> to vector<16xf32>
        %add3A_465 = arith.addf %add3A_458, %get3A_464 : vector<16xf32>
        %add3A_466 = arith.constant 14 : i32
        %add3A_467 = arith.addi %mul3A_221, %add3A_466 : i32
        %get3A_468 = arith.index_cast %add3A_467 : i32 to index
        %get3A_469 = arith.constant 16 : index
        %get3A_470 = tpu.vector_load %arg9[%get3A_468, %get3A_469] {strides = array<i32>} : memref<640x64xf32, #tpu.memory_space<vmem>>, vector<1x16xf32>,
        %get3A_471 = vector.shape_cast %get3A_470 : vector<1x16xf32> to vector<16xf32>
        %add3A_472 = arith.addf %add3A_465, %get3A_471 : vector<16xf32>
        %add3A_473 = arith.constant 15 : i32
        %add3A_474 = arith.addi %mul3A_221, %add3A_473 : i32
        %get3A_475 = arith.index_cast %add3A_474 : i32 to index
        %get3A_476 = arith.constant 16 : index
        %get3A_477 = tpu.vector_load %arg9[%get3A_475, %get3A_476] {strides = array<i32>} : memref<640x64xf32, #tpu.memory_space<vmem>>, vector<1x16xf32>,
        %get3A_478 = vector.shape_cast %get3A_477 : vector<1x16xf32> to vector<16xf32>
        %add3A_479 = arith.addf %add3A_472, %get3A_478 : vector<16xf32>
        %add3A_480 = arith.constant 16 : i32
        %add3A_481 = arith.addi %mul3A_221, %add3A_480 : i32
        %get3A_482 = arith.index_cast %add3A_481 : i32 to index
        %get3A_483 = arith.constant 16 : index
        %get3A_484 = tpu.vector_load %arg9[%get3A_482, %get3A_483] {strides = array<i32>} : memref<640x64xf32, #tpu.memory_space<vmem>>, vector<1x16xf32>,
        %get3A_485 = vector.shape_cast %get3A_484 : vector<1x16xf32> to vector<16xf32>
        %add3A_486 = arith.addf %add3A_479, %get3A_485 : vector<16xf32>
        %add3A_487 = arith.constant 17 : i32
        %add3A_488 = arith.addi %mul3A_221, %add3A_487 : i32
        %get3A_489 = arith.index_cast %add3A_488 : i32 to index
        %get3A_490 = arith.constant 16 : index
        %get3A_491 = tpu.vector_load %arg9[%get3A_489, %get3A_490] {strides = array<i32>} : memref<640x64xf32, #tpu.memory_space<vmem>>, vector<1x16xf32>,
        %get3A_492 = vector.shape_cast %get3A_491 : vector<1x16xf32> to vector<16xf32>
        %add3A_493 = arith.addf %add3A_486, %get3A_492 : vector<16xf32>
        %add3A_494 = arith.constant 18 : i32
        %add3A_495 = arith.addi %mul3A_221, %add3A_494 : i32
        %get3A_496 = arith.index_cast %add3A_495 : i32 to index
        %get3A_497 = arith.constant 16 : index
        %get3A_498 = tpu.vector_load %arg9[%get3A_496, %get3A_497] {strides = array<i32>} : memref<640x64xf32, #tpu.memory_space<vmem>>, vector<1x16xf32>,
        %get3A_499 = vector.shape_cast %get3A_498 : vector<1x16xf32> to vector<16xf32>
        %add3A_500 = arith.addf %add3A_493, %get3A_499 : vector<16xf32>
        %add3A_501 = arith.constant 19 : i32
        %add3A_502 = arith.addi %mul3A_221, %add3A_501 : i32
        %get3A_503 = arith.index_cast %add3A_502 : i32 to index
        %get3A_504 = arith.constant 16 : index
        %get3A_505 = tpu.vector_load %arg9[%get3A_503, %get3A_504] {strides = array<i32>} : memref<640x64xf32, #tpu.memory_space<vmem>>, vector<1x16xf32>,
        %get3A_506 = vector.shape_cast %get3A_505 : vector<1x16xf32> to vector<16xf32>
        %add3A_507 = arith.addf %add3A_500, %get3A_506 : vector<16xf32>
        %swap3A_508 = arith.index_cast %add3A_219 : i32 to index
        %swap3A_509 = arith.constant 16 : index
        %swap3A_510 = tpu.vector_load %arg13[%swap3A_508, %swap3A_509] {strides = array<i32>} : memref<32x128xf32, #tpu.memory_space<vmem>>, vector<1x16xf32>,
        %swap3A_511 = vector.shape_cast %swap3A_510 : vector<1x16xf32> to vector<16xf32>
        %swap3A_512 = vector.shape_cast %add3A_507 : vector<16xf32> to vector<1x16xf32>
        tpu.vector_store %arg13[%swap3A_508, %swap3A_509], %swap3A_512 {strides = array<i32>} : memref<32x128xf32, #tpu.memory_space<vmem>>, vector<1x16xf32>,
        %get3A_513 = arith.index_cast %add3A_219 : i32 to index
        %get3A_514 = arith.constant 16 : index
        %get3A_515 = tpu.vector_load %arg11[%get3A_513, %get3A_514] {strides = array<i32>} : memref<32x64xf32, #tpu.memory_space<vmem>>, vector<1x16xf32>,
        %get3A_516 = vector.shape_cast %get3A_515 : vector<1x16xf32> to vector<16xf32>
        %swap3A_517 = arith.index_cast %add3A_219 : i32 to index
        %swap3A_518 = arith.constant 80 : index
        %swap3A_519 = tpu.vector_load %arg13[%swap3A_517, %swap3A_518] {strides = array<i32>} : memref<32x128xf32, #tpu.memory_space<vmem>>, vector<1x16xf32>,
        %swap3A_520 = vector.shape_cast %swap3A_519 : vector<1x16xf32> to vector<16xf32>
        %swap3A_521 = vector.shape_cast %get3A_516 : vector<16xf32> to vector<1x16xf32>
        tpu.vector_store %arg13[%swap3A_517, %swap3A_518], %swap3A_521 {strides = array<i32>} : memref<32x128xf32, #tpu.memory_space<vmem>>, vector<1x16xf32>,
        %get3A_522 = arith.index_cast %mul3A_221 : i32 to index
        %get3A_523 = arith.constant 32 : index
        %get3A_524 = tpu.vector_load %arg9[%get3A_522, %get3A_523] {strides = array<i32>} : memref<640x64xf32, #tpu.memory_space<vmem>>, vector<1x16xf32>,
        %get3A_525 = vector.shape_cast %get3A_524 : vector<1x16xf32> to vector<16xf32>
        %add3A_526 = arith.constant 1 : i32
        %add3A_527 = arith.addi %mul3A_221, %add3A_526 : i32
        %get3A_528 = arith.index_cast %add3A_527 : i32 to index
        %get3A_529 = arith.constant 32 : index
        %get3A_530 = tpu.vector_load %arg9[%get3A_528, %get3A_529] {strides = array<i32>} : memref<640x64xf32, #tpu.memory_space<vmem>>, vector<1x16xf32>,
        %get3A_531 = vector.shape_cast %get3A_530 : vector<1x16xf32> to vector<16xf32>
        %add3A_532 = arith.addf %get3A_525, %get3A_531 : vector<16xf32>
        %add3A_533 = arith.constant 2 : i32
        %add3A_534 = arith.addi %mul3A_221, %add3A_533 : i32
        %get3A_535 = arith.index_cast %add3A_534 : i32 to index
        %get3A_536 = arith.constant 32 : index
        %get3A_537 = tpu.vector_load %arg9[%get3A_535, %get3A_536] {strides = array<i32>} : memref<640x64xf32, #tpu.memory_space<vmem>>, vector<1x16xf32>,
        %get3A_538 = vector.shape_cast %get3A_537 : vector<1x16xf32> to vector<16xf32>
        %add3A_539 = arith.addf %add3A_532, %get3A_538 : vector<16xf32>
        %add3A_540 = arith.constant 3 : i32
        %add3A_541 = arith.addi %mul3A_221, %add3A_540 : i32
        %get3A_542 = arith.index_cast %add3A_541 : i32 to index
        %get3A_543 = arith.constant 32 : index
        %get3A_544 = tpu.vector_load %arg9[%get3A_542, %get3A_543] {strides = array<i32>} : memref<640x64xf32, #tpu.memory_space<vmem>>, vector<1x16xf32>,
        %get3A_545 = vector.shape_cast %get3A_544 : vector<1x16xf32> to vector<16xf32>
        %add3A_546 = arith.addf %add3A_539, %get3A_545 : vector<16xf32>
        %add3A_547 = arith.constant 4 : i32
        %add3A_548 = arith.addi %mul3A_221, %add3A_547 : i32
        %get3A_549 = arith.index_cast %add3A_548 : i32 to index
        %get3A_550 = arith.constant 32 : index
        %get3A_551 = tpu.vector_load %arg9[%get3A_549, %get3A_550] {strides = array<i32>} : memref<640x64xf32, #tpu.memory_space<vmem>>, vector<1x16xf32>,
        %get3A_552 = vector.shape_cast %get3A_551 : vector<1x16xf32> to vector<16xf32>
        %add3A_553 = arith.addf %add3A_546, %get3A_552 : vector<16xf32>
        %add3A_554 = arith.constant 5 : i32
        %add3A_555 = arith.addi %mul3A_221, %add3A_554 : i32
        %get3A_556 = arith.index_cast %add3A_555 : i32 to index
        %get3A_557 = arith.constant 32 : index
        %get3A_558 = tpu.vector_load %arg9[%get3A_556, %get3A_557] {strides = array<i32>} : memref<640x64xf32, #tpu.memory_space<vmem>>, vector<1x16xf32>,
        %get3A_559 = vector.shape_cast %get3A_558 : vector<1x16xf32> to vector<16xf32>
        %add3A_560 = arith.addf %add3A_553, %get3A_559 : vector<16xf32>
        %add3A_561 = arith.constant 6 : i32
        %add3A_562 = arith.addi %mul3A_221, %add3A_561 : i32
        %get3A_563 = arith.index_cast %add3A_562 : i32 to index
        %get3A_564 = arith.constant 32 : index
        %get3A_565 = tpu.vector_load %arg9[%get3A_563, %get3A_564] {strides = array<i32>} : memref<640x64xf32, #tpu.memory_space<vmem>>, vector<1x16xf32>,
        %get3A_566 = vector.shape_cast %get3A_565 : vector<1x16xf32> to vector<16xf32>
        %add3A_567 = arith.addf %add3A_560, %get3A_566 : vector<16xf32>
        %add3A_568 = arith.constant 7 : i32
        %add3A_569 = arith.addi %mul3A_221, %add3A_568 : i32
        %get3A_570 = arith.index_cast %add3A_569 : i32 to index
        %get3A_571 = arith.constant 32 : index
        %get3A_572 = tpu.vector_load %arg9[%get3A_570, %get3A_571] {strides = array<i32>} : memref<640x64xf32, #tpu.memory_space<vmem>>, vector<1x16xf32>,
        %get3A_573 = vector.shape_cast %get3A_572 : vector<1x16xf32> to vector<16xf32>
        %add3A_574 = arith.addf %add3A_567, %get3A_573 : vector<16xf32>
        %add3A_575 = arith.constant 8 : i32
        %add3A_576 = arith.addi %mul3A_221, %add3A_575 : i32
        %get3A_577 = arith.index_cast %add3A_576 : i32 to index
        %get3A_578 = arith.constant 32 : index
        %get3A_579 = tpu.vector_load %arg9[%get3A_577, %get3A_578] {strides = array<i32>} : memref<640x64xf32, #tpu.memory_space<vmem>>, vector<1x16xf32>,
        %get3A_580 = vector.shape_cast %get3A_579 : vector<1x16xf32> to vector<16xf32>
        %add3A_581 = arith.addf %add3A_574, %get3A_580 : vector<16xf32>
        %add3A_582 = arith.constant 9 : i32
        %add3A_583 = arith.addi %mul3A_221, %add3A_582 : i32
        %get3A_584 = arith.index_cast %add3A_583 : i32 to index
        %get3A_585 = arith.constant 32 : index
        %get3A_586 = tpu.vector_load %arg9[%get3A_584, %get3A_585] {strides = array<i32>} : memref<640x64xf32, #tpu.memory_space<vmem>>, vector<1x16xf32>,
        %get3A_587 = vector.shape_cast %get3A_586 : vector<1x16xf32> to vector<16xf32>
        %add3A_588 = arith.addf %add3A_581, %get3A_587 : vector<16xf32>
        %add3A_589 = arith.constant 10 : i32
        %add3A_590 = arith.addi %mul3A_221, %add3A_589 : i32
        %get3A_591 = arith.index_cast %add3A_590 : i32 to index
        %get3A_592 = arith.constant 32 : index
        %get3A_593 = tpu.vector_load %arg9[%get3A_591, %get3A_592] {strides = array<i32>} : memref<640x64xf32, #tpu.memory_space<vmem>>, vector<1x16xf32>,
        %get3A_594 = vector.shape_cast %get3A_593 : vector<1x16xf32> to vector<16xf32>
        %add3A_595 = arith.addf %add3A_588, %get3A_594 : vector<16xf32>
        %add3A_596 = arith.constant 11 : i32
        %add3A_597 = arith.addi %mul3A_221, %add3A_596 : i32
        %get3A_598 = arith.index_cast %add3A_597 : i32 to index
        %get3A_599 = arith.constant 32 : index
        %get3A_600 = tpu.vector_load %arg9[%get3A_598, %get3A_599] {strides = array<i32>} : memref<640x64xf32, #tpu.memory_space<vmem>>, vector<1x16xf32>,
        %get3A_601 = vector.shape_cast %get3A_600 : vector<1x16xf32> to vector<16xf32>
        %add3A_602 = arith.addf %add3A_595, %get3A_601 : vector<16xf32>
        %add3A_603 = arith.constant 12 : i32
        %add3A_604 = arith.addi %mul3A_221, %add3A_603 : i32
        %get3A_605 = arith.index_cast %add3A_604 : i32 to index
        %get3A_606 = arith.constant 32 : index
        %get3A_607 = tpu.vector_load %arg9[%get3A_605, %get3A_606] {strides = array<i32>} : memref<640x64xf32, #tpu.memory_space<vmem>>, vector<1x16xf32>,
        %get3A_608 = vector.shape_cast %get3A_607 : vector<1x16xf32> to vector<16xf32>
        %add3A_609 = arith.addf %add3A_602, %get3A_608 : vector<16xf32>
        %add3A_610 = arith.constant 13 : i32
        %add3A_611 = arith.addi %mul3A_221, %add3A_610 : i32
        %get3A_612 = arith.index_cast %add3A_611 : i32 to index
        %get3A_613 = arith.constant 32 : index
        %get3A_614 = tpu.vector_load %arg9[%get3A_612, %get3A_613] {strides = array<i32>} : memref<640x64xf32, #tpu.memory_space<vmem>>, vector<1x16xf32>,
        %get3A_615 = vector.shape_cast %get3A_614 : vector<1x16xf32> to vector<16xf32>
        %add3A_616 = arith.addf %add3A_609, %get3A_615 : vector<16xf32>
        %add3A_617 = arith.constant 14 : i32
        %add3A_618 = arith.addi %mul3A_221, %add3A_617 : i32
        %get3A_619 = arith.index_cast %add3A_618 : i32 to index
        %get3A_620 = arith.constant 32 : index
        %get3A_621 = tpu.vector_load %arg9[%get3A_619, %get3A_620] {strides = array<i32>} : memref<640x64xf32, #tpu.memory_space<vmem>>, vector<1x16xf32>,
        %get3A_622 = vector.shape_cast %get3A_621 : vector<1x16xf32> to vector<16xf32>
        %add3A_623 = arith.addf %add3A_616, %get3A_622 : vector<16xf32>
        %add3A_624 = arith.constant 15 : i32
        %add3A_625 = arith.addi %mul3A_221, %add3A_624 : i32
        %get3A_626 = arith.index_cast %add3A_625 : i32 to index
        %get3A_627 = arith.constant 32 : index
        %get3A_628 = tpu.vector_load %arg9[%get3A_626, %get3A_627] {strides = array<i32>} : memref<640x64xf32, #tpu.memory_space<vmem>>, vector<1x16xf32>,
        %get3A_629 = vector.shape_cast %get3A_628 : vector<1x16xf32> to vector<16xf32>
        %add3A_630 = arith.addf %add3A_623, %get3A_629 : vector<16xf32>
        %add3A_631 = arith.constant 16 : i32
        %add3A_632 = arith.addi %mul3A_221, %add3A_631 : i32
        %get3A_633 = arith.index_cast %add3A_632 : i32 to index
        %get3A_634 = arith.constant 32 : index
        %get3A_635 = tpu.vector_load %arg9[%get3A_633, %get3A_634] {strides = array<i32>} : memref<640x64xf32, #tpu.memory_space<vmem>>, vector<1x16xf32>,
        %get3A_636 = vector.shape_cast %get3A_635 : vector<1x16xf32> to vector<16xf32>
        %add3A_637 = arith.addf %add3A_630, %get3A_636 : vector<16xf32>
        %add3A_638 = arith.constant 17 : i32
        %add3A_639 = arith.addi %mul3A_221, %add3A_638 : i32
        %get3A_640 = arith.index_cast %add3A_639 : i32 to index
        %get3A_641 = arith.constant 32 : index
        %get3A_642 = tpu.vector_load %arg9[%get3A_640, %get3A_641] {strides = array<i32>} : memref<640x64xf32, #tpu.memory_space<vmem>>, vector<1x16xf32>,
        %get3A_643 = vector.shape_cast %get3A_642 : vector<1x16xf32> to vector<16xf32>
        %add3A_644 = arith.addf %add3A_637, %get3A_643 : vector<16xf32>
        %add3A_645 = arith.constant 18 : i32
        %add3A_646 = arith.addi %mul3A_221, %add3A_645 : i32
        %get3A_647 = arith.index_cast %add3A_646 : i32 to index
        %get3A_648 = arith.constant 32 : index
        %get3A_649 = tpu.vector_load %arg9[%get3A_647, %get3A_648] {strides = array<i32>} : memref<640x64xf32, #tpu.memory_space<vmem>>, vector<1x16xf32>,
        %get3A_650 = vector.shape_cast %get3A_649 : vector<1x16xf32> to vector<16xf32>
        %add3A_651 = arith.addf %add3A_644, %get3A_650 : vector<16xf32>
        %add3A_652 = arith.constant 19 : i32
        %add3A_653 = arith.addi %mul3A_221, %add3A_652 : i32
        %get3A_654 = arith.index_cast %add3A_653 : i32 to index
        %get3A_655 = arith.constant 32 : index
        %get3A_656 = tpu.vector_load %arg9[%get3A_654, %get3A_655] {strides = array<i32>} : memref<640x64xf32, #tpu.memory_space<vmem>>, vector<1x16xf32>,
        %get3A_657 = vector.shape_cast %get3A_656 : vector<1x16xf32> to vector<16xf32>
        %add3A_658 = arith.addf %add3A_651, %get3A_657 : vector<16xf32>
        %swap3A_659 = arith.index_cast %add3A_219 : i32 to index
        %swap3A_660 = arith.constant 32 : index
        %swap3A_661 = tpu.vector_load %arg13[%swap3A_659, %swap3A_660] {strides = array<i32>} : memref<32x128xf32, #tpu.memory_space<vmem>>, vector<1x16xf32>,
        %swap3A_662 = vector.shape_cast %swap3A_661 : vector<1x16xf32> to vector<16xf32>
        %swap3A_663 = vector.shape_cast %add3A_658 : vector<16xf32> to vector<1x16xf32>
        tpu.vector_store %arg13[%swap3A_659, %swap3A_660], %swap3A_663 {strides = array<i32>} : memref<32x128xf32, #tpu.memory_space<vmem>>, vector<1x16xf32>,
        %get3A_664 = arith.index_cast %add3A_219 : i32 to index
        %get3A_665 = arith.constant 32 : index
        %get3A_666 = tpu.vector_load %arg11[%get3A_664, %get3A_665] {strides = array<i32>} : memref<32x64xf32, #tpu.memory_space<vmem>>, vector<1x16xf32>,
        %get3A_667 = vector.shape_cast %get3A_666 : vector<1x16xf32> to vector<16xf32>
        %swap3A_668 = arith.index_cast %add3A_219 : i32 to index
        %swap3A_669 = arith.constant 96 : index
        %swap3A_670 = tpu.vector_load %arg13[%swap3A_668, %swap3A_669] {strides = array<i32>} : memref<32x128xf32, #tpu.memory_space<vmem>>, vector<1x16xf32>,
        %swap3A_671 = vector.shape_cast %swap3A_670 : vector<1x16xf32> to vector<16xf32>
        %swap3A_672 = vector.shape_cast %get3A_667 : vector<16xf32> to vector<1x16xf32>
        tpu.vector_store %arg13[%swap3A_668, %swap3A_669], %swap3A_672 {strides = array<i32>} : memref<32x128xf32, #tpu.memory_space<vmem>>, vector<1x16xf32>,
        %get3A_673 = arith.index_cast %mul3A_221 : i32 to index
        %get3A_674 = arith.constant 48 : index
        %get3A_675 = tpu.vector_load %arg9[%get3A_673, %get3A_674] {strides = array<i32>} : memref<640x64xf32, #tpu.memory_space<vmem>>, vector<1x16xf32>,
        %get3A_676 = vector.shape_cast %get3A_675 : vector<1x16xf32> to vector<16xf32>
        %add3A_677 = arith.constant 1 : i32
        %add3A_678 = arith.addi %mul3A_221, %add3A_677 : i32
        %get3A_679 = arith.index_cast %add3A_678 : i32 to index
        %get3A_680 = arith.constant 48 : index
        %get3A_681 = tpu.vector_load %arg9[%get3A_679, %get3A_680] {strides = array<i32>} : memref<640x64xf32, #tpu.memory_space<vmem>>, vector<1x16xf32>,
        %get3A_682 = vector.shape_cast %get3A_681 : vector<1x16xf32> to vector<16xf32>
        %add3A_683 = arith.addf %get3A_676, %get3A_682 : vector<16xf32>
        %add3A_684 = arith.constant 2 : i32
        %add3A_685 = arith.addi %mul3A_221, %add3A_684 : i32
        %get3A_686 = arith.index_cast %add3A_685 : i32 to index
        %get3A_687 = arith.constant 48 : index
        %get3A_688 = tpu.vector_load %arg9[%get3A_686, %get3A_687] {strides = array<i32>} : memref<640x64xf32, #tpu.memory_space<vmem>>, vector<1x16xf32>,
        %get3A_689 = vector.shape_cast %get3A_688 : vector<1x16xf32> to vector<16xf32>
        %add3A_690 = arith.addf %add3A_683, %get3A_689 : vector<16xf32>
        %add3A_691 = arith.constant 3 : i32
        %add3A_692 = arith.addi %mul3A_221, %add3A_691 : i32
        %get3A_693 = arith.index_cast %add3A_692 : i32 to index
        %get3A_694 = arith.constant 48 : index
        %get3A_695 = tpu.vector_load %arg9[%get3A_693, %get3A_694] {strides = array<i32>} : memref<640x64xf32, #tpu.memory_space<vmem>>, vector<1x16xf32>,
        %get3A_696 = vector.shape_cast %get3A_695 : vector<1x16xf32> to vector<16xf32>
        %add3A_697 = arith.addf %add3A_690, %get3A_696 : vector<16xf32>
        %add3A_698 = arith.constant 4 : i32
        %add3A_699 = arith.addi %mul3A_221, %add3A_698 : i32
        %get3A_700 = arith.index_cast %add3A_699 : i32 to index
        %get3A_701 = arith.constant 48 : index
        %get3A_702 = tpu.vector_load %arg9[%get3A_700, %get3A_701] {strides = array<i32>} : memref<640x64xf32, #tpu.memory_space<vmem>>, vector<1x16xf32>,
        %get3A_703 = vector.shape_cast %get3A_702 : vector<1x16xf32> to vector<16xf32>
        %add3A_704 = arith.addf %add3A_697, %get3A_703 : vector<16xf32>
        %add3A_705 = arith.constant 5 : i32
        %add3A_706 = arith.addi %mul3A_221, %add3A_705 : i32
        %get3A_707 = arith.index_cast %add3A_706 : i32 to index
        %get3A_708 = arith.constant 48 : index
        %get3A_709 = tpu.vector_load %arg9[%get3A_707, %get3A_708] {strides = array<i32>} : memref<640x64xf32, #tpu.memory_space<vmem>>, vector<1x16xf32>,
        %get3A_710 = vector.shape_cast %get3A_709 : vector<1x16xf32> to vector<16xf32>
        %add3A_711 = arith.addf %add3A_704, %get3A_710 : vector<16xf32>
        %add3A_712 = arith.constant 6 : i32
        %add3A_713 = arith.addi %mul3A_221, %add3A_712 : i32
        %get3A_714 = arith.index_cast %add3A_713 : i32 to index
        %get3A_715 = arith.constant 48 : index
        %get3A_716 = tpu.vector_load %arg9[%get3A_714, %get3A_715] {strides = array<i32>} : memref<640x64xf32, #tpu.memory_space<vmem>>, vector<1x16xf32>,
        %get3A_717 = vector.shape_cast %get3A_716 : vector<1x16xf32> to vector<16xf32>
        %add3A_718 = arith.addf %add3A_711, %get3A_717 : vector<16xf32>
        %add3A_719 = arith.constant 7 : i32
        %add3A_720 = arith.addi %mul3A_221, %add3A_719 : i32
        %get3A_721 = arith.index_cast %add3A_720 : i32 to index
        %get3A_722 = arith.constant 48 : index
        %get3A_723 = tpu.vector_load %arg9[%get3A_721, %get3A_722] {strides = array<i32>} : memref<640x64xf32, #tpu.memory_space<vmem>>, vector<1x16xf32>,
        %get3A_724 = vector.shape_cast %get3A_723 : vector<1x16xf32> to vector<16xf32>
        %add3A_725 = arith.addf %add3A_718, %get3A_724 : vector<16xf32>
        %add3A_726 = arith.constant 8 : i32
        %add3A_727 = arith.addi %mul3A_221, %add3A_726 : i32
        %get3A_728 = arith.index_cast %add3A_727 : i32 to index
        %get3A_729 = arith.constant 48 : index
        %get3A_730 = tpu.vector_load %arg9[%get3A_728, %get3A_729] {strides = array<i32>} : memref<640x64xf32, #tpu.memory_space<vmem>>, vector<1x16xf32>,
        %get3A_731 = vector.shape_cast %get3A_730 : vector<1x16xf32> to vector<16xf32>
        %add3A_732 = arith.addf %add3A_725, %get3A_731 : vector<16xf32>
        %add3A_733 = arith.constant 9 : i32
        %add3A_734 = arith.addi %mul3A_221, %add3A_733 : i32
        %get3A_735 = arith.index_cast %add3A_734 : i32 to index
        %get3A_736 = arith.constant 48 : index
        %get3A_737 = tpu.vector_load %arg9[%get3A_735, %get3A_736] {strides = array<i32>} : memref<640x64xf32, #tpu.memory_space<vmem>>, vector<1x16xf32>,
        %get3A_738 = vector.shape_cast %get3A_737 : vector<1x16xf32> to vector<16xf32>
        %add3A_739 = arith.addf %add3A_732, %get3A_738 : vector<16xf32>
        %add3A_740 = arith.constant 10 : i32
        %add3A_741 = arith.addi %mul3A_221, %add3A_740 : i32
        %get3A_742 = arith.index_cast %add3A_741 : i32 to index
        %get3A_743 = arith.constant 48 : index
        %get3A_744 = tpu.vector_load %arg9[%get3A_742, %get3A_743] {strides = array<i32>} : memref<640x64xf32, #tpu.memory_space<vmem>>, vector<1x16xf32>,
        %get3A_745 = vector.shape_cast %get3A_744 : vector<1x16xf32> to vector<16xf32>
        %add3A_746 = arith.addf %add3A_739, %get3A_745 : vector<16xf32>
        %add3A_747 = arith.constant 11 : i32
        %add3A_748 = arith.addi %mul3A_221, %add3A_747 : i32
        %get3A_749 = arith.index_cast %add3A_748 : i32 to index
        %get3A_750 = arith.constant 48 : index
        %get3A_751 = tpu.vector_load %arg9[%get3A_749, %get3A_750] {strides = array<i32>} : memref<640x64xf32, #tpu.memory_space<vmem>>, vector<1x16xf32>,
        %get3A_752 = vector.shape_cast %get3A_751 : vector<1x16xf32> to vector<16xf32>
        %add3A_753 = arith.addf %add3A_746, %get3A_752 : vector<16xf32>
        %add3A_754 = arith.constant 12 : i32
        %add3A_755 = arith.addi %mul3A_221, %add3A_754 : i32
        %get3A_756 = arith.index_cast %add3A_755 : i32 to index
        %get3A_757 = arith.constant 48 : index
        %get3A_758 = tpu.vector_load %arg9[%get3A_756, %get3A_757] {strides = array<i32>} : memref<640x64xf32, #tpu.memory_space<vmem>>, vector<1x16xf32>,
        %get3A_759 = vector.shape_cast %get3A_758 : vector<1x16xf32> to vector<16xf32>
        %add3A_760 = arith.addf %add3A_753, %get3A_759 : vector<16xf32>
        %add3A_761 = arith.constant 13 : i32
        %add3A_762 = arith.addi %mul3A_221, %add3A_761 : i32
        %get3A_763 = arith.index_cast %add3A_762 : i32 to index
        %get3A_764 = arith.constant 48 : index
        %get3A_765 = tpu.vector_load %arg9[%get3A_763, %get3A_764] {strides = array<i32>} : memref<640x64xf32, #tpu.memory_space<vmem>>, vector<1x16xf32>,
        %get3A_766 = vector.shape_cast %get3A_765 : vector<1x16xf32> to vector<16xf32>
        %add3A_767 = arith.addf %add3A_760, %get3A_766 : vector<16xf32>
        %add3A_768 = arith.constant 14 : i32
        %add3A_769 = arith.addi %mul3A_221, %add3A_768 : i32
        %get3A_770 = arith.index_cast %add3A_769 : i32 to index
        %get3A_771 = arith.constant 48 : index
        %get3A_772 = tpu.vector_load %arg9[%get3A_770, %get3A_771] {strides = array<i32>} : memref<640x64xf32, #tpu.memory_space<vmem>>, vector<1x16xf32>,
        %get3A_773 = vector.shape_cast %get3A_772 : vector<1x16xf32> to vector<16xf32>
        %add3A_774 = arith.addf %add3A_767, %get3A_773 : vector<16xf32>
        %add3A_775 = arith.constant 15 : i32
        %add3A_776 = arith.addi %mul3A_221, %add3A_775 : i32
        %get3A_777 = arith.index_cast %add3A_776 : i32 to index
        %get3A_778 = arith.constant 48 : index
        %get3A_779 = tpu.vector_load %arg9[%get3A_777, %get3A_778] {strides = array<i32>} : memref<640x64xf32, #tpu.memory_space<vmem>>, vector<1x16xf32>,
        %get3A_780 = vector.shape_cast %get3A_779 : vector<1x16xf32> to vector<16xf32>
        %add3A_781 = arith.addf %add3A_774, %get3A_780 : vector<16xf32>
        %add3A_782 = arith.constant 16 : i32
        %add3A_783 = arith.addi %mul3A_221, %add3A_782 : i32
        %get3A_784 = arith.index_cast %add3A_783 : i32 to index
        %get3A_785 = arith.constant 48 : index
        %get3A_786 = tpu.vector_load %arg9[%get3A_784, %get3A_785] {strides = array<i32>} : memref<640x64xf32, #tpu.memory_space<vmem>>, vector<1x16xf32>,
        %get3A_787 = vector.shape_cast %get3A_786 : vector<1x16xf32> to vector<16xf32>
        %add3A_788 = arith.addf %add3A_781, %get3A_787 : vector<16xf32>
        %add3A_789 = arith.constant 17 : i32
        %add3A_790 = arith.addi %mul3A_221, %add3A_789 : i32
        %get3A_791 = arith.index_cast %add3A_790 : i32 to index
        %get3A_792 = arith.constant 48 : index
        %get3A_793 = tpu.vector_load %arg9[%get3A_791, %get3A_792] {strides = array<i32>} : memref<640x64xf32, #tpu.memory_space<vmem>>, vector<1x16xf32>,
        %get3A_794 = vector.shape_cast %get3A_793 : vector<1x16xf32> to vector<16xf32>
        %add3A_795 = arith.addf %add3A_788, %get3A_794 : vector<16xf32>
        %add3A_796 = arith.constant 18 : i32
        %add3A_797 = arith.addi %mul3A_221, %add3A_796 : i32
        %get3A_798 = arith.index_cast %add3A_797 : i32 to index
        %get3A_799 = arith.constant 48 : index
        %get3A_800 = tpu.vector_load %arg9[%get3A_798, %get3A_799] {strides = array<i32>} : memref<640x64xf32, #tpu.memory_space<vmem>>, vector<1x16xf32>,
        %get3A_801 = vector.shape_cast %get3A_800 : vector<1x16xf32> to vector<16xf32>
        %add3A_802 = arith.addf %add3A_795, %get3A_801 : vector<16xf32>
        %add3A_803 = arith.constant 19 : i32
        %add3A_804 = arith.addi %mul3A_221, %add3A_803 : i32
        %get3A_805 = arith.index_cast %add3A_804 : i32 to index
        %get3A_806 = arith.constant 48 : index
        %get3A_807 = tpu.vector_load %arg9[%get3A_805, %get3A_806] {strides = array<i32>} : memref<640x64xf32, #tpu.memory_space<vmem>>, vector<1x16xf32>,
        %get3A_808 = vector.shape_cast %get3A_807 : vector<1x16xf32> to vector<16xf32>
        %add3A_809 = arith.addf %add3A_802, %get3A_808 : vector<16xf32>
        %swap3A_810 = arith.index_cast %add3A_219 : i32 to index
        %swap3A_811 = arith.constant 48 : index
        %swap3A_812 = tpu.vector_load %arg13[%swap3A_810, %swap3A_811] {strides = array<i32>} : memref<32x128xf32, #tpu.memory_space<vmem>>, vector<1x16xf32>,
        %swap3A_813 = vector.shape_cast %swap3A_812 : vector<1x16xf32> to vector<16xf32>
        %swap3A_814 = vector.shape_cast %add3A_809 : vector<16xf32> to vector<1x16xf32>
        tpu.vector_store %arg13[%swap3A_810, %swap3A_811], %swap3A_814 {strides = array<i32>} : memref<32x128xf32, #tpu.memory_space<vmem>>, vector<1x16xf32>,
        %get3A_815 = arith.index_cast %add3A_219 : i32 to index
        %get3A_816 = arith.constant 48 : index
        %get3A_817 = tpu.vector_load %arg11[%get3A_815, %get3A_816] {strides = array<i32>} : memref<32x64xf32, #tpu.memory_space<vmem>>, vector<1x16xf32>,
        %get3A_818 = vector.shape_cast %get3A_817 : vector<1x16xf32> to vector<16xf32>
        %swap3A_819 = arith.index_cast %add3A_219 : i32 to index
        %swap3A_820 = arith.constant 112 : index
        %swap3A_821 = tpu.vector_load %arg13[%swap3A_819, %swap3A_820] {strides = array<i32>} : memref<32x128xf32, #tpu.memory_space<vmem>>, vector<1x16xf32>,
        %swap3A_822 = vector.shape_cast %swap3A_821 : vector<1x16xf32> to vector<16xf32>
        %swap3A_823 = vector.shape_cast %get3A_818 : vector<16xf32> to vector<1x16xf32>
        tpu.vector_store %arg13[%swap3A_819, %swap3A_820], %swap3A_823 {strides = array<i32>} : memref<32x128xf32, #tpu.memory_space<vmem>>, vector<1x16xf32>,
      }
      %scan3A_205 = arith.constant 32 : i32
      %add3A_206 = arith.constant 1 : i32
      %add3A_207 = arith.addi %mul3A_80, %add3A_206 : i32
      %mul3A_208 = arith.constant 32 : i32
      %mul3A_209 = arith.muli %add3A_207, %mul3A_208 : i32
      %add3A_210 = arith.addi %mul3A_2, %mul3A_209 : i32
      %dma_start3A_211 = arith.constant 0 : i32
      %dma_start3A_212 = tpu.memref_slice %arg5[%add3A_210, %dma_start3A_211] : memref<32768x128xf32, #tpu.memory_space<hbm>> -> memref<32x128xf32, #tpu.memory_space<hbm>>
      %dma_start3A_213 = arith.constant 0 : i32
      %dma_start3A_214 = tpu.memref_slice %arg5[%add3A_210, %dma_start3A_213] : memref<32768x128xf32, #tpu.memory_space<hbm>> -> memref<32x128xf32, #tpu.memory_space<hbm>>
      tpu.enqueue_dma source(%arg13 : memref<32x128xf32, #tpu.memory_space<vmem>>) target(%dma_start3A_214 : memref<32x128xf32, #tpu.memory_space<hbm>>) target_semaphore(%arg17 : memref<!tpu.dma_semaphore, #tpu.memory_space<semaphore_mem>>)
    }
    %scan3A_62 = arith.constant 16 : i32
    %dma_wait3A = arith.constant 0 : i32
    %dma_wait3A_63 = arith.constant 0 : i32
    %dma_wait3A_64 = tpu.memref_slice %arg5[%dma_wait3A, %dma_wait3A_63] : memref<32768x128xf32, #tpu.memory_space<hbm>> -> memref<32x128xf32, #tpu.memory_space<hbm>>
    %dma_wait3A_65 = arith.constant 0 : i32
    %dma_wait3A_66 = arith.constant 0 : i32
    %dma_wait3A_67 = tpu.memref_slice %arg5[%dma_wait3A_65, %dma_wait3A_66] : memref<32768x128xf32, #tpu.memory_space<hbm>> -> memref<32x128xf32, #tpu.memory_space<hbm>>
    tpu.wait_dma2 semaphore(%arg16 : memref<!tpu.dma_semaphore, #tpu.memory_space<semaphore_mem>>) src(%arg12 : memref<32x128xf32, #tpu.memory_space<vmem>>) dst(%dma_wait3A_67 : memref<32x128xf32, #tpu.memory_space<hbm>>)
    %dma_wait3A_68 = arith.constant 0 : i32
    %dma_wait3A_69 = arith.constant 0 : i32
    %dma_wait3A_70 = tpu.memref_slice %arg5[%dma_wait3A_68, %dma_wait3A_69] : memref<32768x128xf32, #tpu.memory_space<hbm>> -> memref<32x128xf32, #tpu.memory_space<hbm>>
    %dma_wait3A_71 = arith.constant 0 : i32
    %dma_wait3A_72 = arith.constant 0 : i32
    %dma_wait3A_73 = tpu.memref_slice %arg5[%dma_wait3A_71, %dma_wait3A_72] : memref<32768x128xf32, #tpu.memory_space<hbm>> -> memref<32x128xf32, #tpu.memory_space<hbm>>
    tpu.wait_dma2 semaphore(%arg17 : memref<!tpu.dma_semaphore, #tpu.memory_space<semaphore_mem>>) src(%arg13 : memref<32x128xf32, #tpu.memory_space<vmem>>) dst(%dma_wait3A_73 : memref<32x128xf32, #tpu.memory_space<hbm>>)
    return
  }
}

module attributes {stable_mosaic.version = 14 : i64} {
  func.func @body(%arg0: memref<32768x128xf32, #tpu.memory_space<vmem>>, %arg1: memref<1x1xf32, #tpu.memory_space<vmem>>) attributes {dimension_semantics = [], scalar_prefetch = 0 : i64, scratch_operands = 0 : i64, tpu.core_type = #tpu.core_type<tc>} {
    %get3A = arith.constant 0 : index
    %get3A_0 = arith.constant 0 : index
    %get3A_1 = vector.load %arg0[%get3A, %get3A_0] : memref<32768x128xf32, #tpu.memory_space<vmem>>, vector<32768x64xf32>
    %get3A_2 = arith.constant 0 : index
    %get3A_3 = arith.constant 64 : index
    %get3A_4 = vector.load %arg0[%get3A_2, %get3A_3] : memref<32768x128xf32, #tpu.memory_space<vmem>>, vector<32768x64xf32>
    %mul3A = arith.mulf %get3A_1, %get3A_4 : vector<32768x64xf32>
    %reduce_sum3A = arith.constant dense<0.000000e+00> : vector<32768xf32>
    %reduce_sum3A_5 = vector.multi_reduction <add>, %mul3A, %reduce_sum3A [1] : vector<32768x64xf32> to vector<32768xf32>
    %broadcast_in_dim3A = vector.shape_cast %reduce_sum3A_5 : vector<32768xf32> to vector<32768x1xf32>
    %iota3A = tpu.iota {dimensions = array<i32: 0>} : vector<32768x1xi32>
    %lt3A = arith.constant 16384 : i32
    %lt3A_6 = vector.broadcast %lt3A : i32 to vector<32768x1xi32>
    %lt3A_7 = arith.cmpi slt, %iota3A, %lt3A_6 : vector<32768x1xi32>
    %neg3A = arith.constant 0.000000e+00 : f32
    %neg3A_8 = vector.broadcast %neg3A : f32 to vector<32768x1xf32>
    %neg3A_9 = arith.subf %neg3A_8, %broadcast_in_dim3A : vector<32768x1xf32>
    %select_n3A = arith.select %lt3A_7, %neg3A_9, %broadcast_in_dim3A : vector<32768x1xi1>, vector<32768x1xf32>
    %neg3A_10 = arith.constant 0.000000e+00 : f32
    %neg3A_11 = vector.broadcast %neg3A_10 : f32 to vector<32768x1xf32>
    %neg3A_12 = arith.subf %neg3A_11, %select_n3A : vector<32768x1xf32>
    %custom_jvp_call3A = arith.constant 0.000000e+00 : f32
    %max3A = vector.broadcast %custom_jvp_call3A : f32 to vector<32768x1xf32>
    %max3A_13 = arith.maximumf %neg3A_12, %max3A : vector<32768x1xf32>
    %sub3A = vector.broadcast %custom_jvp_call3A : f32 to vector<32768x1xf32>
    %sub3A_14 = arith.subf %neg3A_12, %sub3A : vector<32768x1xf32>
    %ne3A = arith.cmpf one, %sub3A_14, %sub3A_14 : vector<32768x1xf32>
    %add3A = vector.broadcast %custom_jvp_call3A : f32 to vector<32768x1xf32>
    %add3A_15 = arith.addf %neg3A_12, %add3A : vector<32768x1xf32>
    %abs3A = math.absf %sub3A_14 : vector<32768x1xf32>
    %neg3A_16 = arith.constant 0.000000e+00 : f32
    %neg3A_17 = vector.broadcast %neg3A_16 : f32 to vector<32768x1xf32>
    %neg3A_18 = arith.subf %neg3A_17, %abs3A : vector<32768x1xf32>
    %exp3A = math.exp %neg3A_18 : vector<32768x1xf32>
    %log1p3A = math.log1p %exp3A : vector<32768x1xf32>
    %add3A_19 = arith.addf %max3A_13, %log1p3A : vector<32768x1xf32>
    %select_n3A_20 = arith.select %ne3A, %add3A_15, %add3A_19 : vector<32768x1xi1>, vector<32768x1xf32>
    %neg3A_21 = arith.constant 0.000000e+00 : f32
    %neg3A_22 = vector.broadcast %neg3A_21 : f32 to vector<32768x1xf32>
    %neg3A_23 = arith.subf %neg3A_22, %select_n3A_20 : vector<32768x1xf32>
    %reduce_sum3A_24 = vector.shape_cast %neg3A_23 : vector<32768x1xf32> to vector<1x32768x1xf32>
    %reduce_sum3A_25 = arith.constant dense<0.000000e+00> : vector<1xf32>
    %reduce_sum3A_26 = vector.multi_reduction <add>, %reduce_sum3A_24, %reduce_sum3A_25 [1, 2] : vector<1x32768x1xf32> to vector<1xf32>
    %reduce_sum3A_27 = vector.shape_cast %reduce_sum3A_26 : vector<1xf32> to vector<1x1x1xf32>
    %reduce_sum3A_28 = vector.extract %reduce_sum3A_27[0, 0, 0] : f32 from vector<1x1x1xf32>
    %reshape3A = vector.broadcast %reduce_sum3A_28 : f32 to vector<1x1xf32>
    %swap3A = arith.constant 0 : index
    %swap3A_29 = arith.constant 0 : index
    %swap3A_30 = vector.load %arg1[%swap3A, %swap3A_29] : memref<1x1xf32, #tpu.memory_space<vmem>>, vector<1x1xf32>
    tpu.vector_store %arg1[%swap3A, %swap3A_29], %reshape3A {strides = array<i32>} : memref<1x1xf32, #tpu.memory_space<vmem>>, vector<1x1xf32>,
    return
  }
}

</mosaic_0001>

<sc_bundles>
// kernel: kernel.4.cloned.1.call-start
scs
__scs_entry_jumppad:
0x0: {  	(pc) =	sbr.rel $0x88, $3  }
0x1: {  	(tag) =	ssettag $0x0;
	lr =	simm.s32 $0x1  }
0x2: {  	[smem:$0x3F9A] =	sst lr;
	_ =	strace $0xD0000000  }
0x3: {  	_ = 	snop  }
0x4: {  	_ = 	snop  }
0x5: {  	_ = 	snop  }
0x6: {  	_ = 	snop  }
0x7: {  	_ = 	snop  }
__scs_overlays_trampoline_lowered:
0x8: {  	[smem:$0x3FA9] =	sst s0  }
0x9: {  	[smem:$0x3FAA] =	sst s1  }
0xa: {  	[smem:$0x3FAB] =	sst s2  }
0xb: {  	[smem:$0x3FAC] =	sst s3  }
0xc: {  	[smem:$0x3FAD] =	sst s4  }
0xd: {  	[smem:$0x3FAE] =	sst s5  }
0xe: {  	[smem:$0x3FAF] =	sst s6  }
0xf: {  	[smem:$0x3FB0] =	sst s7  }
0x10: {  	[smem:$0x3FB1] =	sst s8  }
0x11: {  	[smem:$0x3FB2] =	sst s9;
	s0 =	simm.s32 @!p0 $0x0  }
0x12: {  	s1 =	sld [smem:$0x3F98];
	s0 =	simm.s32 @p0 $0x1  }
0x13: {  	[smem:$0x3FB3] =	sst s0;
	s0 =	simm.s32 @!p1 $0x0  }
0x14: {  	s2 =	sld [smem:$0x3F97];
	s0 =	simm.s32 @p1 $0x1  }
0x15: {  	[smem:$0x3FB4] =	sst s0;
	s0 =	simm.s32 @!p2 $0x0  }
0x16: {  	s3 =	sld [smem:$0x3FDB];
	s0 =	simm.s32 @p2 $0x1  }
0x17: {  	s4 =	simm.s32 $0x1BF5;
	[smem:$0x3FB6] =	sst s0  }
0x18: {  	s0 =	sld [smem:$0x3F99];
	_ =	swait.ge [sflag:s4], $0x0  }
0x19: {  	s7 =	sld [smem:$0x3F9A]  }
0x1a: {  	s8 =	sadd.s32 $0xFFFFE003, lr  }
0x1b: {  	s9 =	sadd.s32 $0xFFFFFEF7, lr;
	s5 =	simm.s32 $0xFFFFFFFF;
	p2 =	slt.u32 s8, $0xFFFFF086  }
0x1c: {  	p1 =	slt.u32 s9, $0xF7A;
	s5 =	simm.s32 @!p2 $0x0  }
0x1d: {  	s5 =	simm.s32 @p1 $0x1;
	p0 =	seq.s32 s7, s2  }
0x1e: {  	s7 =	smul.u32 @!p0 $0xF7A, s2;
	p2 =	seq.s32 @!p0 s5, $0x0  }
0x1f: {  	s9 =	smul.u32 $0xF7A, s1;
	s8 =	simm.s32 @!p0 $0x1BF5;
	p2 =	por !p2, p0  }
0x20: {  	[sflag:s8] =	ssyncset.s32 @!p0 $0xFFFFF086;
	s6 =	sadd.s32 @!p0 s3, s7;
	s7 =	simm.s32 @!p0 $0x108  }
0x21: {  	s3 =	sadd.s32 s3, s9;
	s6 =	sadd.s32 @!p0 $0x88, s6;
	s7 =	simm.s32 @p2 $0x1082  }
0x22: {  	[simem:s7], [sflag:s8] =	dma.local @!p0 [hbm:s6], $0xF7A  }
0x23: {  	s9 =	sor.u32 $0xD0000000, s2;
	s6 =	simm.s32 $0x108;
	_ =	swait.ge @!p0 [sflag:s8], $0x0  }
0x24: {  	s3 =	sadd.s32 $0x88, s3;
	s6 =	simm.s32 @!p1 $0x1082;
	[sflag:s4] =	ssyncset.s32 $0xFFFFF086  }
0x25: {  	[simem:s6], [sflag:s4] =	dma.local [hbm:s3], $0xF7A  }
0x26: {  	[smem:$0x3F9A] =	sst s1;
	(tag) =	ssettag s2;
	_ =	strace s9  }
0x27: {  	s1 =	sld [smem:$0x3FAA]  }
0x28: {  	s2 =	sld [smem:$0x3FAB]  }
0x29: {  	s4 =	sld [smem:$0x3FAD]  }
0x2a: {  	p0 =	seq.s32 s5, $0x0;
	s5 =	sld [smem:$0x3FAE]  }
0x2b: {  	s6 =	sld [smem:$0x3FAF]  }
0x2c: {  	s7 =	sld [smem:$0x3FB0]  }
0x2d: {  	s3 =	simm.s32 $0x108;
	s8 =	sld [smem:$0x3FB1]  }
0x2e: {  	s3 =	simm.s32 @!p0 $0x1082;
	s9 =	sld [smem:$0x3FB2]  }
0x2f: {  	lr =	sadd.s32 s0, s3;
	s0 =	sld [smem:$0x3FA9]  }
0x30: {  	s3 =	sld [smem:$0x3FAC]  }
0x31: {  	[smem:$0x3FB5] =	sst s10  }
0x32: {  	s10 =	sld [smem:$0x3FB3];
	_ =	sdelay $0x3  }
0x33: {  	p0 =	seq.s32 s10, $0x1;
	s10 =	sld [smem:$0x3FB5];
	_ =	sdelay $0x3  }
0x34: {  	[smem:$0x3FB5] =	sst s10  }
0x35: {  	s10 =	sld [smem:$0x3FB4];
	_ =	sdelay $0x3  }
0x36: {  	p1 =	seq.s32 s10, $0x1;
	s10 =	sld [smem:$0x3FB5];
	_ =	sdelay $0x3  }
0x37: {  	[smem:$0x3FB5] =	sst s10  }
0x38: {  	s10 =	sld [smem:$0x3FB6]  }
0x39: {  	_ = 	snop;
	(pc) =	sbr.ind lr, $3  }
0x3a: {  	_ = 	snop  }
0x3b: {  	_ = 	snop  }
0x3c: {  	p2 =	seq.s32 s10, $0x1;
	s10 =	sld [smem:$0x3FB5]  }
0x3d: {  	_ =	shalt  }
0x3e: {  	_ =	shalt  }
0x3f: {  	_ =	shalt  }
0x40: {  	_ =	shalt  }
0x41: {  	_ =	shalt  }
0x42: {  	_ =	shalt  }
0x43: {  	_ =	shalt  }
0x44: {  	_ =	shalt  }
0x45: {  	_ =	shalt  }
0x46: {  	_ =	shalt  }
0x47: {  	_ =	shalt  }
0x48: {  	_ =	shalt  }
0x49: {  	_ =	shalt  }
0x4a: {  	_ =	shalt  }
0x4b: {  	_ =	shalt  }
0x4c: {  	_ =	shalt  }
0x4d: {  	_ =	shalt  }
0x4e: {  	_ =	shalt  }
0x4f: {  	_ =	shalt  }
0x50: {  	_ =	shalt  }
0x51: {  	_ =	shalt  }
0x52: {  	_ =	shalt  }
0x53: {  	_ =	shalt  }
0x54: {  	_ =	shalt  }
0x55: {  	_ =	shalt  }
0x56: {  	_ =	shalt  }
0x57: {  	_ =	shalt  }
0x58: {  	_ =	shalt  }
0x59: {  	_ =	shalt  }
0x5a: {  	_ =	shalt  }
0x5b: {  	_ =	shalt  }
0x5c: {  	_ =	shalt  }
0x5d: {  	_ =	shalt  }
0x5e: {  	_ =	shalt  }
0x5f: {  	_ =	shalt  }
0x60: {  	_ =	shalt  }
0x61: {  	_ =	shalt  }
0x62: {  	_ =	shalt  }
0x63: {  	_ =	shalt  }
0x64: {  	_ =	shalt  }
0x65: {  	_ =	shalt  }
0x66: {  	_ =	shalt  }
0x67: {  	_ =	shalt  }
0x68: {  	_ =	shalt  }
0x69: {  	_ =	shalt  }
0x6a: {  	_ =	shalt  }
0x6b: {  	_ =	shalt  }
0x6c: {  	_ =	shalt  }
0x6d: {  	_ =	shalt  }
0x6e: {  	_ =	shalt  }
0x6f: {  	_ =	shalt  }
0x70: {  	_ =	shalt  }
0x71: {  	_ =	shalt  }
0x72: {  	_ =	shalt  }
0x73: {  	_ =	shalt  }
0x74: {  	_ =	shalt  }
0x75: {  	_ =	shalt  }
0x76: {  	_ =	shalt  }
0x77: {  	_ =	shalt  }
0x78: {  	_ =	shalt  }
0x79: {  	_ =	shalt  }
0x7a: {  	_ =	shalt  }
0x7b: {  	_ =	shalt  }
0x7c: {  	_ =	shalt  }
0x7d: {  	_ =	shalt  }
0x7e: {  	_ =	shalt  }
0x7f: {  	_ =	shalt  }
0x80: {  	_ =	shalt  }
0x81: {  	_ =	shalt  }
0x82: {  	_ =	shalt  }
0x83: {  	_ =	shalt  }
0x84: {  	_ =	shalt  }
0x85: {  	_ =	shalt  }
0x86: {  	_ =	shalt  }
0x87: {  	_ =	shalt  }
.Lfunc_end0:
.L_simem_size_0:
called_computation.1_lowered:
.L_overlay_start_0:
0x88: {  	s2 =	sld [smem:$0x3FD9]  }
0x89: {  	s3 =	sld [smem:$0x3FFE];
	_ =	sdelay $0x1  }
0x8a: {  	s1 =	srdreg.scid  }
0x8b: {  	s0 =	sand.u32 $0x1, s1  }
0x8c: {  	s16 =	sshll.u32 s0, $0xA;
	s2 =	sadd.s32 s3, s2  }
0x8d: {  	s2 =	sadd.s32 s2, s16  }
0x8e: {  	[smem:$0x3FC1] =	sst s2  }
0x8f: {  	_ = 	snop  }
0x90: {  	(tm) =	ssettm $0x1  }
0x91: {  	s17 =	sld [smem:$0x3FFB];
	_ =	sdelay $0x3  }
0x92: {  	_ =	strace s17  }
0x93: {  	s2 =	sld [smem:$0x3FFC];
	_ =	sdelay $0x3  }
0x94: {  	_ =	strace s2  }
0x95: {  	s2 =	sld [smem:$0x3FFD];
	_ =	sdelay $0x3  }
0x96: {  	_ =	strace s2  }
0x97: {  	_ =	strace $0x8FFFFFFF  }
0x98: {  	s18 =	sld [smem:$0x3FDB];
	_ =	sdelay $0x1  }
0x99: {  	s19 =	simm.s32 $_scs_section_size  }
0x9a: {  	s4 =	simm.s32 $_size__tile_overlayer_lowered;
	s5 =	simm.s32 $_tile_overlayer_lowered  }
0x9b: {  	s22 =	simm.s32 $0x1BFF;
	s21 =	sshll.u32 s5, $0x1;
	s2 =	sadd.s32 s19, s18  }
0x9c: {  	s6 =	simm.s32 $0x0;
	s20 =	sshll.u32 s4, $0x1;
	s4 =	sadd.s32 s21, s2  }
0x9d: {  	[timem:s6], [sflag:s22] =	dma.local [hbm:s4], s20  }
0x9e: {  	_ =	swait.ge [sflag:s22], s20  }
0x9f: {  	s3 =	ssub.s32 $0x0, s20;
	[sflag:s22] =	ssyncset.done $0x0  }
0xa0: {  	[sflag:s22] =	ssyncadd.s32 s3;
	_ =	sdelay $0x1  }
0xa1: {  	s23 =	simm.s32 $0x1B8B  }
0xa2: {  	_ =	swait.ge [sflag:s23], $0x1  }
0xa3: {  	[sflag:s23] =	ssyncset.done $0x0  }
0xa4: {  	s25 =	simm.s32 $0x1B8E;
	s24 =	sld [smem:$0x3FFE];
	[sflag:s23] =	ssyncadd.s32 $0xFFFFFFFF  }
0xa5: {  	s26 =	simm.s32 $execute0_lowered;
	[smem:$0x3FD2] =	sst s25  }
0xa6: {  	s4 =	sshll.u32 s26, $0x1;
	_ =	strace $0x80000049;
	[dreg:$0x1] =	wrdreg $0xFFFFFFFF  }
0xa7: {  	s28 =	simm.s32 $_size_execute0_lowered;
	s2 =	sadd.s32 s2, s4;
	[dreg:$0x0] =	wrdreg $0x0  }
0xa8: {  	s4 =	sshll.u32 s28, $0x1;
	[dreg:$0x2] =	wrdreg s2  }
0xa9: {  	[dreg:$0x3] =	wrdreg s4  }
0xaa: {  	[dreg:$0x4] =	wrdreg $0xC0  }
0xab: {  	_ =	task [dreg:s6], $0x5FFFF  }
0xac: {  	[dreg:$0x1] =	wrdreg $0xFFFFFFFF  }
0xad: {  	[dreg:$0x0] =	wrdreg $0x60  }
0xae: {  	[dreg:$0x2] =	wrdreg s24  }
0xaf: {  	[dreg:$0x3] =	wrdreg $0x9  }
0xb0: {  	_ =	task.clear_ibuf [dreg:s6], $0x4FFFF;
	_ =	strace $0x90000049  }
0xb1: {  	s29 =	simm.s32 $0x9;
	_ =	strace $0x8000004B  }
0xb2: {  	_ =	swait.ge [sflag:s29], $0x1  }
0xb3: {  	[sflag:s29] =	ssyncadd.s32 $0xFFFFFFFF  }
0xb4: {  	_ =	strace $0x9000004B  }
0xb5: {  	_ =	sfence  }
0xb6: {  	s30 =	sld [smem:$0x0];
	_ =	sdelay $0x2  }
0xb7: {  	s31 =	sshll.u32 s1, $0xD;
	s1 =	sshrl.u32 s1, $0x2  }
0xb8: {  	s3 =	sand.u32 $0x4000, s31;
	s1 =	sadd.s32 s1, s30  }
0xb9: {  	s0 =	sor.u32 s3, s0;
	s1 =	sshll.u32 s1, $0x11  }
0xba: {  	s0 =	sor.u32 s1, s0  }
0xbb: {  	s0 =	sadd.s32 $0x8F2B, s0  }
0xbc: {  	[sflag:s0] =	ssyncadd.remote.s32 $0x1  }
0xbd: {  	_ =	sfence.sel $0xFFFF  }
0xbe: {  	[dreg:$0x0] =	wrdreg $0xFFFFFFFF;
	(pc) =	sbr.abs _section_cstart, $3  }
0xbf: {  	[dreg:$0x1] =	wrdreg $0xFFFFFFFF  }
0xc0: {  	_ =	task.clear_ibuf [dreg:s6], $0x2FFFF;
	_ =	strace $0x9FFFFFFF  }
0xc1: {  	(tm) =	ssettm $0x7FFFFFFF  }
tec
execute0_lowered:
.L_overlay_start_1:
0x0: {  	(tag) =	ssettag $0x1  }
0x1: {  	s0 =	srdreg.scid  }
0x2: {  	s1 =	stileid.u32;
	s4 =	rddreg [dreg:$0x0];
	s2 =	simm.s32 $0x0  }
0x3: {  	s8 =	simm.s32 $0x5;
	s9 =	simm.s32 $0x5000;
	s10 =	simm.s32 $0x80  }
0x4: {  	s19 =	simm.s32 $0x20;
	s21 =	simm.s32 $0xF400;
	s22 =	simm.s32 $0x11400  }
0x5: {  	s23 =	simm.s32 $0x13400;
	s24 =	simm.s32 $0x15400;
	s25 =	simm.s32 $0x17400  }
0x6: {  	s26 =	simm.s32 $0x19C00;
	s28 =	simm.s32 $0x1;
	s29 =	simm.s32 $0x1A400  }
0x7: {  	s30 =	simm.s32 $0x2;
	s31 =	simm.s32 $0x1B400;
	s11 =	simm.s32 $0x0  }
0x8: {  	s0 =	sand.u32 $0x1, s0;
	s1 =	sshll.u32 s1, $0x1;
	[smem:$0x7FF] =	sst s2  }
0x9: {  	s1 =	sor.u32 s0, s1;
	_ =	strace $0x8000004A;
	s0 =	ssub.s32 $0x2, s0  }
0xa: {  	s3 =	smul.u32 $0xA00, s1;
	s5 =	sshll.u32 s1, $0x7;
	s1 =	sshll.u32 s1, $0xE  }
0xb: {  	s7 =	sshrl.u32 s0, $0x1;
	s5 =	sadd.s32 s5, s4;
	s1 =	sadd.s32 s1, s4  }
0xc: {  	s0 =	ssub.s32 s0, s7;
	s6 =	sadd.s32 s3, s4;
	s3 =	sadd.s32 $0x30EA00, s4  }
0xd: {  	s5 =	sadd.s32 $0x61BE00, s5;
	s7 =	smax.u32 s0, $0x1;
	s0 =	simm.s32 $0x4  }
0xe: {  	s4 =	sadd.s32 $0x61CE00, s6;
	s6 =	sadd.s32 $0x1200, s1;
	s1 =	simm.s32 $0x3  }
.LBB2_1:
0xf: {  	[tilespmem:s2], [sflag:$0x5] =	stream.linear.gather [hbm4b:s4+s2], $0x5000, $0x38;
	[tilespmem:$0x1C400] =	vst v63  }
0x10: {  	_ =	swait.ge [sflag:s8], $0x5000  }
0x11: {  	[sflag:s8] =	ssyncset.done $0x0  }
0x12: {  	[sflag:s8] =	ssyncadd.s32 $0xFFFFB000  }
0x13: {  	[tilespmem:s9], [sflag:$0x5] =	stream.linear.gather [hbm4b:s5+s2], $0x400, $0x38;
	[tilespmem:$0x1C400] =	vst v63  }
0x14: {  	_ =	swait.ge [sflag:s8], $0x400  }
0x15: {  	[sflag:s8] =	ssyncset.done $0x0  }
0x16: {  	s12 =	simm.s32 $0x5400;
	[sflag:s8] =	ssyncadd.s32 $0xFFFFFC00  }
0x17: {  	[tilespmem:s12], [sflag:$0x1] =	stream.indirect.gather [hbm4b:s3+s10], $0x40, s2, s10, $0xb8;
	[tilespmem:$0x1C400] =	vst v63  }
0x18: {  	s13 =	simm.s32 $0x7400  }
0x19: {  	[tilespmem:s13], [sflag:$0x1] =	stream.indirect.gather [hbm4b:s3+s10], $0x40, s10, s10, $0xb8;
	[tilespmem:$0x1C400] =	vst v63  }
0x1a: {  	s14 =	simm.s32 $0x100;
	s13 =	simm.s32 $0x9400  }
0x1b: {  	[tilespmem:s13], [sflag:$0x1] =	stream.indirect.gather [hbm4b:s3+s10], $0x40, s14, s10, $0xb8;
	[tilespmem:$0x1C400] =	vst v63  }
0x1c: {  	s15 =	simm.s32 $0x180;
	s16 =	simm.s32 $0xB400  }
0x1d: {  	[tilespmem:s16], [sflag:$0x1] =	stream.indirect.gather [hbm4b:s3+s10], $0x40, s15, s10, $0xb8;
	[tilespmem:$0x1C400] =	vst v63  }
0x1e: {  	s17 =	simm.s32 $0x200;
	s18 =	simm.s32 $0xD400  }
0x1f: {  	[tilespmem:s18], [sflag:$0x1] =	stream.indirect.gather [hbm4b:s3+s10], $0x40, s17, s10, $0xb8;
	[tilespmem:$0x1C400] =	vst v63  }
0x20: {  	s20 =	simm.s32 $0x19400;
	s12 =	simm.s32 $0x0  }
0x21: {  	[tilespmem:s20], [sflag:$0x1] =	stream.indirect.gather [hbm4b:s3+s19], $0x40, s9, s19, $0xb8;
	[tilespmem:$0x1C400] =	vst v63  }
.LBB2_2:
0x22: {  	s13 =	sshllo.u32 s12, $0x1  }
0x23: {  	s14 =	smul.u32 $0xA00, s13;
	_ =	sdelay $0x1  }
0x24: {  	s14 =	sshra.s32 s14, $0x2  }
0x25: {  	[tilespmem:s21], [sflag:$0x2] =	stream.indirect.gather [hbm4b:s3+s10], $0x40, s14, s10, $0xb8;
	[tilespmem:$0x1C400] =	vst v63  }
0x26: {  	s15 =	sadd.s32 $0x80, s14  }
0x27: {  	[tilespmem:s22], [sflag:$0x2] =	stream.indirect.gather [hbm4b:s3+s10], $0x40, s15, s10, $0xb8;
	[tilespmem:$0x1C400] =	vst v63  }
0x28: {  	s17 =	sadd.s32 $0x100, s14  }
0x29: {  	[tilespmem:s23], [sflag:$0x2] =	stream.indirect.gather [hbm4b:s3+s10], $0x40, s17, s10, $0xb8;
	[tilespmem:$0x1C400] =	vst v63  }
0x2a: {  	s18 =	sadd.s32 $0x180, s14  }
0x2b: {  	[tilespmem:s24], [sflag:$0x2] =	stream.indirect.gather [hbm4b:s3+s10], $0x40, s18, s10, $0xb8;
	[tilespmem:$0x1C400] =	vst v63  }
0x2c: {  	s20 =	sshll.u32 s13, $0x5;
	s14 =	sadd.s32 $0x200, s14  }
0x2d: {  	[tilespmem:s25], [sflag:$0x2] =	stream.indirect.gather [hbm4b:s3+s10], $0x40, s14, s10, $0xb8;
	[tilespmem:$0x1C400] =	vst v63  }
0x2e: {  	s14 =	sand.u32 $0x3FFFFFE0, s20  }
0x2f: {  	s14 =	sadd.s32 $0x5000, s14  }
0x30: {  	[tilespmem:s26], [sflag:$0x2] =	stream.indirect.gather [hbm4b:s3+s19], $0x40, s14, s19, $0xb8;
	[tilespmem:$0x1C400] =	vst v63  }
0x31: {  	_ =	swait.ge [sflag:s28], $0xA000  }
0x32: {  	[sflag:s28] =	ssyncset.done $0x0  }
0x33: {  	[sflag:s28] =	ssyncadd.s32 $0xFFFF6000  }
0x34: {  	_ =	swait.ge [sflag:s28], $0x800  }
0x35: {  	p0 =	seq.s32 s12, $0x0;
	[sflag:s28] =	ssyncset.done $0x0  }
0x36: {  	s14 =	simm.s32 @!p0 $0x3;
	[sflag:s28] =	ssyncadd.s32 $0xFFFFF800  }
0x37: {  	_ =	swait.ge @!p0 [sflag:s14], $0x1000  }
0x38: {  	[sflag:s14] =	ssyncset.done @!p0 $0x0  }
0x39: {  	[sflag:s14] =	ssyncadd.s32 @!p0 $0xFFFFF000;
	s14 =	simm.s32 $0x5680  }
0x3a: {  	v0 =	vld [tilespmem:s14+$0xFFFFFDC0]  }
0x3b: {  	v1 =	vld [tilespmem:s14+$0xFFFFFD80];
	_ =	sdelay $0x1  }
0x3c: {  	v2 =	vld [tilespmem:s14+$0xFFFFFE00];
	_ =	sdelay $0x1  }
0x3d: {  	v3 =	vld [tilespmem:s14+$0xFFFFFE40]  }
0x3e: {  	v0 =	vadd.f32 v0, v1  }
0x3f: {  	v1 =	vld [tilespmem:s14+$0xFFFFFE80]  }
0x40: {  	v0 =	vadd.f32 v2, v0  }
0x41: {  	v2 =	vld [tilespmem:s14+$0xFFFFFEC0]  }
0x42: {  	v0 =	vadd.f32 v3, v0  }
0x43: {  	v3 =	vld [tilespmem:s14+$0xFFFFFF00]  }
0x44: {  	v0 =	vadd.f32 v1, v0  }
0x45: {  	v1 =	vld [tilespmem:s14+$0xFFFFFF40]  }
0x46: {  	v0 =	vadd.f32 v2, v0  }
0x47: {  	v2 =	vld [tilespmem:s14+$0xFFFFFF80]  }
0x48: {  	v0 =	vadd.f32 v3, v0  }
0x49: {  	v3 =	vld [tilespmem:s14+$0xFFFFFFC0]  }
0x4a: {  	v0 =	vadd.f32 v1, v0  }
0x4b: {  	v1 =	vld [tilespmem:s14+$0x0]  }
0x4c: {  	v0 =	vadd.f32 v2, v0  }
0x4d: {  	v2 =	vld [tilespmem:s14+$0x40]  }
0x4e: {  	v0 =	vadd.f32 v3, v0  }
0x4f: {  	v3 =	vld [tilespmem:s14+$0x80]  }
0x50: {  	v0 =	vadd.f32 v1, v0  }
0x51: {  	v1 =	vld [tilespmem:s14+$0xC0]  }
0x52: {  	v0 =	vadd.f32 v2, v0  }
0x53: {  	v2 =	vld [tilespmem:s14+$0x100]  }
0x54: {  	v0 =	vadd.f32 v3, v0  }
0x55: {  	v3 =	vld [tilespmem:s14+$0x140]  }
0x56: {  	v0 =	vadd.f32 v1, v0  }
0x57: {  	v1 =	vld [tilespmem:s14+$0x180]  }
0x58: {  	v0 =	vadd.f32 v2, v0  }
0x59: {  	v2 =	vld [tilespmem:s14+$0x1C0]  }
0x5a: {  	v0 =	vadd.f32 v3, v0  }
0x5b: {  	v3 =	vld [tilespmem:s14+$0x200]  }
0x5c: {  	v0 =	vadd.f32 v1, v0  }
0x5d: {  	v1 =	vld [tilespmem:s14+$0x240]  }
0x5e: {  	v0 =	vadd.f32 v2, v0;
	_ =	sdelay $0x1  }
0x5f: {  	v0 =	vadd.f32 v3, v0;
	_ =	sdelay $0x1  }
0x60: {  	v0 =	vadd.f32 v1, v0  }
0x61: {  	s15 =	simm.s32 $0x1A440  }
0x62: {  	s17 =	simm.s32 $0x0;
	[tilespmem:s15+$0xFFFFFFC0] =	vst v0  }
0x63: {  	v0 =	vld [tilespmem:s17+$0x19400];
	_ =	sdelay $0x4  }
0x64: {  	[tilespmem:s15+$0x0] =	vst v0  }
0x65: {  	v0 =	vld [tilespmem:s14+$0xFFFFFD90]  }
0x66: {  	v1 =	vld [tilespmem:s14+$0xFFFFFDD0];
	_ =	sdelay $0x1  }
0x67: {  	v2 =	vld [tilespmem:s14+$0xFFFFFE10];
	_ =	sdelay $0x1  }
0x68: {  	v3 =	vld [tilespmem:s14+$0xFFFFFE50]  }
0x69: {  	v0 =	vadd.f32 v1, v0  }
0x6a: {  	v1 =	vld [tilespmem:s14+$0xFFFFFE90]  }
0x6b: {  	v0 =	vadd.f32 v2, v0  }
0x6c: {  	v2 =	vld [tilespmem:s14+$0xFFFFFED0]  }
0x6d: {  	v0 =	vadd.f32 v3, v0  }
0x6e: {  	v3 =	vld [tilespmem:s14+$0xFFFFFF10]  }
0x6f: {  	v0 =	vadd.f32 v1, v0  }
0x70: {  	v1 =	vld [tilespmem:s14+$0xFFFFFF50]  }
0x71: {  	v0 =	vadd.f32 v2, v0  }
0x72: {  	v2 =	vld [tilespmem:s14+$0xFFFFFF90]  }
0x73: {  	v0 =	vadd.f32 v3, v0  }
0x74: {  	v3 =	vld [tilespmem:s14+$0xFFFFFFD0]  }
0x75: {  	v0 =	vadd.f32 v1, v0  }
0x76: {  	v1 =	vld [tilespmem:s14+$0x10]  }
0x77: {  	v0 =	vadd.f32 v2, v0  }
0x78: {  	v2 =	vld [tilespmem:s14+$0x50]  }
0x79: {  	v0 =	vadd.f32 v3, v0  }
0x7a: {  	v3 =	vld [tilespmem:s14+$0x90]  }
0x7b: {  	v0 =	vadd.f32 v1, v0  }
0x7c: {  	v1 =	vld [tilespmem:s14+$0xD0]  }
0x7d: {  	v0 =	vadd.f32 v2, v0  }
0x7e: {  	v2 =	vld [tilespmem:s14+$0x110]  }
0x7f: {  	v0 =	vadd.f32 v3, v0  }
0x80: {  	v3 =	vld [tilespmem:s14+$0x150]  }
0x81: {  	v0 =	vadd.f32 v1, v0  }
0x82: {  	v1 =	vld [tilespmem:s14+$0x190]  }
0x83: {  	v0 =	vadd.f32 v2, v0  }
0x84: {  	v2 =	vld [tilespmem:s14+$0x1D0]  }
0x85: {  	v0 =	vadd.f32 v3, v0  }
0x86: {  	v3 =	vld [tilespmem:s14+$0x210]  }
0x87: {  	v0 =	vadd.f32 v1, v0  }
0x88: {  	v1 =	vld [tilespmem:s14+$0x250]  }
0x89: {  	v0 =	vadd.f32 v2, v0;
	_ =	sdelay $0x1  }
0x8a: {  	v0 =	vadd.f32 v3, v0;
	_ =	sdelay $0x1  }
0x8b: {  	v0 =	vadd.f32 v1, v0;
	_ =	sdelay $0x1  }
0x8c: {  	[tilespmem:s15+$0xFFFFFFD0] =	vst v0  }
0x8d: {  	v0 =	vld [tilespmem:s17+$0x19410];
	_ =	sdelay $0x4  }
0x8e: {  	[tilespmem:s15+$0x10] =	vst v0  }
0x8f: {  	v0 =	vld [tilespmem:s14+$0xFFFFFDA0]  }
0x90: {  	v1 =	vld [tilespmem:s14+$0xFFFFFDE0];
	_ =	sdelay $0x1  }
0x91: {  	v2 =	vld [tilespmem:s14+$0xFFFFFE20];
	_ =	sdelay $0x1  }
0x92: {  	v3 =	vld [tilespmem:s14+$0xFFFFFE60]  }
0x93: {  	v0 =	vadd.f32 v1, v0  }
0x94: {  	v1 =	vld [tilespmem:s14+$0xFFFFFEA0]  }
0x95: {  	v0 =	vadd.f32 v2, v0  }
0x96: {  	v2 =	vld [tilespmem:s14+$0xFFFFFEE0]  }
0x97: {  	v0 =	vadd.f32 v3, v0  }
0x98: {  	v3 =	vld [tilespmem:s14+$0xFFFFFF20]  }
0x99: {  	v0 =	vadd.f32 v1, v0  }
0x9a: {  	v1 =	vld [tilespmem:s14+$0xFFFFFF60]  }
0x9b: {  	v0 =	vadd.f32 v2, v0  }
0x9c: {  	v2 =	vld [tilespmem:s14+$0xFFFFFFA0]  }
0x9d: {  	v0 =	vadd.f32 v3, v0  }
0x9e: {  	v3 =	vld [tilespmem:s14+$0xFFFFFFE0]  }
0x9f: {  	v0 =	vadd.f32 v1, v0  }
0xa0: {  	v1 =	vld [tilespmem:s14+$0x20]  }
0xa1: {  	v0 =	vadd.f32 v2, v0  }
0xa2: {  	v2 =	vld [tilespmem:s14+$0x60]  }
0xa3: {  	v0 =	vadd.f32 v3, v0  }
0xa4: {  	v3 =	vld [tilespmem:s14+$0xA0]  }
0xa5: {  	v0 =	vadd.f32 v1, v0  }
0xa6: {  	v1 =	vld [tilespmem:s14+$0xE0]  }
0xa7: {  	v0 =	vadd.f32 v2, v0  }
0xa8: {  	v2 =	vld [tilespmem:s14+$0x120]  }
0xa9: {  	v0 =	vadd.f32 v3, v0  }
0xaa: {  	v3 =	vld [tilespmem:s14+$0x160]  }
0xab: {  	v0 =	vadd.f32 v1, v0  }
0xac: {  	v1 =	vld [tilespmem:s14+$0x1A0]  }
0xad: {  	v0 =	vadd.f32 v2, v0  }
0xae: {  	v2 =	vld [tilespmem:s14+$0x1E0]  }
0xaf: {  	v0 =	vadd.f32 v3, v0  }
0xb0: {  	v3 =	vld [tilespmem:s14+$0x220]  }
0xb1: {  	v0 =	vadd.f32 v1, v0  }
0xb2: {  	v1 =	vld [tilespmem:s14+$0x260]  }
0xb3: {  	v0 =	vadd.f32 v2, v0;
	_ =	sdelay $0x1  }
0xb4: {  	v0 =	vadd.f32 v3, v0;
	_ =	sdelay $0x1  }
0xb5: {  	v0 =	vadd.f32 v1, v0;
	_ =	sdelay $0x1  }
0xb6: {  	[tilespmem:s15+$0xFFFFFFE0] =	vst v0  }
0xb7: {  	v0 =	vld [tilespmem:s17+$0x19420];
	_ =	sdelay $0x4  }
0xb8: {  	[tilespmem:s15+$0x20] =	vst v0  }
0xb9: {  	v0 =	vld [tilespmem:s14+$0xFFFFFDB0]  }
0xba: {  	v1 =	vld [tilespmem:s14+$0xFFFFFDF0];
	_ =	sdelay $0x1  }
0xbb: {  	v2 =	vld [tilespmem:s14+$0xFFFFFE30];
	_ =	sdelay $0x1  }
0xbc: {  	v3 =	vld [tilespmem:s14+$0xFFFFFE70]  }
0xbd: {  	v0 =	vadd.f32 v1, v0  }
0xbe: {  	v1 =	vld [tilespmem:s14+$0xFFFFFEB0]  }
0xbf: {  	v0 =	vadd.f32 v2, v0  }
0xc0: {  	v2 =	vld [tilespmem:s14+$0xFFFFFEF0]  }
0xc1: {  	v0 =	vadd.f32 v3, v0  }
0xc2: {  	v3 =	vld [tilespmem:s14+$0xFFFFFF30]  }
0xc3: {  	v0 =	vadd.f32 v1, v0  }
0xc4: {  	v1 =	vld [tilespmem:s14+$0xFFFFFF70]  }
0xc5: {  	v0 =	vadd.f32 v2, v0  }
0xc6: {  	v2 =	vld [tilespmem:s14+$0xFFFFFFB0]  }
0xc7: {  	v0 =	vadd.f32 v3, v0  }
0xc8: {  	v3 =	vld [tilespmem:s14+$0xFFFFFFF0]  }
0xc9: {  	v0 =	vadd.f32 v1, v0  }
0xca: {  	v1 =	vld [tilespmem:s14+$0x30]  }
0xcb: {  	v0 =	vadd.f32 v2, v0  }
0xcc: {  	v2 =	vld [tilespmem:s14+$0x70]  }
0xcd: {  	v0 =	vadd.f32 v3, v0  }
0xce: {  	v3 =	vld [tilespmem:s14+$0xB0]  }
0xcf: {  	v0 =	vadd.f32 v1, v0  }
0xd0: {  	v1 =	vld [tilespmem:s14+$0xF0]  }
0xd1: {  	v0 =	vadd.f32 v2, v0  }
0xd2: {  	v2 =	vld [tilespmem:s14+$0x130]  }
0xd3: {  	v0 =	vadd.f32 v3, v0  }
0xd4: {  	v3 =	vld [tilespmem:s14+$0x170]  }
0xd5: {  	v0 =	vadd.f32 v1, v0  }
0xd6: {  	v1 =	vld [tilespmem:s14+$0x1B0]  }
0xd7: {  	v0 =	vadd.f32 v2, v0  }
0xd8: {  	v2 =	vld [tilespmem:s14+$0x1F0]  }
0xd9: {  	v0 =	vadd.f32 v3, v0  }
0xda: {  	v3 =	vld [tilespmem:s14+$0x230]  }
0xdb: {  	v0 =	vadd.f32 v1, v0  }
0xdc: {  	v1 =	vld [tilespmem:s14+$0x270]  }
0xdd: {  	v0 =	vadd.f32 v2, v0;
	_ =	sdelay $0x1  }
0xde: {  	v0 =	vadd.f32 v3, v0;
	_ =	sdelay $0x1  }
0xdf: {  	v0 =	vadd.f32 v1, v0;
	_ =	sdelay $0x1  }
0xe0: {  	[tilespmem:s15+$0xFFFFFFF0] =	vst v0  }
0xe1: {  	s16 =	sshll.u32 s12, $0x1;
	s18 =	simm.s32 $0x100;
	v0 =	vld [tilespmem:s17+$0x19430];
	s17 =	simm.s32 $0x1A440  }
.LBB2_3:
0xe2: {  	p1 =	sne.s32 s18, $0x1F00;
	s15 =	sadd.s32 $0x80, s15;
	s14 =	sadd.s32 $0x500, s14  }
0xe3: {  	s20 =	smov.u32 s18;
	s18 =	sadd.s32 $0x100, s18;
	_ =	sdelay $0x2  }
0xe4: {  	[tilespmem:s17+$0x30] =	vst v0;
	s17 =	smov.u32 s15  }
0xe5: {  	v0 =	vld [tilespmem:s14+$0xFFFFFDC0]  }
0xe6: {  	v1 =	vld [tilespmem:s14+$0xFFFFFD80];
	_ =	sdelay $0x1  }
0xe7: {  	v2 =	vld [tilespmem:s14+$0xFFFFFE00];
	_ =	sdelay $0x1  }
0xe8: {  	v3 =	vld [tilespmem:s14+$0xFFFFFE40]  }
0xe9: {  	v0 =	vadd.f32 v0, v1  }
0xea: {  	v1 =	vld [tilespmem:s14+$0xFFFFFE80]  }
0xeb: {  	v0 =	vadd.f32 v2, v0  }
0xec: {  	v2 =	vld [tilespmem:s14+$0xFFFFFEC0]  }
0xed: {  	v0 =	vadd.f32 v3, v0  }
0xee: {  	v3 =	vld [tilespmem:s14+$0xFFFFFF00]  }
0xef: {  	v0 =	vadd.f32 v1, v0  }
0xf0: {  	v1 =	vld [tilespmem:s14+$0xFFFFFF40]  }
0xf1: {  	v0 =	vadd.f32 v2, v0  }
0xf2: {  	v2 =	vld [tilespmem:s14+$0xFFFFFF80]  }
0xf3: {  	v0 =	vadd.f32 v3, v0  }
0xf4: {  	v3 =	vld [tilespmem:s14+$0xFFFFFFC0]  }
0xf5: {  	v0 =	vadd.f32 v1, v0  }
0xf6: {  	v1 =	vld [tilespmem:s14+$0x0]  }
0xf7: {  	v0 =	vadd.f32 v2, v0  }
0xf8: {  	v2 =	vld [tilespmem:s14+$0x40]  }
0xf9: {  	v0 =	vadd.f32 v3, v0  }
0xfa: {  	v3 =	vld [tilespmem:s14+$0x80]  }
0xfb: {  	v0 =	vadd.f32 v1, v0  }
0xfc: {  	v1 =	vld [tilespmem:s14+$0xC0]  }
0xfd: {  	v0 =	vadd.f32 v2, v0  }
0xfe: {  	v2 =	vld [tilespmem:s14+$0x100]  }
0xff: {  	v0 =	vadd.f32 v3, v0  }
0x100: {  	v3 =	vld [tilespmem:s14+$0x140]  }
0x101: {  	v0 =	vadd.f32 v1, v0  }
0x102: {  	v1 =	vld [tilespmem:s14+$0x180]  }
0x103: {  	v0 =	vadd.f32 v2, v0  }
0x104: {  	v2 =	vld [tilespmem:s14+$0x1C0]  }
0x105: {  	v0 =	vadd.f32 v3, v0  }
0x106: {  	v3 =	vld [tilespmem:s14+$0x200]  }
0x107: {  	v0 =	vadd.f32 v1, v0  }
0x108: {  	v1 =	vld [tilespmem:s14+$0x240]  }
0x109: {  	v0 =	vadd.f32 v2, v0;
	_ =	sdelay $0x1  }
0x10a: {  	v0 =	vadd.f32 v3, v0;
	_ =	sdelay $0x1  }
0x10b: {  	v0 =	vadd.f32 v1, v0;
	_ =	sdelay $0x1  }
0x10c: {  	s20 =	sshra.s32 s20, $0x2;
	[tilespmem:s15+$0xFFFFFFC0] =	vst v0  }
0x10d: {  	v0 =	vld [tilespmem:s20+$0x19400];
	_ =	sdelay $0x4  }
0x10e: {  	[tilespmem:s15+$0x0] =	vst v0  }
0x10f: {  	v0 =	vld [tilespmem:s14+$0xFFFFFD90]  }
0x110: {  	v1 =	vld [tilespmem:s14+$0xFFFFFDD0];
	_ =	sdelay $0x1  }
0x111: {  	v2 =	vld [tilespmem:s14+$0xFFFFFE10];
	_ =	sdelay $0x1  }
0x112: {  	v3 =	vld [tilespmem:s14+$0xFFFFFE50]  }
0x113: {  	v0 =	vadd.f32 v1, v0  }
0x114: {  	v1 =	vld [tilespmem:s14+$0xFFFFFE90]  }
0x115: {  	v0 =	vadd.f32 v2, v0  }
0x116: {  	v2 =	vld [tilespmem:s14+$0xFFFFFED0]  }
0x117: {  	v0 =	vadd.f32 v3, v0  }
0x118: {  	v3 =	vld [tilespmem:s14+$0xFFFFFF10]  }
0x119: {  	v0 =	vadd.f32 v1, v0  }
0x11a: {  	v1 =	vld [tilespmem:s14+$0xFFFFFF50]  }
0x11b: {  	v0 =	vadd.f32 v2, v0  }
0x11c: {  	v2 =	vld [tilespmem:s14+$0xFFFFFF90]  }
0x11d: {  	v0 =	vadd.f32 v3, v0  }
0x11e: {  	v3 =	vld [tilespmem:s14+$0xFFFFFFD0]  }
0x11f: {  	v0 =	vadd.f32 v1, v0  }
0x120: {  	v1 =	vld [tilespmem:s14+$0x10]  }
0x121: {  	v0 =	vadd.f32 v2, v0  }
0x122: {  	v2 =	vld [tilespmem:s14+$0x50]  }
0x123: {  	v0 =	vadd.f32 v3, v0  }
0x124: {  	v3 =	vld [tilespmem:s14+$0x90]  }
0x125: {  	v0 =	vadd.f32 v1, v0  }
0x126: {  	v1 =	vld [tilespmem:s14+$0xD0]  }
0x127: {  	v0 =	vadd.f32 v2, v0  }
0x128: {  	v2 =	vld [tilespmem:s14+$0x110]  }
0x129: {  	v0 =	vadd.f32 v3, v0  }
0x12a: {  	v3 =	vld [tilespmem:s14+$0x150]  }
0x12b: {  	v0 =	vadd.f32 v1, v0  }
0x12c: {  	v1 =	vld [tilespmem:s14+$0x190]  }
0x12d: {  	v0 =	vadd.f32 v2, v0  }
0x12e: {  	v2 =	vld [tilespmem:s14+$0x1D0]  }
0x12f: {  	v0 =	vadd.f32 v3, v0  }
0x130: {  	v3 =	vld [tilespmem:s14+$0x210]  }
0x131: {  	v0 =	vadd.f32 v1, v0  }
0x132: {  	v1 =	vld [tilespmem:s14+$0x250]  }
0x133: {  	v0 =	vadd.f32 v2, v0;
	_ =	sdelay $0x1  }
0x134: {  	v0 =	vadd.f32 v3, v0;
	_ =	sdelay $0x1  }
0x135: {  	v0 =	vadd.f32 v1, v0;
	_ =	sdelay $0x1  }
0x136: {  	[tilespmem:s15+$0xFFFFFFD0] =	vst v0  }
0x137: {  	v0 =	vld [tilespmem:s20+$0x19410];
	_ =	sdelay $0x4  }
0x138: {  	[tilespmem:s15+$0x10] =	vst v0  }
0x139: {  	v0 =	vld [tilespmem:s14+$0xFFFFFDA0]  }
0x13a: {  	v1 =	vld [tilespmem:s14+$0xFFFFFDE0];
	_ =	sdelay $0x1  }
0x13b: {  	v2 =	vld [tilespmem:s14+$0xFFFFFE20];
	_ =	sdelay $0x1  }
0x13c: {  	v3 =	vld [tilespmem:s14+$0xFFFFFE60]  }
0x13d: {  	v0 =	vadd.f32 v1, v0  }
0x13e: {  	v1 =	vld [tilespmem:s14+$0xFFFFFEA0]  }
0x13f: {  	v0 =	vadd.f32 v2, v0  }
0x140: {  	v2 =	vld [tilespmem:s14+$0xFFFFFEE0]  }
0x141: {  	v0 =	vadd.f32 v3, v0  }
0x142: {  	v3 =	vld [tilespmem:s14+$0xFFFFFF20]  }
0x143: {  	v0 =	vadd.f32 v1, v0  }
0x144: {  	v1 =	vld [tilespmem:s14+$0xFFFFFF60]  }
0x145: {  	v0 =	vadd.f32 v2, v0  }
0x146: {  	v2 =	vld [tilespmem:s14+$0xFFFFFFA0]  }
0x147: {  	v0 =	vadd.f32 v3, v0  }
0x148: {  	v3 =	vld [tilespmem:s14+$0xFFFFFFE0]  }
0x149: {  	v0 =	vadd.f32 v1, v0  }
0x14a: {  	v1 =	vld [tilespmem:s14+$0x20]  }
0x14b: {  	v0 =	vadd.f32 v2, v0  }
0x14c: {  	v2 =	vld [tilespmem:s14+$0x60]  }
0x14d: {  	v0 =	vadd.f32 v3, v0  }
0x14e: {  	v3 =	vld [tilespmem:s14+$0xA0]  }
0x14f: {  	v0 =	vadd.f32 v1, v0  }
0x150: {  	v1 =	vld [tilespmem:s14+$0xE0]  }
0x151: {  	v0 =	vadd.f32 v2, v0  }
0x152: {  	v2 =	vld [tilespmem:s14+$0x120]  }
0x153: {  	v0 =	vadd.f32 v3, v0  }
0x154: {  	v3 =	vld [tilespmem:s14+$0x160]  }
0x155: {  	v0 =	vadd.f32 v1, v0  }
0x156: {  	v1 =	vld [tilespmem:s14+$0x1A0]  }
0x157: {  	v0 =	vadd.f32 v2, v0  }
0x158: {  	v2 =	vld [tilespmem:s14+$0x1E0]  }
0x159: {  	v0 =	vadd.f32 v3, v0  }
0x15a: {  	v3 =	vld [tilespmem:s14+$0x220]  }
0x15b: {  	v0 =	vadd.f32 v1, v0  }
0x15c: {  	v1 =	vld [tilespmem:s14+$0x260]  }
0x15d: {  	v0 =	vadd.f32 v2, v0;
	_ =	sdelay $0x1  }
0x15e: {  	v0 =	vadd.f32 v3, v0;
	_ =	sdelay $0x1  }
0x15f: {  	v0 =	vadd.f32 v1, v0;
	_ =	sdelay $0x1  }
0x160: {  	[tilespmem:s15+$0xFFFFFFE0] =	vst v0  }
0x161: {  	v0 =	vld [tilespmem:s20+$0x19420];
	_ =	sdelay $0x4  }
0x162: {  	[tilespmem:s15+$0x20] =	vst v0  }
0x163: {  	v0 =	vld [tilespmem:s14+$0xFFFFFDB0]  }
0x164: {  	v1 =	vld [tilespmem:s14+$0xFFFFFDF0]  }
0x165: {  	v2 =	vld [tilespmem:s14+$0xFFFFFE30]  }
0x166: {  	v3 =	vld [tilespmem:s14+$0xFFFFFE70]  }
0x167: {  	v4 =	vld [tilespmem:s14+$0xFFFFFEB0]  }
0x168: {  	v5 =	vld [tilespmem:s14+$0xFFFFFEF0]  }
0x169: {  	v0 =	vadd.f32 v1, v0;
	v1 =	vld [tilespmem:s14+$0xFFFFFF30]  }
0x16a: {  	v6 =	vld [tilespmem:s14+$0xFFFFFF70]  }
0x16b: {  	v0 =	vadd.f32 v2, v0;
	v2 =	vld [tilespmem:s14+$0xFFFFFFB0]  }
0x16c: {  	v7 =	vld [tilespmem:s14+$0xFFFFFFF0]  }
0x16d: {  	v0 =	vadd.f32 v3, v0;
	v3 =	vld [tilespmem:s14+$0x30]  }
0x16e: {  	v8 =	vld [tilespmem:s14+$0x70]  }
0x16f: {  	v0 =	vadd.f32 v4, v0;
	v4 =	vld [tilespmem:s14+$0xB0]  }
0x170: {  	v9 =	vld [tilespmem:s14+$0xF0]  }
0x171: {  	v0 =	vadd.f32 v5, v0;
	v5 =	vld [tilespmem:s14+$0x130]  }
0x172: {  	v10 =	vld [tilespmem:s14+$0x170]  }
0x173: {  	v0 =	vadd.f32 v1, v0;
	v1 =	vld [tilespmem:s14+$0x1B0]  }
0x174: {  	v11 =	vld [tilespmem:s14+$0x1F0]  }
0x175: {  	v0 =	vadd.f32 v6, v0;
	v6 =	vld [tilespmem:s14+$0x230]  }
0x176: {  	v12 =	vld [tilespmem:s14+$0x270]  }
0x177: {  	v0 =	vadd.f32 v2, v0;
	_ =	sdelay $0x1  }
0x178: {  	v0 =	vadd.f32 v7, v0;
	_ =	sdelay $0x1  }
0x179: {  	v0 =	vadd.f32 v3, v0;
	_ =	sdelay $0x1  }
0x17a: {  	v0 =	vadd.f32 v8, v0;
	_ =	sdelay $0x1  }
0x17b: {  	v0 =	vadd.f32 v4, v0;
	_ =	sdelay $0x1  }
0x17c: {  	v0 =	vadd.f32 v9, v0;
	_ =	sdelay $0x1  }
0x17d: {  	v0 =	vadd.f32 v5, v0;
	_ =	sdelay $0x1  }
0x17e: {  	v0 =	vadd.f32 v10, v0;
	_ =	sdelay $0x1  }
0x17f: {  	v0 =	vadd.f32 v1, v0;
	_ =	sdelay $0x1  }
0x180: {  	v0 =	vadd.f32 v11, v0;
	_ =	sdelay $0x1  }
0x181: {  	v0 =	vadd.f32 v6, v0  }
.Ltmp0:
0x182: {  	(pc) =	sbr.rel @p1 .LBB2_3-.Ltmp0, $3  }
0x183: {  	v0 =	vadd.f32 v12, v0;
	_ =	sdelay $0x1  }
0x184: {  	[tilespmem:s15+$0xFFFFFFF0] =	vst v0  }
0x185: {  	v0 =	vld [tilespmem:s20+$0x19430]  }
0x186: {  	_ =	sdelay $0x1  }
0x187: {  	p1 =	seq.s32 s12, $0xF  }
0x188: {  	s14 =	sshll.u32 s12, $0xA;
	s15 =	sadd.s32 @!p1 $0x2, s16  }
0x189: {  	s14 =	sadd.s32 s14, s6;
	s16 =	smul.u32 @!p1 $0xA00, s15;
	[tilespmem:s17+$0x30] =	vst v0  }
0x18a: {  	[hbm4b:s14+s2] =	stream.linear.scatter [tilespmem:s29], [sflag:$0x3], $0x1000, $0x38;
	[tilespmem:$0x1C400] =	vst v63  }
0x18b: {  	s17 =	simm.s32 @!p1 $0x5400;
	s14 =	sshra.s32 @!p1 s16, $0x2;
	s16 =	simm.s32 @!p1 $0x80  }
0x18c: {  	[tilespmem:s17], [sflag:$0x1] =	stream.indirect.gather @!p1 [hbm4b:s3+s16], $0x40, s14, s16, $0xb8;
	[tilespmem:$0x1C400] =	vst v63  }
0x18d: {  	s18 =	simm.s32 @!p1 $0x7400;
	s17 =	sadd.s32 @!p1 $0x80, s14  }
0x18e: {  	[tilespmem:s18], [sflag:$0x1] =	stream.indirect.gather @!p1 [hbm4b:s3+s16], $0x40, s17, s16, $0xb8;
	[tilespmem:$0x1C400] =	vst v63  }
0x18f: {  	s17 =	sadd.s32 @!p1 $0x100, s14;
	s18 =	simm.s32 @!p1 $0x9400  }
0x190: {  	[tilespmem:s18], [sflag:$0x1] =	stream.indirect.gather @!p1 [hbm4b:s3+s16], $0x40, s17, s16, $0xb8;
	[tilespmem:$0x1C400] =	vst v63  }
0x191: {  	s17 =	sadd.s32 @!p1 $0x180, s14;
	s18 =	simm.s32 @!p1 $0xB400  }
0x192: {  	[tilespmem:s18], [sflag:$0x1] =	stream.indirect.gather @!p1 [hbm4b:s3+s16], $0x40, s17, s16, $0xb8;
	[tilespmem:$0x1C400] =	vst v63  }
0x193: {  	s14 =	sadd.s32 @!p1 $0x200, s14;
	s17 =	simm.s32 @!p1 $0xD400  }
0x194: {  	[tilespmem:s17], [sflag:$0x1] =	stream.indirect.gather @!p1 [hbm4b:s3+s16], $0x40, s14, s16, $0xb8;
	[tilespmem:$0x1C400] =	vst v63  }
0x195: {  	s14 =	sshll.u32 @!p1 s15, $0x5  }
0x196: {  	s14 =	sand.u32 @!p1 $0x3FFFFFE0, s14  }
0x197: {  	s15 =	simm.s32 @!p1 $0x20;
	s16 =	simm.s32 @!p1 $0x19400;
	s14 =	sadd.s32 @!p1 $0x5000, s14  }
0x198: {  	[tilespmem:s16], [sflag:$0x1] =	stream.indirect.gather @!p1 [hbm4b:s3+s15], $0x40, s14, s15, $0xb8;
	[tilespmem:$0x1C400] =	vst v63  }
0x199: {  	_ =	swait.ge [sflag:s30], $0xA000  }
0x19a: {  	[sflag:s30] =	ssyncset.done $0x0  }
0x19b: {  	[sflag:s30] =	ssyncadd.s32 $0xFFFF6000  }
0x19c: {  	_ =	swait.ge [sflag:s30], $0x800  }
0x19d: {  	[sflag:s30] =	ssyncset.done $0x0  }
0x19e: {  	s14 =	simm.s32 @!p0 $0x4;
	[sflag:s30] =	ssyncadd.s32 $0xFFFFF800  }
0x19f: {  	_ =	swait.ge @!p0 [sflag:s14], $0x1000  }
0x1a0: {  	[sflag:s14] =	ssyncset.done @!p0 $0x0  }
0x1a1: {  	[sflag:s14] =	ssyncadd.s32 @!p0 $0xFFFFF000;
	s14 =	simm.s32 $0xF680  }
0x1a2: {  	v0 =	vld [tilespmem:s14+$0xFFFFFDC0]  }
0x1a3: {  	v1 =	vld [tilespmem:s14+$0xFFFFFD80];
	_ =	sdelay $0x1  }
0x1a4: {  	v2 =	vld [tilespmem:s14+$0xFFFFFE00];
	_ =	sdelay $0x1  }
0x1a5: {  	v3 =	vld [tilespmem:s14+$0xFFFFFE40]  }
0x1a6: {  	v0 =	vadd.f32 v0, v1  }
0x1a7: {  	v1 =	vld [tilespmem:s14+$0xFFFFFE80]  }
0x1a8: {  	v0 =	vadd.f32 v2, v0  }
0x1a9: {  	v2 =	vld [tilespmem:s14+$0xFFFFFEC0]  }
0x1aa: {  	v0 =	vadd.f32 v3, v0  }
0x1ab: {  	v3 =	vld [tilespmem:s14+$0xFFFFFF00]  }
0x1ac: {  	v0 =	vadd.f32 v1, v0  }
0x1ad: {  	v1 =	vld [tilespmem:s14+$0xFFFFFF40]  }
0x1ae: {  	v0 =	vadd.f32 v2, v0  }
0x1af: {  	v2 =	vld [tilespmem:s14+$0xFFFFFF80]  }
0x1b0: {  	v0 =	vadd.f32 v3, v0  }
0x1b1: {  	v3 =	vld [tilespmem:s14+$0xFFFFFFC0]  }
0x1b2: {  	v0 =	vadd.f32 v1, v0  }
0x1b3: {  	v1 =	vld [tilespmem:s14+$0x0]  }
0x1b4: {  	v0 =	vadd.f32 v2, v0  }
0x1b5: {  	v2 =	vld [tilespmem:s14+$0x40]  }
0x1b6: {  	v0 =	vadd.f32 v3, v0  }
0x1b7: {  	v3 =	vld [tilespmem:s14+$0x80]  }
0x1b8: {  	v0 =	vadd.f32 v1, v0  }
0x1b9: {  	v1 =	vld [tilespmem:s14+$0xC0]  }
0x1ba: {  	v0 =	vadd.f32 v2, v0  }
0x1bb: {  	v2 =	vld [tilespmem:s14+$0x100]  }
0x1bc: {  	v0 =	vadd.f32 v3, v0  }
0x1bd: {  	v3 =	vld [tilespmem:s14+$0x140]  }
0x1be: {  	v0 =	vadd.f32 v1, v0  }
0x1bf: {  	v1 =	vld [tilespmem:s14+$0x180]  }
0x1c0: {  	v0 =	vadd.f32 v2, v0  }
0x1c1: {  	v2 =	vld [tilespmem:s14+$0x1C0]  }
0x1c2: {  	v0 =	vadd.f32 v3, v0  }
0x1c3: {  	v3 =	vld [tilespmem:s14+$0x200]  }
0x1c4: {  	v0 =	vadd.f32 v1, v0  }
0x1c5: {  	v1 =	vld [tilespmem:s14+$0x240]  }
0x1c6: {  	v0 =	vadd.f32 v2, v0;
	_ =	sdelay $0x1  }
0x1c7: {  	v0 =	vadd.f32 v3, v0;
	_ =	sdelay $0x1  }
0x1c8: {  	v0 =	vadd.f32 v1, v0  }
0x1c9: {  	s15 =	simm.s32 $0x1B440  }
0x1ca: {  	s20 =	simm.s32 $0x0;
	[tilespmem:s15+$0xFFFFFFC0] =	vst v0  }
0x1cb: {  	v0 =	vld [tilespmem:s20+$0x19C00];
	_ =	sdelay $0x4  }
0x1cc: {  	[tilespmem:s15+$0x0] =	vst v0  }
0x1cd: {  	v0 =	vld [tilespmem:s14+$0xFFFFFD90]  }
0x1ce: {  	v1 =	vld [tilespmem:s14+$0xFFFFFDD0];
	_ =	sdelay $0x1  }
0x1cf: {  	v2 =	vld [tilespmem:s14+$0xFFFFFE10];
	_ =	sdelay $0x1  }
0x1d0: {  	v3 =	vld [tilespmem:s14+$0xFFFFFE50]  }
0x1d1: {  	v0 =	vadd.f32 v1, v0  }
0x1d2: {  	v1 =	vld [tilespmem:s14+$0xFFFFFE90]  }
0x1d3: {  	v0 =	vadd.f32 v2, v0  }
0x1d4: {  	v2 =	vld [tilespmem:s14+$0xFFFFFED0]  }
0x1d5: {  	v0 =	vadd.f32 v3, v0  }
0x1d6: {  	v3 =	vld [tilespmem:s14+$0xFFFFFF10]  }
0x1d7: {  	v0 =	vadd.f32 v1, v0  }
0x1d8: {  	v1 =	vld [tilespmem:s14+$0xFFFFFF50]  }
0x1d9: {  	v0 =	vadd.f32 v2, v0  }
0x1da: {  	v2 =	vld [tilespmem:s14+$0xFFFFFF90]  }
0x1db: {  	v0 =	vadd.f32 v3, v0  }
0x1dc: {  	v3 =	vld [tilespmem:s14+$0xFFFFFFD0]  }
0x1dd: {  	v0 =	vadd.f32 v1, v0  }
0x1de: {  	v1 =	vld [tilespmem:s14+$0x10]  }
0x1df: {  	v0 =	vadd.f32 v2, v0  }
0x1e0: {  	v2 =	vld [tilespmem:s14+$0x50]  }
0x1e1: {  	v0 =	vadd.f32 v3, v0  }
0x1e2: {  	v3 =	vld [tilespmem:s14+$0x90]  }
0x1e3: {  	v0 =	vadd.f32 v1, v0  }
0x1e4: {  	v1 =	vld [tilespmem:s14+$0xD0]  }
0x1e5: {  	v0 =	vadd.f32 v2, v0  }
0x1e6: {  	v2 =	vld [tilespmem:s14+$0x110]  }
0x1e7: {  	v0 =	vadd.f32 v3, v0  }
0x1e8: {  	v3 =	vld [tilespmem:s14+$0x150]  }
0x1e9: {  	v0 =	vadd.f32 v1, v0  }
0x1ea: {  	v1 =	vld [tilespmem:s14+$0x190]  }
0x1eb: {  	v0 =	vadd.f32 v2, v0  }
0x1ec: {  	v2 =	vld [tilespmem:s14+$0x1D0]  }
0x1ed: {  	v0 =	vadd.f32 v3, v0  }
0x1ee: {  	v3 =	vld [tilespmem:s14+$0x210]  }
0x1ef: {  	v0 =	vadd.f32 v1, v0  }
0x1f0: {  	v1 =	vld [tilespmem:s14+$0x250]  }
0x1f1: {  	v0 =	vadd.f32 v2, v0;
	_ =	sdelay $0x1  }
0x1f2: {  	v0 =	vadd.f32 v3, v0;
	_ =	sdelay $0x1  }
0x1f3: {  	v0 =	vadd.f32 v1, v0;
	_ =	sdelay $0x1  }
0x1f4: {  	[tilespmem:s15+$0xFFFFFFD0] =	vst v0  }
0x1f5: {  	v0 =	vld [tilespmem:s20+$0x19C10];
	_ =	sdelay $0x4  }
0x1f6: {  	[tilespmem:s15+$0x10] =	vst v0  }
0x1f7: {  	v0 =	vld [tilespmem:s14+$0xFFFFFDA0]  }
0x1f8: {  	v1 =	vld [tilespmem:s14+$0xFFFFFDE0];
	_ =	sdelay $0x1  }
0x1f9: {  	v2 =	vld [tilespmem:s14+$0xFFFFFE20];
	_ =	sdelay $0x1  }
0x1fa: {  	v3 =	vld [tilespmem:s14+$0xFFFFFE60]  }
0x1fb: {  	v0 =	vadd.f32 v1, v0  }
0x1fc: {  	v1 =	vld [tilespmem:s14+$0xFFFFFEA0]  }
0x1fd: {  	v0 =	vadd.f32 v2, v0  }
0x1fe: {  	v2 =	vld [tilespmem:s14+$0xFFFFFEE0]  }
0x1ff: {  	v0 =	vadd.f32 v3, v0  }
0x200: {  	v3 =	vld [tilespmem:s14+$0xFFFFFF20]  }
0x201: {  	v0 =	vadd.f32 v1, v0  }
0x202: {  	v1 =	vld [tilespmem:s14+$0xFFFFFF60]  }
0x203: {  	v0 =	vadd.f32 v2, v0  }
0x204: {  	v2 =	vld [tilespmem:s14+$0xFFFFFFA0]  }
0x205: {  	v0 =	vadd.f32 v3, v0  }
0x206: {  	v3 =	vld [tilespmem:s14+$0xFFFFFFE0]  }
0x207: {  	v0 =	vadd.f32 v1, v0  }
0x208: {  	v1 =	vld [tilespmem:s14+$0x20]  }
0x209: {  	v0 =	vadd.f32 v2, v0  }
0x20a: {  	v2 =	vld [tilespmem:s14+$0x60]  }
0x20b: {  	v0 =	vadd.f32 v3, v0  }
0x20c: {  	v3 =	vld [tilespmem:s14+$0xA0]  }
0x20d: {  	v0 =	vadd.f32 v1, v0  }
0x20e: {  	v1 =	vld [tilespmem:s14+$0xE0]  }
0x20f: {  	v0 =	vadd.f32 v2, v0  }
0x210: {  	v2 =	vld [tilespmem:s14+$0x120]  }
0x211: {  	v0 =	vadd.f32 v3, v0  }
0x212: {  	v3 =	vld [tilespmem:s14+$0x160]  }
0x213: {  	v0 =	vadd.f32 v1, v0  }
0x214: {  	v1 =	vld [tilespmem:s14+$0x1A0]  }
0x215: {  	v0 =	vadd.f32 v2, v0  }
0x216: {  	v2 =	vld [tilespmem:s14+$0x1E0]  }
0x217: {  	v0 =	vadd.f32 v3, v0  }
0x218: {  	v3 =	vld [tilespmem:s14+$0x220]  }
0x219: {  	v0 =	vadd.f32 v1, v0  }
0x21a: {  	v1 =	vld [tilespmem:s14+$0x260]  }
0x21b: {  	v0 =	vadd.f32 v2, v0;
	_ =	sdelay $0x1  }
0x21c: {  	v0 =	vadd.f32 v3, v0;
	_ =	sdelay $0x1  }
0x21d: {  	v0 =	vadd.f32 v1, v0;
	_ =	sdelay $0x1  }
0x21e: {  	[tilespmem:s15+$0xFFFFFFE0] =	vst v0  }
0x21f: {  	v0 =	vld [tilespmem:s20+$0x19C20];
	_ =	sdelay $0x4  }
0x220: {  	[tilespmem:s15+$0x20] =	vst v0  }
0x221: {  	v0 =	vld [tilespmem:s14+$0xFFFFFDB0]  }
0x222: {  	v1 =	vld [tilespmem:s14+$0xFFFFFDF0];
	_ =	sdelay $0x1  }
0x223: {  	v2 =	vld [tilespmem:s14+$0xFFFFFE30];
	_ =	sdelay $0x1  }
0x224: {  	v3 =	vld [tilespmem:s14+$0xFFFFFE70]  }
0x225: {  	v0 =	vadd.f32 v1, v0  }
0x226: {  	v1 =	vld [tilespmem:s14+$0xFFFFFEB0]  }
0x227: {  	v0 =	vadd.f32 v2, v0  }
0x228: {  	v2 =	vld [tilespmem:s14+$0xFFFFFEF0]  }
0x229: {  	v0 =	vadd.f32 v3, v0  }
0x22a: {  	v3 =	vld [tilespmem:s14+$0xFFFFFF30]  }
0x22b: {  	v0 =	vadd.f32 v1, v0  }
0x22c: {  	v1 =	vld [tilespmem:s14+$0xFFFFFF70]  }
0x22d: {  	v0 =	vadd.f32 v2, v0  }
0x22e: {  	v2 =	vld [tilespmem:s14+$0xFFFFFFB0]  }
0x22f: {  	v0 =	vadd.f32 v3, v0  }
0x230: {  	v3 =	vld [tilespmem:s14+$0xFFFFFFF0]  }
0x231: {  	v0 =	vadd.f32 v1, v0  }
0x232: {  	v1 =	vld [tilespmem:s14+$0x30]  }
0x233: {  	v0 =	vadd.f32 v2, v0  }
0x234: {  	v2 =	vld [tilespmem:s14+$0x70]  }
0x235: {  	v0 =	vadd.f32 v3, v0  }
0x236: {  	v3 =	vld [tilespmem:s14+$0xB0]  }
0x237: {  	v0 =	vadd.f32 v1, v0  }
0x238: {  	v1 =	vld [tilespmem:s14+$0xF0]  }
0x239: {  	v0 =	vadd.f32 v2, v0  }
0x23a: {  	v2 =	vld [tilespmem:s14+$0x130]  }
0x23b: {  	v0 =	vadd.f32 v3, v0  }
0x23c: {  	v3 =	vld [tilespmem:s14+$0x170]  }
0x23d: {  	v0 =	vadd.f32 v1, v0  }
0x23e: {  	v1 =	vld [tilespmem:s14+$0x1B0]  }
0x23f: {  	v0 =	vadd.f32 v2, v0  }
0x240: {  	v2 =	vld [tilespmem:s14+$0x1F0]  }
0x241: {  	v0 =	vadd.f32 v3, v0  }
0x242: {  	v3 =	vld [tilespmem:s14+$0x230]  }
0x243: {  	v0 =	vadd.f32 v1, v0  }
0x244: {  	v1 =	vld [tilespmem:s14+$0x270]  }
0x245: {  	v0 =	vadd.f32 v2, v0;
	_ =	sdelay $0x1  }
0x246: {  	v0 =	vadd.f32 v3, v0;
	_ =	sdelay $0x1  }
0x247: {  	v0 =	vadd.f32 v1, v0;
	_ =	sdelay $0x1  }
0x248: {  	[tilespmem:s15+$0xFFFFFFF0] =	vst v0  }
0x249: {  	s17 =	simm.s32 $0x1B440;
	s16 =	simm.s32 $0x100;
	v0 =	vld [tilespmem:s20+$0x19C30]  }
.LBB2_5:
0x24a: {  	p0 =	sne.s32 s16, $0x1F00;
	s15 =	sadd.s32 $0x80, s15;
	s14 =	sadd.s32 $0x500, s14  }
0x24b: {  	s18 =	smov.u32 s16;
	s16 =	sadd.s32 $0x100, s16;
	_ =	sdelay $0x2  }
0x24c: {  	[tilespmem:s17+$0x30] =	vst v0;
	s17 =	smov.u32 s15  }
0x24d: {  	v0 =	vld [tilespmem:s14+$0xFFFFFDC0]  }
0x24e: {  	v1 =	vld [tilespmem:s14+$0xFFFFFD80];
	_ =	sdelay $0x1  }
0x24f: {  	v2 =	vld [tilespmem:s14+$0xFFFFFE00];
	_ =	sdelay $0x1  }
0x250: {  	v3 =	vld [tilespmem:s14+$0xFFFFFE40]  }
0x251: {  	v0 =	vadd.f32 v0, v1  }
0x252: {  	v1 =	vld [tilespmem:s14+$0xFFFFFE80]  }
0x253: {  	v0 =	vadd.f32 v2, v0  }
0x254: {  	v2 =	vld [tilespmem:s14+$0xFFFFFEC0]  }
0x255: {  	v0 =	vadd.f32 v3, v0  }
0x256: {  	v3 =	vld [tilespmem:s14+$0xFFFFFF00]  }
0x257: {  	v0 =	vadd.f32 v1, v0  }
0x258: {  	v1 =	vld [tilespmem:s14+$0xFFFFFF40]  }
0x259: {  	v0 =	vadd.f32 v2, v0  }
0x25a: {  	v2 =	vld [tilespmem:s14+$0xFFFFFF80]  }
0x25b: {  	v0 =	vadd.f32 v3, v0  }
0x25c: {  	v3 =	vld [tilespmem:s14+$0xFFFFFFC0]  }
0x25d: {  	v0 =	vadd.f32 v1, v0  }
0x25e: {  	v1 =	vld [tilespmem:s14+$0x0]  }
0x25f: {  	v0 =	vadd.f32 v2, v0  }
0x260: {  	v2 =	vld [tilespmem:s14+$0x40]  }
0x261: {  	v0 =	vadd.f32 v3, v0  }
0x262: {  	v3 =	vld [tilespmem:s14+$0x80]  }
0x263: {  	v0 =	vadd.f32 v1, v0  }
0x264: {  	v1 =	vld [tilespmem:s14+$0xC0]  }
0x265: {  	v0 =	vadd.f32 v2, v0  }
0x266: {  	v2 =	vld [tilespmem:s14+$0x100]  }
0x267: {  	v0 =	vadd.f32 v3, v0  }
0x268: {  	v3 =	vld [tilespmem:s14+$0x140]  }
0x269: {  	v0 =	vadd.f32 v1, v0  }
0x26a: {  	v1 =	vld [tilespmem:s14+$0x180]  }
0x26b: {  	v0 =	vadd.f32 v2, v0  }
0x26c: {  	v2 =	vld [tilespmem:s14+$0x1C0]  }
0x26d: {  	v0 =	vadd.f32 v3, v0  }
0x26e: {  	v3 =	vld [tilespmem:s14+$0x200]  }
0x26f: {  	v0 =	vadd.f32 v1, v0  }
0x270: {  	v1 =	vld [tilespmem:s14+$0x240]  }
0x271: {  	v0 =	vadd.f32 v2, v0;
	_ =	sdelay $0x1  }
0x272: {  	v0 =	vadd.f32 v3, v0;
	_ =	sdelay $0x1  }
0x273: {  	v0 =	vadd.f32 v1, v0;
	_ =	sdelay $0x1  }
0x274: {  	s18 =	sshra.s32 s18, $0x2;
	[tilespmem:s15+$0xFFFFFFC0] =	vst v0  }
0x275: {  	v0 =	vld [tilespmem:s18+$0x19C00];
	_ =	sdelay $0x4  }
0x276: {  	[tilespmem:s15+$0x0] =	vst v0  }
0x277: {  	v0 =	vld [tilespmem:s14+$0xFFFFFD90]  }
0x278: {  	v1 =	vld [tilespmem:s14+$0xFFFFFDD0];
	_ =	sdelay $0x1  }
0x279: {  	v2 =	vld [tilespmem:s14+$0xFFFFFE10];
	_ =	sdelay $0x1  }
0x27a: {  	v3 =	vld [tilespmem:s14+$0xFFFFFE50]  }
0x27b: {  	v0 =	vadd.f32 v1, v0  }
0x27c: {  	v1 =	vld [tilespmem:s14+$0xFFFFFE90]  }
0x27d: {  	v0 =	vadd.f32 v2, v0  }
0x27e: {  	v2 =	vld [tilespmem:s14+$0xFFFFFED0]  }
0x27f: {  	v0 =	vadd.f32 v3, v0  }
0x280: {  	v3 =	vld [tilespmem:s14+$0xFFFFFF10]  }
0x281: {  	v0 =	vadd.f32 v1, v0  }
0x282: {  	v1 =	vld [tilespmem:s14+$0xFFFFFF50]  }
0x283: {  	v0 =	vadd.f32 v2, v0  }
0x284: {  	v2 =	vld [tilespmem:s14+$0xFFFFFF90]  }
0x285: {  	v0 =	vadd.f32 v3, v0  }
0x286: {  	v3 =	vld [tilespmem:s14+$0xFFFFFFD0]  }
0x287: {  	v0 =	vadd.f32 v1, v0  }
0x288: {  	v1 =	vld [tilespmem:s14+$0x10]  }
0x289: {  	v0 =	vadd.f32 v2, v0  }
0x28a: {  	v2 =	vld [tilespmem:s14+$0x50]  }
0x28b: {  	v0 =	vadd.f32 v3, v0  }
0x28c: {  	v3 =	vld [tilespmem:s14+$0x90]  }
0x28d: {  	v0 =	vadd.f32 v1, v0  }
0x28e: {  	v1 =	vld [tilespmem:s14+$0xD0]  }
0x28f: {  	v0 =	vadd.f32 v2, v0  }
0x290: {  	v2 =	vld [tilespmem:s14+$0x110]  }
0x291: {  	v0 =	vadd.f32 v3, v0  }
0x292: {  	v3 =	vld [tilespmem:s14+$0x150]  }
0x293: {  	v0 =	vadd.f32 v1, v0  }
0x294: {  	v1 =	vld [tilespmem:s14+$0x190]  }
0x295: {  	v0 =	vadd.f32 v2, v0  }
0x296: {  	v2 =	vld [tilespmem:s14+$0x1D0]  }
0x297: {  	v0 =	vadd.f32 v3, v0  }
0x298: {  	v3 =	vld [tilespmem:s14+$0x210]  }
0x299: {  	v0 =	vadd.f32 v1, v0  }
0x29a: {  	v1 =	vld [tilespmem:s14+$0x250]  }
0x29b: {  	v0 =	vadd.f32 v2, v0;
	_ =	sdelay $0x1  }
0x29c: {  	v0 =	vadd.f32 v3, v0;
	_ =	sdelay $0x1  }
0x29d: {  	v0 =	vadd.f32 v1, v0;
	_ =	sdelay $0x1  }
0x29e: {  	[tilespmem:s15+$0xFFFFFFD0] =	vst v0  }
0x29f: {  	v0 =	vld [tilespmem:s18+$0x19C10];
	_ =	sdelay $0x4  }
0x2a0: {  	[tilespmem:s15+$0x10] =	vst v0  }
0x2a1: {  	v0 =	vld [tilespmem:s14+$0xFFFFFDA0]  }
0x2a2: {  	v1 =	vld [tilespmem:s14+$0xFFFFFDE0];
	_ =	sdelay $0x1  }
0x2a3: {  	v2 =	vld [tilespmem:s14+$0xFFFFFE20];
	_ =	sdelay $0x1  }
0x2a4: {  	v3 =	vld [tilespmem:s14+$0xFFFFFE60]  }
0x2a5: {  	v0 =	vadd.f32 v1, v0  }
0x2a6: {  	v1 =	vld [tilespmem:s14+$0xFFFFFEA0]  }
0x2a7: {  	v0 =	vadd.f32 v2, v0  }
0x2a8: {  	v2 =	vld [tilespmem:s14+$0xFFFFFEE0]  }
0x2a9: {  	v0 =	vadd.f32 v3, v0  }
0x2aa: {  	v3 =	vld [tilespmem:s14+$0xFFFFFF20]  }
0x2ab: {  	v0 =	vadd.f32 v1, v0  }
0x2ac: {  	v1 =	vld [tilespmem:s14+$0xFFFFFF60]  }
0x2ad: {  	v0 =	vadd.f32 v2, v0  }
0x2ae: {  	v2 =	vld [tilespmem:s14+$0xFFFFFFA0]  }
0x2af: {  	v0 =	vadd.f32 v3, v0  }
0x2b0: {  	v3 =	vld [tilespmem:s14+$0xFFFFFFE0]  }
0x2b1: {  	v0 =	vadd.f32 v1, v0  }
0x2b2: {  	v1 =	vld [tilespmem:s14+$0x20]  }
0x2b3: {  	v0 =	vadd.f32 v2, v0  }
0x2b4: {  	v2 =	vld [tilespmem:s14+$0x60]  }
0x2b5: {  	v0 =	vadd.f32 v3, v0  }
0x2b6: {  	v3 =	vld [tilespmem:s14+$0xA0]  }
0x2b7: {  	v0 =	vadd.f32 v1, v0  }
0x2b8: {  	v1 =	vld [tilespmem:s14+$0xE0]  }
0x2b9: {  	v0 =	vadd.f32 v2, v0  }
0x2ba: {  	v2 =	vld [tilespmem:s14+$0x120]  }
0x2bb: {  	v0 =	vadd.f32 v3, v0  }
0x2bc: {  	v3 =	vld [tilespmem:s14+$0x160]  }
0x2bd: {  	v0 =	vadd.f32 v1, v0  }
0x2be: {  	v1 =	vld [tilespmem:s14+$0x1A0]  }
0x2bf: {  	v0 =	vadd.f32 v2, v0  }
0x2c0: {  	v2 =	vld [tilespmem:s14+$0x1E0]  }
0x2c1: {  	v0 =	vadd.f32 v3, v0  }
0x2c2: {  	v3 =	vld [tilespmem:s14+$0x220]  }
0x2c3: {  	v0 =	vadd.f32 v1, v0  }
0x2c4: {  	v1 =	vld [tilespmem:s14+$0x260]  }
0x2c5: {  	v0 =	vadd.f32 v2, v0;
	_ =	sdelay $0x1  }
0x2c6: {  	v0 =	vadd.f32 v3, v0;
	_ =	sdelay $0x1  }
0x2c7: {  	v0 =	vadd.f32 v1, v0;
	_ =	sdelay $0x1  }
0x2c8: {  	[tilespmem:s15+$0xFFFFFFE0] =	vst v0  }
0x2c9: {  	v0 =	vld [tilespmem:s18+$0x19C20];
	_ =	sdelay $0x4  }
0x2ca: {  	[tilespmem:s15+$0x20] =	vst v0  }
0x2cb: {  	v0 =	vld [tilespmem:s14+$0xFFFFFDB0]  }
0x2cc: {  	v1 =	vld [tilespmem:s14+$0xFFFFFDF0]  }
0x2cd: {  	v2 =	vld [tilespmem:s14+$0xFFFFFE30]  }
0x2ce: {  	v3 =	vld [tilespmem:s14+$0xFFFFFE70]  }
0x2cf: {  	v4 =	vld [tilespmem:s14+$0xFFFFFEB0]  }
0x2d0: {  	v5 =	vld [tilespmem:s14+$0xFFFFFEF0]  }
0x2d1: {  	v0 =	vadd.f32 v1, v0;
	v1 =	vld [tilespmem:s14+$0xFFFFFF30]  }
0x2d2: {  	v6 =	vld [tilespmem:s14+$0xFFFFFF70]  }
0x2d3: {  	v0 =	vadd.f32 v2, v0;
	v2 =	vld [tilespmem:s14+$0xFFFFFFB0]  }
0x2d4: {  	v7 =	vld [tilespmem:s14+$0xFFFFFFF0]  }
0x2d5: {  	v0 =	vadd.f32 v3, v0;
	v3 =	vld [tilespmem:s14+$0x30]  }
0x2d6: {  	v8 =	vld [tilespmem:s14+$0x70]  }
0x2d7: {  	v0 =	vadd.f32 v4, v0;
	v4 =	vld [tilespmem:s14+$0xB0]  }
0x2d8: {  	v9 =	vld [tilespmem:s14+$0xF0]  }
0x2d9: {  	v0 =	vadd.f32 v5, v0;
	v5 =	vld [tilespmem:s14+$0x130]  }
0x2da: {  	v10 =	vld [tilespmem:s14+$0x170]  }
0x2db: {  	v0 =	vadd.f32 v1, v0;
	v1 =	vld [tilespmem:s14+$0x1B0]  }
0x2dc: {  	v11 =	vld [tilespmem:s14+$0x1F0]  }
0x2dd: {  	v0 =	vadd.f32 v6, v0;
	v6 =	vld [tilespmem:s14+$0x230]  }
0x2de: {  	v12 =	vld [tilespmem:s14+$0x270]  }
0x2df: {  	v0 =	vadd.f32 v2, v0;
	_ =	sdelay $0x1  }
0x2e0: {  	v0 =	vadd.f32 v7, v0;
	_ =	sdelay $0x1  }
0x2e1: {  	v0 =	vadd.f32 v3, v0;
	_ =	sdelay $0x1  }
0x2e2: {  	v0 =	vadd.f32 v8, v0;
	_ =	sdelay $0x1  }
0x2e3: {  	v0 =	vadd.f32 v4, v0;
	_ =	sdelay $0x1  }
0x2e4: {  	v0 =	vadd.f32 v9, v0;
	_ =	sdelay $0x1  }
0x2e5: {  	v0 =	vadd.f32 v5, v0;
	_ =	sdelay $0x1  }
0x2e6: {  	v0 =	vadd.f32 v10, v0;
	_ =	sdelay $0x1  }
0x2e7: {  	v0 =	vadd.f32 v1, v0;
	_ =	sdelay $0x1  }
0x2e8: {  	v0 =	vadd.f32 v11, v0;
	_ =	sdelay $0x1  }
0x2e9: {  	v0 =	vadd.f32 v6, v0  }
.Ltmp1:
0x2ea: {  	(pc) =	sbr.rel @p0 .LBB2_5-.Ltmp1, $3  }
0x2eb: {  	v0 =	vadd.f32 v12, v0;
	_ =	sdelay $0x1  }
0x2ec: {  	[tilespmem:s15+$0xFFFFFFF0] =	vst v0  }
0x2ed: {  	v0 =	vld [tilespmem:s18+$0x19C30]  }
0x2ee: {  	s12 =	sadd.s32 $0x1, s12  }
0x2ef: {  	p0 =	sne.s32 s12, $0x10  }
.Ltmp2:
0x2f0: {  	_ = 	snop;
	(pc) =	sbr.rel @p0 .LBB2_2-.Ltmp2, $4  }
0x2f1: {  	_ = 	snop  }
0x2f2: {  	s13 =	sshll.u32 s13, $0x9  }
0x2f3: {  	s13 =	sadd.s32 s13, s6;
	[tilespmem:s17+$0x30] =	vst v0  }
0x2f4: {  	[hbm4b:s13+s2] =	stream.linear.scatter [tilespmem:s31], [sflag:$0x4], $0x1000, $0x38;
	[tilespmem:$0x1C400] =	vst v63  }
0x2f5: {  	s11 =	sadd.s32 $0x1, s11  }
0x2f6: {  	_ =	swait.ge [sflag:s1], $0x1000;
	p0 =	sne.s32 s11, s7  }
.Ltmp3:
0x2f7: {  	[sflag:s1] =	ssyncset.done $0x0;
	(pc) =	sbr.rel @p0 .LBB2_1-.Ltmp3, $4  }
0x2f8: {  	[sflag:s1] =	ssyncadd.s32 $0xFFFFF000  }
0x2f9: {  	_ =	swait.ge [sflag:s0], $0x1000  }
0x2fa: {  	[sflag:s0] =	ssyncset.done $0x0  }
0x2fb: {  	[sflag:s0] =	ssyncadd.s32 $0xFFFFF000  }
0x2fc: {  	_ =	sfence.sel $0x180000  }
0x2fd: {  	[bflag:$0x0] =	sbarrier.arrive $0xFFFF  }
0x2fe: {  	_ =	strace $0x9000004A  }
0x2ff: {  	s0 =	stileid.u32;
	[bflag:$0x2] =	sbarrier.arrive $0xFFFF  }
0x300: {  	p0 =	sne.s32 s0, $0x0;
	s0 =	rddreg [dreg:$0x1]  }
0x301: {  	s0 =	sadd.s32 @!p0 $0x100000, s0  }
0x302: {  	[sflag:s0] =	ssyncadd.tile.s32 @!p0 $0x1;
	_ =	shalt  }
.Lfunc_end2:
_tile_overlayer_lowered:
.L_overlay_start_2:
0x303: {  	(tag) =	ssettag $0x2  }
0x304: {  	s0 =	rddreg [dreg:$0x0];
	s2 =	stileid.u32  }
0x305: {  	s1 =	rddreg [dreg:$0x1];
	p0 =	sne.s32 s2, $0x0  }
0x306: {  	s3 =	rddreg [dreg:$0x2];
	[bflag:$0x3] =	sbarrier.arrive $0xFFFF;
	s2 =	simm.s32 @!p0 $0x1C05  }
0x307: {  	[timem:s3], [sflag:s2] =	dma.local @!p0 [hbm:s0], s1  }
0x308: {  	s0 =	simm.s32 @!p0 $0x5  }
0x309: {  	_ =	swait.ge @!p0 [sflag:s0], s1  }
0x30a: {  	s1 =	ssub.s32 @!p0 $0x0, s1;
	[sflag:s0] =	ssyncset.done @!p0 $0x0  }
0x30b: {  	[sflag:s0] =	ssyncadd.s32 @!p0 s1  }
0x30c: {  	[bflag:$0x3] =	sbarrier.arrive $0xFFFF  }
0x30d: {  	_ =	shalt  }

// kernel: sparse-core-data-format-call.cloned.1.call-start
scs
called_computation_lowered:
.L_overlay_start_0:
0x0: {  	s1 =	sld [smem:$0x3FD9]  }
0x1: {  	s2 =	sld [smem:$0x3FFE];
	_ =	sdelay $0x1  }
0x2: {  	s3 =	srdreg.scid  }
0x3: {  	s0 =	sand.u32 $0x1, s3  }
0x4: {  	s17 =	sshll.u32 s0, $0xA;
	s1 =	sadd.s32 s2, s1  }
0x5: {  	s1 =	sadd.s32 s1, s17  }
0x6: {  	[smem:$0x3FC1] =	sst s1  }
0x7: {  	_ = 	snop  }
0x8: {  	(tm) =	ssettm $0x1  }
0x9: {  	s18 =	sld [smem:$0x3FFB];
	_ =	sdelay $0x3  }
0xa: {  	_ =	strace s18  }
0xb: {  	s1 =	sld [smem:$0x3FFC];
	_ =	sdelay $0x3  }
0xc: {  	_ =	strace s1  }
0xd: {  	s1 =	sld [smem:$0x3FFD];
	_ =	sdelay $0x3  }
0xe: {  	_ =	strace s1  }
0xf: {  	_ =	strace $0x8FFFFFFF  }
0x10: {  	s19 =	sld [smem:$0x3FDB];
	_ =	sdelay $0x1  }
0x11: {  	s20 =	simm.s32 $_scs_section_size  }
0x12: {  	s4 =	simm.s32 $_size__tile_overlayer_lowered;
	s5 =	simm.s32 $_tile_overlayer_lowered  }
0x13: {  	s23 =	simm.s32 $0x1BFF;
	s22 =	sshll.u32 s5, $0x1;
	s1 =	sadd.s32 s20, s19  }
0x14: {  	s6 =	simm.s32 $0x0;
	s21 =	sshll.u32 s4, $0x1;
	s4 =	sadd.s32 s22, s1  }
0x15: {  	[timem:s6], [sflag:s23] =	dma.local [hbm:s4], s21  }
0x16: {  	_ =	swait.ge [sflag:s23], s21  }
0x17: {  	s2 =	ssub.s32 $0x0, s21;
	[sflag:s23] =	ssyncset.done $0x0  }
0x18: {  	[sflag:s23] =	ssyncadd.s32 s2;
	_ =	sdelay $0x1  }
0x19: {  	s24 =	simm.s32 $0x1B8B  }
0x1a: {  	_ =	swait.ge [sflag:s24], $0x1  }
0x1b: {  	[sflag:s24] =	ssyncset.done $0x0  }
0x1c: {  	s26 =	simm.s32 $0x1B8E;
	s25 =	sld [smem:$0x3FFE];
	[sflag:s24] =	ssyncadd.s32 $0xFFFFFFFF  }
0x1d: {  	s27 =	simm.s32 $execute0_lowered;
	[smem:$0x3FD2] =	sst s26  }
0x1e: {  	s4 =	sshll.u32 s27, $0x1;
	_ =	strace $0x80000046;
	[dreg:$0x1] =	wrdreg $0xFFFFFFFF  }
0x1f: {  	s28 =	simm.s32 $_size_execute0_lowered;
	s1 =	sadd.s32 s1, s4;
	[dreg:$0x0] =	wrdreg $0x0  }
0x20: {  	s4 =	sshll.u32 s28, $0x1;
	[dreg:$0x2] =	wrdreg s1  }
0x21: {  	[dreg:$0x3] =	wrdreg s4  }
0x22: {  	[dreg:$0x4] =	wrdreg $0xC0  }
0x23: {  	_ =	task [dreg:s6], $0x5FFFF  }
0x24: {  	[dreg:$0x1] =	wrdreg $0xFFFFFFFF  }
0x25: {  	[dreg:$0x0] =	wrdreg $0x60  }
0x26: {  	[dreg:$0x2] =	wrdreg s25  }
0x27: {  	[dreg:$0x3] =	wrdreg $0x9  }
0x28: {  	_ =	task.clear_ibuf [dreg:s6], $0x4FFFF;
	_ =	strace $0x90000046  }
0x29: {  	s29 =	simm.s32 $0x9;
	_ =	strace $0x80000048  }
0x2a: {  	_ =	swait.ge [sflag:s29], $0x1  }
0x2b: {  	[sflag:s29] =	ssyncadd.s32 $0xFFFFFFFF  }
0x2c: {  	_ =	strace $0x90000048  }
0x2d: {  	_ =	sfence  }
0x2e: {  	s30 =	sld [smem:$0x0];
	_ =	sdelay $0x2  }
0x2f: {  	s31 =	sshll.u32 s3, $0xD;
	s3 =	sshrl.u32 s3, $0x2  }
0x30: {  	s2 =	sand.u32 $0x4000, s31;
	s1 =	sadd.s32 s3, s30  }
0x31: {  	s0 =	sor.u32 s2, s0;
	s1 =	sshll.u32 s1, $0x11  }
0x32: {  	s0 =	sor.u32 s1, s0  }
0x33: {  	s0 =	sadd.s32 $0x8F2B, s0  }
0x34: {  	[sflag:s0] =	ssyncadd.remote.s32 $0x1  }
0x35: {  	_ =	sfence.sel $0xFFFF  }
0x36: {  	[dreg:$0x0] =	wrdreg $0xFFFFFFFF;
	(pc) =	sbr.abs _section_cstart, $3  }
0x37: {  	[dreg:$0x1] =	wrdreg $0xFFFFFFFF  }
0x38: {  	_ =	task.clear_ibuf [dreg:s6], $0x2FFFF;
	_ =	strace $0x9FFFFFFF  }
0x39: {  	(tm) =	ssettm $0x7FFFFFFF  }
tec
execute0_lowered:
.L_overlay_start_1:
0x0: {  	(tag) =	ssettag $0x1  }
0x1: {  	s0 =	srdreg.scid  }
0x2: {  	s4 =	rddreg [dreg:$0x0];
	s1 =	stileid.u32  }
0x3: {  	s5 =	simm.s32 $0x1;
	s7 =	simm.s32 $0x2;
	s14 =	simm.s32 $0x0  }
0x4: {  	p0 =	por $0x0, $0x0;
	s13 =	simm.s32 $0x0;
	s0 =	sshll.u32 s0, $0x4  }
0x5: {  	s8 =	simm.s32 $0x0;
	s9 =	simm.s32 $0x0;
	s2 =	sand.u32 $0x10, s0  }
.Ltmp0:
0x6: {  	s11 =	simm.s32 $0x0;
	s3 =	sor.u32 s1, s2;
	(pc) =	sbr.rel .LBB1_1-.Ltmp0, $4  }
0x7: {  	s12 =	simm.s32 $0x0;
	s0 =	rddreg [dreg:$0x1];
	s3 =	sshll.u32 s3, $0x7  }
0x8: {  	_ =	strace $0x80000047;
	s2 =	sadd.s32 $0x1200, s4;
	s6 =	ssub.s32 $0x30D00, s3  }
0x9: {  	s4 =	sadd.s32 $0x30EA00, s4;
	[sflag:s5] =	ssyncpa.u1 $0x0;
	s6 =	sshrl.u32 s6, $0xC  }
0xa: {  	[sflag:s7] =	ssyncpa.u1 $0x0;
	s10 =	smov.u32 s3;
	s7 =	sadd.s32 $0x2, s6  }
.LBB1_5:
0xb: {  	p1 =	slt.u32 s12, $0x2  }
0xc: {  	p2 =	sgt.s32 @!p1 s14, $0x30CC0  }
0xd: {  	s15 =	smov.u32 s14;
	s16 =	sshra.s32 @!p1 s14, $0x1F;
	p2 =	por !p2, p1  }
0xe: {  	s14 =	sand.u32 @!p1 s16, s14;
	s15 =	simm.s32 @p2 $0x30CC0  }
0xf: {  	s14 =	ssub.s32 @!p1 s15, s14;
	s15 =	ssub.s32 @!p1 $0x0, s13  }
0x10: {  	s17 =	smov.u32 s11;
	s16 =	sadd.s32 @!p1 $0xFFFCF340, s14;
	s13 =	smin.u32 @!p1 s13, s15  }
0x11: {  	s14 =	ssub.s32 @!p1 $0x30D40, s14;
	p2 =	sgt.s32 @!p1 s16, $0x7F;
	p3 =	sgt.s32 @!p1 s13, $0x7F  }
0x12: {  	s13 =	ssub.s32 @!p1 $0x80, s13;
	p2 =	por !p2, p1;
	p3 =	por !p3, p1  }
0x13: {  	s15 =	sadd.s32 $0x1000, s10;
	s14 =	simm.s32 @!p2 $0x0;
	s13 =	simm.s32 @!p3 $0x0  }
0x14: {  	p2 =	sgt.s32 s15, $0x30D3F;
	s13 =	smul.u32 @!p1 s13, s14;
	s14 =	sadd.s32 $0x80, s11  }
0x15: {  	s17 =	smov.u32 @p2 s14  }
0x16: {  	s15 =	smov.u32 @p2 s3;
	p2 =	sgt.s32 s17, $0x7F  }
0x17: {  	s17 =	simm.s32 @p2 $0x0;
	p2 =	sne.s32 s12, s7  }
.Ltmp1:
0x18: {  	p0 =	por !p0, !p0;
	s16 =	simm.s32 @!p1 $0x2;
	(pc) =	sbr.rel @!p2 .LBB1_6-.Ltmp1, $4  }
0x19: {  	s14 =	smov.u32 s8;
	s8 =	smov.u32 s10;
	s13 =	sand.u32 @!p1 $0x3FFFFFFF, s13  }
0x1a: {  	s10 =	smov.u32 s15;
	_ =	swait.ge @!p1 [sflag:s16], s13;
	s18 =	ssub.s32 @!p1 $0x0, s13  }
0x1b: {  	s13 =	smov.u32 s9;
	s12 =	sadd.s32 $0x1, s12;
	[sflag:s16] =	ssyncset.done @!p1 $0x0  }
0x1c: {  	s9 =	smov.u32 s11;
	s11 =	smov.u32 s17;
	[sflag:s16] =	ssyncadd.s32 @!p1 s18  }
.LBB1_1:
0x1d: {  	p1 =	sgt.u32 s12, s6  }
0x1e: {  	s15 =	sshrl.u32 @!p1 s11, $0x3  }
0x1f: {  	s16 =	sshll.u32 @!p1 s10, $0x3;
	s15 =	smul.u32 @!p1 $0x186C00, s15  }
0x20: {  	s17 =	sshll.u32 @!p1 s11, $0x7;
	s16 =	sand.u32 @!p1 $0xFFFFFC00, s16  }
0x21: {  	s15 =	sadd.s32 @!p1 s15, s16;
	s16 =	sand.u32 @!p1 $0x380, s17  }
0x22: {  	s15 =	sor.u32 @!p1 s16, s15  }
0x23: {  	s16 =	sshrl.u32 @!p1 s15, $0x7  }
0x24: {  	s16 =	smulhi.u32 @!p1 $0xA7B7EF, s16;
	_ =	sdelay $0x1  }
0x25: {  	s16 =	sshrl.u32 @!p1 s16, $0x2  }
0x26: {  	s17 =	sand.u32 @!p1 $0x7F, s10;
	s18 =	smul.u32 @!p1 $0x30D80, s16  }
0x27: {  	s15 =	sor.u32 @!p1 s17, s15;
	s17 =	sxor.u32 @!p1 $0xFFFFFFFF, s12  }
0x28: {  	s17 =	sshll.u32 @!p1 s17, $0xE;
	s16 =	sand.u32 @!p1 $0x7F, s16;
	s15 =	ssub.s32 @!p1 s15, s18  }
0x29: {  	s16 =	smul.u32 @!p1 $0x61B0, s16;
	s18 =	sshrl.u32 @!p1 s15, $0x3;
	s15 =	sand.u32 @!p1 $0x7, s15  }
0x2a: {  	s17 =	sand.u32 @!p1 $0x4000, s17;
	s18 =	sadd.s32 @!p1 s2, s18;
	s15 =	sshll.u32 @!p1 s15, $0x12  }
0x2b: {  	s16 =	sadd.s32 @!p1 s16, s18;
	s15 =	sor.u32 @!p1 $0x400, s15;
	s18 =	simm.s32 @!p1 $0x186C00  }
0x2c: {  	[tilespmem:s17], [sflag:$0x1] =	stream.strided.gather @!p1 [hbm4b:s16+s15], $0x4000, s18, s15, $0x38;
	[tilespmem:$0x10100] =	vst v63  }
0x2d: {  	p1 =	seq.s32 s12, $0x0  }
0x2e: {  	p2 =	sge.u32 @!p1 s12, s7  }
0x2f: {  	p1 =	por p1, p2  }
.Ltmp2:
0x30: {  	_ = 	snop;
	(pc) =	sbr.rel @p1 .LBB1_5-.Ltmp2, $1  }
0x31: {  	_ =	sdelay $0x3  }
0x32: {  	s15 =	simm.s32 $0x1  }
0x33: {  	_ =	swait.ge [sflag:s5], $0x4000;
	s15 =	simm.s32 @!p0 $0x0  }
0x34: {  	[sflag:s5] =	ssyncset.done $0x0;
	s16 =	sshll.u32 s15, $0xE  }
0x35: {  	[sflag:s5] =	ssyncadd.s32 $0xFFFFC000;
	s16 =	sor.u32 $0x40, s16  }
0x36: {  	s15 =	smul.u32 $0x10200, s15;
	v0 =	vld [tilespmem:s16+$0x30]  }
0x37: {  	v1 =	vld [tilespmem:s16+$0xFFFFFFD0]  }
0x38: {  	s15 =	sshrl.u32 s15, $0x2;
	v5 =	vld [tilespmem:s16+$0xFFFFFFE0]  }
0x39: {  	v6 =	vld [tilespmem:s16+$0xFFFFFFF0];
	s18 =	sor.u32 $0x8000, s15  }
0x3a: {  	s31 =	sand.u32 $0x1, s12;
	v4 =	vld [tilespmem:s16+$0x0];
	s17 =	sadd.s32 $0x0, s18  }
0x3b: {  	v3 =	vld [tilespmem:s16+$0x10];
	s15 =	smul.u32 $0x10200, s31;
	[tilespmem:s17+$0x3870 ss:$0x81] =	vst.msk $0xffff, v0  }
0x3c: {  	v2 =	vld [tilespmem:s16+$0x20];
	[tilespmem:s17+$0x810 ss:$0x81] =	vst.msk $0xffff, v1  }
0x3d: {  	s15 =	sshrl.u32 s15, $0x2;
	v0 =	vld [tilespmem:s16+$0xFFFFFFC0];
	[tilespmem:s17+$0x1020 ss:$0x81] =	vst.msk $0xffff, v5;
	s16 =	sadd.s32 $0x80, s16  }
0x3e: {  	s19 =	simm.s32 $0x4;
	s20 =	simm.s32 $0x8;
	s15 =	sor.u32 $0x8000, s15;
	[tilespmem:s17+$0x1830 ss:$0x81] =	vst.msk $0xffff, v6;
	v1 =	vld [tilespmem:s16+$0x30]  }
.LBB1_3:
0x3f: {  	p1 =	sne.s32 s20, $0x1FC;
	v5 =	vld [tilespmem:s16+$0xFFFFFFD0];
	[tilespmem:s17+$0x2040 ss:$0x81] =	vst.msk $0xffff, v4  }
0x40: {  	v6 =	vld [tilespmem:s16+$0xFFFFFFE0];
	[tilespmem:s17+$0x2850 ss:$0x81] =	vst.msk $0xffff, v3  }
0x41: {  	s21 =	sshra.s32 s19, $0x2;
	s19 =	smov.u32 s20;
	v7 =	vld [tilespmem:s16+$0xFFFFFFF0];
	[tilespmem:s17+$0x3060 ss:$0x81] =	vst.msk $0xffff, v2  }
.Ltmp3:
0x42: {  	v4 =	vld [tilespmem:s16+$0x0];
	[tilespmem:s17+$0x0 ss:$0x81] =	vst.msk $0xffff, v0;
	s17 =	sadd.s32 s21, s18;
	(pc) =	sbr.rel @p1 .LBB1_3-.Ltmp3, $4  }
0x43: {  	v3 =	vld [tilespmem:s16+$0x10];
	[tilespmem:s17+$0x3870 ss:$0x81] =	vst.msk $0xffff, v1  }
0x44: {  	[tilespmem:s17+$0x810 ss:$0x81] =	vst.msk $0xffff, v5;
	v2 =	vld [tilespmem:s16+$0x20]  }
0x45: {  	v0 =	vld [tilespmem:s16+$0xFFFFFFC0];
	[tilespmem:s17+$0x1020 ss:$0x81] =	vst.msk $0xffff, v6;
	s16 =	sadd.s32 $0x80, s16  }
0x46: {  	s20 =	sadd.s32 $0x4, s20;
	v1 =	vld [tilespmem:s16+$0x30];
	[tilespmem:s17+$0x1830 ss:$0x81] =	vst.msk $0xffff, v7  }
0x47: {  	s20 =	sshll.u32 s8, $0x7;
	s21 =	sshll.u32 s9, $0x3;
	s19 =	sshra.s32 s19, $0x2  }
0x48: {  	v5 =	vld [tilespmem:s16+$0xFFFFFFD0];
	[tilespmem:s17+$0x2040 ss:$0x81] =	vst.msk $0xffff, v4;
	p1 =	sgt.s32 s8, $0x30CC0;
	s22 =	sand.u32 $0xFFFFFC00, s20;
	s21 =	sand.u32 $0xFFFFFC00, s21  }
0x49: {  	v58 =	vld [tilespmem:s16+$0xFFFFFFE0];
	s24 =	sshra.s32 s8, $0x1F;
	s20 =	sand.u32 $0x380, s20;
	[tilespmem:s17+$0x2850 ss:$0x81] =	vst.msk $0xffff, v3;
	s21 =	sadd.s32 s21, s22  }
0x4a: {  	v59 =	vld [tilespmem:s16+$0xFFFFFFF0];
	s26 =	ssub.s32 $0x0, s9;
	s18 =	sadd.s32 s19, s18;
	[tilespmem:s17+$0x3060 ss:$0x81] =	vst.msk $0xffff, v2;
	s23 =	sor.u32 s20, s21  }
0x4b: {  	v60 =	vld [tilespmem:s16+$0x0];
	s28 =	smin.u32 s9, s26;
	s20 =	smov.u32 s8;
	[tilespmem:s17+$0x0 ss:$0x81] =	vst.msk $0xffff, v0;
	s19 =	sshrl.u32 s23, $0x7  }
0x4c: {  	v61 =	vld [tilespmem:s16+$0x10];
	s21 =	sand.u32 s24, s8;
	s20 =	simm.s32 @!p1 $0x30CC0;
	[tilespmem:s18+$0x3870 ss:$0x81] =	vst.msk $0xffff, v1;
	s25 =	smulhi.u32 $0x14F8B59, s19  }
0x4d: {  	v62 =	vld [tilespmem:s16+$0x20];
	s29 =	sshrl.u32 s9, $0x3;
	p2 =	sgt.s32 s28, $0x7F;
	s20 =	ssub.s32 s20, s21;
	[tilespmem:s18+$0x810 ss:$0x81] =	vst.msk $0xffff, v5  }
0x4e: {  	v63 =	vld [tilespmem:s16+$0xFFFFFFC0];
	[tilespmem:s18+$0x1020 ss:$0x81] =	vst.msk $0xffff, v58;
	s21 =	sadd.s32 $0xFFFCF340, s20;
	s20 =	ssub.s32 $0x30D40, s20;
	s17 =	sshrl.u32 s25, $0xA  }
0x4f: {  	[tilespmem:s18+$0x1830 ss:$0x81] =	vst.msk $0xffff, v59;
	p1 =	sgt.s32 s21, $0x7F;
	s27 =	smul.u32 $0x30D40, s17;
	s17 =	ssub.s32 $0x80, s28  }
.Ltmp4:
0x50: {  	[tilespmem:s18+$0x2040 ss:$0x81] =	vst.msk $0xffff, v60;
	s20 =	simm.s32 @p1 $0x0;
	s17 =	simm.s32 @p2 $0x0;
	(pc) =	sbr.rel .LBB1_5-.Ltmp4, $4  }
0x51: {  	s30 =	sand.u32 $0xF, s29;
	[tilespmem:s18+$0x2850 ss:$0x81] =	vst.msk $0xffff, v61;
	s16 =	ssub.s32 s19, s27;
	s17 =	smul.u32 s17, s20  }
0x52: {  	[tilespmem:s18+$0x3060 ss:$0x81] =	vst.msk $0xffff, v62;
	s19 =	sadd.s32 s4, s30;
	s16 =	sshll.u32 s16, $0x4  }
0x53: {  	s31 =	sand.u32 $0x7, s9;
	[tilespmem:s18+$0x0 ss:$0x81] =	vst.msk $0xffff, v63;
	s17 =	sand.u32 $0x3FFFFFFF, s17;
	s16 =	sadd.s32 s16, s19  }
0x54: {  	[hbm4b:s16+s31] =	stream.linear.scatter [tilespmem:s15], [sflag:$0x2], s17, $0x20;
	[tilespmem:$0x10100] =	vst v63  }
.LBB1_6:
0x55: {  	_ =	sfence.sel $0x180000  }
0x56: {  	s2 =	simm.s32 $0x1;
	[bflag:$0x0] =	sbarrier.arrive $0xFFFF  }
0x57: {  	s31 =	simm.s32 $0x2;
	[sflag:s2] =	ssyncpa.u1 $0x1  }
0x58: {  	[sflag:s31] =	ssyncpa.u1 $0x1  }
0x59: {  	p0 =	sne.s32 s1, $0x0;
	_ =	strace $0x90000047  }
0x5a: {  	s0 =	sadd.s32 @!p0 $0x100000, s0;
	[bflag:$0x2] =	sbarrier.arrive $0xFFFF  }
0x5b: {  	[sflag:s0] =	ssyncadd.tile.s32 @!p0 $0x1;
	_ =	shalt  }
.Lfunc_end1:
_tile_overlayer_lowered:
.L_overlay_start_2:
0x5c: {  	(tag) =	ssettag $0x2  }
0x5d: {  	s0 =	rddreg [dreg:$0x0];
	s2 =	stileid.u32  }
0x5e: {  	s1 =	rddreg [dreg:$0x1];
	p0 =	sne.s32 s2, $0x0  }
0x5f: {  	s3 =	rddreg [dreg:$0x2];
	[bflag:$0x3] =	sbarrier.arrive $0xFFFF;
	s2 =	simm.s32 @!p0 $0x1C01  }
0x60: {  	[timem:s3], [sflag:s2] =	dma.local @!p0 [hbm:s0], s1  }
0x61: {  	s0 =	simm.s32 @!p0 $0x1  }
0x62: {  	_ =	swait.ge @!p0 [sflag:s0], s1  }
0x63: {  	s1 =	ssub.s32 @!p0 $0x0, s1;
	[sflag:s0] =	ssyncset.done @!p0 $0x0  }
0x64: {  	[sflag:s0] =	ssyncadd.s32 @!p0 s1  }
0x65: {  	[bflag:$0x3] =	sbarrier.arrive $0xFFFF  }
0x66: {  	_ =	shalt  }

</sc_bundles>
